<compile_context>
chip_gen: v7x
topology: tpu7x:2x2x1
jax: 0.10.2.dev20260603
libtpu: 0.0.44.dev20260713+nightly
codegen_flags: <defaults>
</compile_context>

<pallas_src>
import jax
import jax.numpy as jnp
from jax import lax
from jax.experimental import pallas as pl
from jax.experimental.pallas import tpu as pltpu
from jax.experimental.pallas import tpu_sc as plsc

N_USERS = 1000000
N_ITEMS = 100
N_ITEMS_PAD = 112
N_FACTORS = 64
EMB_DIM = 16
BATCH = 16384

NC = 2
NS = 16
NW = NC * NS
CHUNK = BATCH // NW
NQ = 4
QB = CHUNK // NQ
L = 16
NG = CHUNK // L


def _sc_kernel_body(uidx_hbm, iidx_hbm, uf_hbm, if_hbm,
                    ub_hbm, ib_hbm, me_hbm, wvec_hbm, params_hbm,
                    out_hbm,
                    uidx_v, iidx_v, uf_v, ub_v, if_v, me_v,
                    ib_v, wvec_v, params_v, c_v, out_v, sem):
    wid = lax.axis_index("s") * NC + lax.axis_index("c")

    pltpu.sync_copy(uidx_hbm.at[pl.ds(wid * CHUNK, CHUNK)], uidx_v)
    pltpu.sync_copy(iidx_hbm.at[pl.ds(wid * CHUNK, CHUNK)], iidx_v)

    for q in range(NQ):
        pltpu.async_copy(uf_hbm.at[uidx_v.at[pl.ds(q * QB, QB)]],
                         uf_v.at[pl.ds(q * QB, QB)], sem)

    for q in range(NQ):
        pltpu.async_copy(ub_hbm.at[uidx_v.at[pl.ds(q * QB, QB)]],
                         ub_v.at[pl.ds(q * QB, QB)], sem)

    pltpu.sync_copy(if_hbm, if_v)
    pltpu.sync_copy(me_hbm, me_v)
    pltpu.sync_copy(ib_hbm, ib_v)
    pltpu.sync_copy(wvec_hbm, wvec_v)
    pltpu.sync_copy(params_hbm, params_v)

    params = params_v[:]
    w_cf = params[0]
    w_cb = params[1]
    b_content = params[2]
    g_bias = params[3]
    wvec = wvec_v[:]
    lanes = lax.iota(jnp.int32, 16)
    zeros_i = jnp.zeros((16,), jnp.int32)

    for t in range(N_ITEMS_PAD // L):
        j_lanes = t * L + lanes
        acc = jnp.zeros((16,), jnp.float32)
        for d in range(EMB_DIM):
            acc = acc + plsc.load_gather(me_v, [j_lanes, zeros_i + d]) * wvec[d]
        ib_lanes = ib_v[pl.ds(t * L, L)]
        c_v[pl.ds(t * L, L)] = w_cb * (acc + b_content) + ib_lanes + g_bias

    for q in range(NQ):
        pltpu.make_async_copy(uf_hbm.at[uidx_v.at[pl.ds(q * QB, QB)]],
                              uf_v.at[pl.ds(q * QB, QB)], sem).wait()
    for q in range(NQ):
        pltpu.make_async_copy(ub_hbm.at[uidx_v.at[pl.ds(q * QB, QB)]],
                              ub_v.at[pl.ds(q * QB, QB)], sem).wait()

    def group_body(g, _):
        row_lanes = g * L + lanes
        iidx_lanes = iidx_v[pl.ds(g * L, L)]
        a0 = jnp.zeros((16,), jnp.float32)
        a1 = jnp.zeros((16,), jnp.float32)
        a2 = jnp.zeros((16,), jnp.float32)
        a3 = jnp.zeros((16,), jnp.float32)
        accs = [a0, a1, a2, a3]
        for k in range(N_FACTORS):
            u_k = plsc.load_gather(uf_v, [row_lanes, zeros_i + k])
            v_k = plsc.load_gather(if_v, [iidx_lanes, zeros_i + k])
            accs[k % 4] = accs[k % 4] + u_k * v_k
        dot = (accs[0] + accs[1]) + (accs[2] + accs[3])
        c_lanes = plsc.load_gather(c_v, [iidx_lanes])
        ub_lanes = ub_v[pl.ds(g * L, L)]
        out_v[pl.ds(g * L, L)] = w_cf * dot + c_lanes + ub_lanes
        return _

    lax.fori_loop(0, NG, group_body, None)

    pltpu.sync_copy(out_v, out_hbm.at[pl.ds(wid * CHUNK, CHUNK)])


@jax.jit
def _run(uidx, iidx, user_factors, item_factors, user_bias,
         item_bias, movie_embeddings, wvec, params):
    mesh = plsc.VectorSubcoreMesh(core_axis_name="c", subcore_axis_name="s")
    f = pl.kernel(
        _sc_kernel_body,
        mesh=mesh,
        compiler_params=pltpu.CompilerParams(needs_layout_passes=False,
                                             use_tc_tiling_on_sc=False),
        out_type=jax.ShapeDtypeStruct((BATCH,), jnp.float32),
        scratch_types=[
            pltpu.VMEM((CHUNK,), jnp.int32),
            pltpu.VMEM((CHUNK,), jnp.int32),
            pltpu.VMEM((CHUNK, N_FACTORS), jnp.float32),
            pltpu.VMEM((CHUNK,), jnp.float32),
            pltpu.VMEM((N_ITEMS, N_FACTORS), jnp.float32),
            pltpu.VMEM((N_ITEMS_PAD, EMB_DIM), jnp.float32),
            pltpu.VMEM((N_ITEMS_PAD,), jnp.float32),
            pltpu.VMEM((EMB_DIM,), jnp.float32),
            pltpu.VMEM((16,), jnp.float32),
            pltpu.VMEM((N_ITEMS_PAD + 16,), jnp.float32),
            pltpu.VMEM((CHUNK,), jnp.float32),
            pltpu.SemaphoreType.DMA,
        ],
    )
    return f(uidx, iidx, user_factors, item_factors, user_bias,
             item_bias, movie_embeddings, wvec, params)


def kernel(user_idx, item_idx, user_factors, item_factors, user_bias,
           item_bias, global_bias, movie_embeddings, w_cf, w_cb, W_content,
           b_content):
    uidx = user_idx.astype(jnp.int32)
    iidx = item_idx.astype(jnp.int32)
    ib = jnp.pad(jnp.reshape(item_bias, (N_ITEMS,)),
                 (0, N_ITEMS_PAD - N_ITEMS))
    me = jnp.pad(movie_embeddings, ((0, N_ITEMS_PAD - N_ITEMS), (0, 0)))
    wvec = jnp.reshape(W_content, (EMB_DIM,))
    params = jnp.zeros((16,), jnp.float32)
    params = params.at[0].set(w_cf)
    params = params.at[1].set(w_cb)
    params = params.at[2].set(jnp.reshape(b_content, ())[()])
    params = params.at[3].set(jnp.reshape(global_bias, ())[()])
    ub0 = user_bias[:, 0]
    ub1 = jnp.where(ub0 != 0.0, ub0, 0.0)
    return _run(uidx, iidx, user_factors, item_factors, ub1,
                ib, me, wvec, params)

# --- scband reference (transcript-rebuilt; emitter-appended) ---
"""Pipeline reference for scband-hybrid-matrix-factorization-88330297409995 (READ-ONLY COPY).

The authoritative reference and input builder live on the scoring server;
editing this copy changes nothing except your own understanding.
"""

import jax, jax.numpy as jnp
import numpy as np

N_USERS = 1000000
N_ITEMS = 100
N_FACTORS = 64
EMB_DIM = 16
BATCH = 16384


def setup_inputs(seed: int = 0):
    key = jax.random.key(seed)
    ks = jax.random.split(key, 10)
    return {
        "user_idx": jax.random.randint(ks[0], (BATCH,), 0, N_USERS),
        "item_idx": jax.random.randint(ks[1], (BATCH,), 0, N_ITEMS),
        "user_factors": jax.random.normal(ks[2], (N_USERS, N_FACTORS), dtype=jnp.float32) * 0.02,
        "item_factors": jax.random.normal(ks[3], (N_ITEMS, N_FACTORS), dtype=jnp.float32) * 0.02,
        "user_bias": jax.random.normal(ks[4], (N_USERS, 1), dtype=jnp.float32) * 0.02,
        "item_bias": jax.random.normal(ks[5], (N_ITEMS, 1), dtype=jnp.float32) * 0.02,
        "global_bias": jnp.zeros((1,), dtype=jnp.float32),
        "movie_embeddings": jax.random.normal(ks[6], (N_ITEMS, EMB_DIM), dtype=jnp.float32),
        "w_cf": jnp.asarray(0.5, dtype=jnp.float32),
        "w_cb": jnp.asarray(0.5, dtype=jnp.float32),
        "W_content": jax.random.normal(ks[7], (EMB_DIM, 1), dtype=jnp.float32) * 0.1,
        "b_content": jnp.zeros((1,), dtype=jnp.float32),
    }


def reference(user_idx, item_idx, user_factors, item_factors, user_bias, item_bias, global_bias, movie_embeddings, w_cf, w_cb, W_content, b_content):
    user_h = jnp.take(user_factors, user_idx, axis=0)
    item_h = jnp.take(item_factors, item_idx, axis=0)
    cf_pred = jnp.sum(user_h * item_h, axis=1)
    cb_pred = jnp.squeeze(jnp.take(movie_embeddings, item_idx, axis=0) @ W_content + b_content, axis=-1)
    prediction = w_cf * cf_pred + w_cb * cb_pred
    item_b = jnp.squeeze(jnp.take(item_bias, item_idx, axis=0), axis=-1)
    user_b = jnp.squeeze(jnp.take(user_bias, user_idx, axis=0), axis=-1)
    prediction = prediction + item_b + user_b + global_bias
    return prediction

if __name__ == "__main__":
    import jax
    _d = setup_inputs()
    print(jax.jit(kernel)(*tuple(_d.values())))

</pallas_src>

<mosaic_0001>
#map = affine_map<(d0, d1) -> (0)>
#map1 = affine_map<(d0, d1) -> (0, 0)>
module attributes {stable_mosaic.version = 14 : i64} {
  func.func @_sc_kernel_body(%arg0: i32, %arg1: i32, %arg2: memref<16384xi32, #tpu.memory_space<hbm>>, %arg3: memref<16384xi32, #tpu.memory_space<hbm>>, %arg4: memref<1000000x64xf32, #tpu.memory_space<hbm>>, %arg5: memref<100x64xf32, #tpu.memory_space<hbm>>, %arg6: memref<1000000xf32, #tpu.memory_space<hbm>>, %arg7: memref<112xf32, #tpu.memory_space<hbm>>, %arg8: memref<112x16xf32, #tpu.memory_space<hbm>>, %arg9: memref<16xf32, #tpu.memory_space<hbm>>, %arg10: memref<16xf32, #tpu.memory_space<hbm>>, %arg11: memref<16384xf32, #tpu.memory_space<hbm>>, %arg12: memref<512xi32, #tpu.memory_space<vmem>>, %arg13: memref<512xi32, #tpu.memory_space<vmem>>, %arg14: memref<512x64xf32, #tpu.memory_space<vmem>>, %arg15: memref<512xf32, #tpu.memory_space<vmem>>, %arg16: memref<100x64xf32, #tpu.memory_space<vmem>>, %arg17: memref<112x16xf32, #tpu.memory_space<vmem>>, %arg18: memref<112xf32, #tpu.memory_space<vmem>>, %arg19: memref<16xf32, #tpu.memory_space<vmem>>, %arg20: memref<16xf32, #tpu.memory_space<vmem>>, %arg21: memref<128xf32, #tpu.memory_space<vmem>>, %arg22: memref<512xf32, #tpu.memory_space<vmem>>, %arg23: memref<!tpu.dma_semaphore, #tpu.memory_space<semaphore_mem>>) attributes {dimension_semantics = [#tpu.dimension_semantics<core_parallel>, #tpu.dimension_semantics<subcore_parallel>], iteration_bounds = array<i64: 2, 16>, scalar_prefetch = 0 : i64, scratch_operands = 12 : i64, tpu.core_type = #tpu.core_type<sc_vector_subcore>, window_params = [{transform_indices = #map}, {transform_indices = #map}, {transform_indices = #map1}, {transform_indices = #map1}, {transform_indices = #map}, {transform_indices = #map}, {transform_indices = #map1}, {transform_indices = #map}, {transform_indices = #map}, {transform_indices = #map}]} {
    %mul3A = arith.constant 2 : i32
    %mul3A_0 = arith.muli %arg1, %mul3A : i32
    %add3A = arith.addi %mul3A_0, %arg0 : i32
    %mul3A_1 = arith.constant 512 : i32
    %mul3A_2 = arith.muli %add3A, %mul3A_1 : i32
    "tpu.region"() ({
      %run_scoped3A = tpu.sem_alloc : memref<!tpu.dma_semaphore, #tpu.memory_space<semaphore_mem>>
      %dma_start3A_1249 = tpu.memref_slice %arg2[%mul3A_2] : memref<16384xi32, #tpu.memory_space<hbm>> -> memref<512xi32, #tpu.memory_space<hbm>>
      %dma_start3A_1250 = tpu.memref_slice %arg2[%mul3A_2] : memref<16384xi32, #tpu.memory_space<hbm>> -> memref<512xi32, #tpu.memory_space<hbm>>
      tpu.enqueue_dma source(%dma_start3A_1250 : memref<512xi32, #tpu.memory_space<hbm>>) target(%arg12 : memref<512xi32, #tpu.memory_space<vmem>>) target_semaphore(%run_scoped3A : memref<!tpu.dma_semaphore, #tpu.memory_space<semaphore_mem>>)
      %dma_wait3A_1251 = tpu.memref_slice %arg2[%mul3A_2] : memref<16384xi32, #tpu.memory_space<hbm>> -> memref<512xi32, #tpu.memory_space<hbm>>
      %dma_wait3A_1252 = tpu.memref_slice %arg2[%mul3A_2] : memref<16384xi32, #tpu.memory_space<hbm>> -> memref<512xi32, #tpu.memory_space<hbm>>
      tpu.wait_dma2 semaphore(%run_scoped3A : memref<!tpu.dma_semaphore, #tpu.memory_space<semaphore_mem>>) src(%dma_wait3A_1252 : memref<512xi32, #tpu.memory_space<hbm>>) dst(%arg12 : memref<512xi32, #tpu.memory_space<vmem>>)
      tpu.yield
    }) : () -> ()
    %mul3A_3 = arith.constant 512 : i32
    %mul3A_4 = arith.muli %add3A, %mul3A_3 : i32
    "tpu.region"() ({
      %run_scoped3A = tpu.sem_alloc : memref<!tpu.dma_semaphore, #tpu.memory_space<semaphore_mem>>
      %dma_start3A_1249 = tpu.memref_slice %arg3[%mul3A_4] : memref<16384xi32, #tpu.memory_space<hbm>> -> memref<512xi32, #tpu.memory_space<hbm>>
      %dma_start3A_1250 = tpu.memref_slice %arg3[%mul3A_4] : memref<16384xi32, #tpu.memory_space<hbm>> -> memref<512xi32, #tpu.memory_space<hbm>>
      tpu.enqueue_dma source(%dma_start3A_1250 : memref<512xi32, #tpu.memory_space<hbm>>) target(%arg13 : memref<512xi32, #tpu.memory_space<vmem>>) target_semaphore(%run_scoped3A : memref<!tpu.dma_semaphore, #tpu.memory_space<semaphore_mem>>)
      %dma_wait3A_1251 = tpu.memref_slice %arg3[%mul3A_4] : memref<16384xi32, #tpu.memory_space<hbm>> -> memref<512xi32, #tpu.memory_space<hbm>>
      %dma_wait3A_1252 = tpu.memref_slice %arg3[%mul3A_4] : memref<16384xi32, #tpu.memory_space<hbm>> -> memref<512xi32, #tpu.memory_space<hbm>>
      tpu.wait_dma2 semaphore(%run_scoped3A : memref<!tpu.dma_semaphore, #tpu.memory_space<semaphore_mem>>) src(%dma_wait3A_1252 : memref<512xi32, #tpu.memory_space<hbm>>) dst(%arg13 : memref<512xi32, #tpu.memory_space<vmem>>)
      tpu.yield
    }) : () -> ()
    %dma_start3A = arith.constant 0 : i32
    %dma_start3A_5 = arith.constant 0 : i32
    %dma_start3A_6 = tpu.memref_slice %arg14[%dma_start3A, %dma_start3A_5] : memref<512x64xf32, #tpu.memory_space<vmem>> -> memref<128x64xf32, #tpu.memory_space<vmem>>
    %dma_start3A_7 = arith.constant 0 : i32
    %dma_start3A_8 = tpu.memref_slice %arg12[%dma_start3A_7] : memref<512xi32, #tpu.memory_space<vmem>> -> memref<128xi32, #tpu.memory_space<vmem>>
    %dma_start3A_9 = arith.constant 0 : i32
    %dma_start3A_10 = arith.constant 0 : i32
    %dma_start3A_11 = tpu.memref_slice %arg4[%dma_start3A_9, %dma_start3A_10] : memref<1000000x64xf32, #tpu.memory_space<hbm>> -> memref<1000000x64xf32, #tpu.memory_space<hbm>>
    tpu.enqueue_indirect_dma source(%dma_start3A_11 : memref<1000000x64xf32, #tpu.memory_space<hbm>>) target(%dma_start3A_6 : memref<128x64xf32, #tpu.memory_space<vmem>>) offsets(%dma_start3A_8 : memref<128xi32, #tpu.memory_space<vmem>>) semaphore(%arg23 : memref<!tpu.dma_semaphore, #tpu.memory_space<semaphore_mem>>)
    %dma_start3A_12 = arith.constant 128 : i32
    %dma_start3A_13 = arith.constant 0 : i32
    %dma_start3A_14 = tpu.memref_slice %arg14[%dma_start3A_12, %dma_start3A_13] : memref<512x64xf32, #tpu.memory_space<vmem>> -> memref<128x64xf32, #tpu.memory_space<vmem>>
    %dma_start3A_15 = arith.constant 128 : i32
    %dma_start3A_16 = tpu.memref_slice %arg12[%dma_start3A_15] : memref<512xi32, #tpu.memory_space<vmem>> -> memref<128xi32, #tpu.memory_space<vmem>>
    %dma_start3A_17 = arith.constant 0 : i32
    %dma_start3A_18 = arith.constant 0 : i32
    %dma_start3A_19 = tpu.memref_slice %arg4[%dma_start3A_17, %dma_start3A_18] : memref<1000000x64xf32, #tpu.memory_space<hbm>> -> memref<1000000x64xf32, #tpu.memory_space<hbm>>
    tpu.enqueue_indirect_dma source(%dma_start3A_19 : memref<1000000x64xf32, #tpu.memory_space<hbm>>) target(%dma_start3A_14 : memref<128x64xf32, #tpu.memory_space<vmem>>) offsets(%dma_start3A_16 : memref<128xi32, #tpu.memory_space<vmem>>) semaphore(%arg23 : memref<!tpu.dma_semaphore, #tpu.memory_space<semaphore_mem>>)
    %dma_start3A_20 = arith.constant 256 : i32
    %dma_start3A_21 = arith.constant 0 : i32
    %dma_start3A_22 = tpu.memref_slice %arg14[%dma_start3A_20, %dma_start3A_21] : memref<512x64xf32, #tpu.memory_space<vmem>> -> memref<128x64xf32, #tpu.memory_space<vmem>>
    %dma_start3A_23 = arith.constant 256 : i32
    %dma_start3A_24 = tpu.memref_slice %arg12[%dma_start3A_23] : memref<512xi32, #tpu.memory_space<vmem>> -> memref<128xi32, #tpu.memory_space<vmem>>
    %dma_start3A_25 = arith.constant 0 : i32
    %dma_start3A_26 = arith.constant 0 : i32
    %dma_start3A_27 = tpu.memref_slice %arg4[%dma_start3A_25, %dma_start3A_26] : memref<1000000x64xf32, #tpu.memory_space<hbm>> -> memref<1000000x64xf32, #tpu.memory_space<hbm>>
    tpu.enqueue_indirect_dma source(%dma_start3A_27 : memref<1000000x64xf32, #tpu.memory_space<hbm>>) target(%dma_start3A_22 : memref<128x64xf32, #tpu.memory_space<vmem>>) offsets(%dma_start3A_24 : memref<128xi32, #tpu.memory_space<vmem>>) semaphore(%arg23 : memref<!tpu.dma_semaphore, #tpu.memory_space<semaphore_mem>>)
    %dma_start3A_28 = arith.constant 384 : i32
    %dma_start3A_29 = arith.constant 0 : i32
    %dma_start3A_30 = tpu.memref_slice %arg14[%dma_start3A_28, %dma_start3A_29] : memref<512x64xf32, #tpu.memory_space<vmem>> -> memref<128x64xf32, #tpu.memory_space<vmem>>
    %dma_start3A_31 = arith.constant 384 : i32
    %dma_start3A_32 = tpu.memref_slice %arg12[%dma_start3A_31] : memref<512xi32, #tpu.memory_space<vmem>> -> memref<128xi32, #tpu.memory_space<vmem>>
    %dma_start3A_33 = arith.constant 0 : i32
    %dma_start3A_34 = arith.constant 0 : i32
    %dma_start3A_35 = tpu.memref_slice %arg4[%dma_start3A_33, %dma_start3A_34] : memref<1000000x64xf32, #tpu.memory_space<hbm>> -> memref<1000000x64xf32, #tpu.memory_space<hbm>>
    tpu.enqueue_indirect_dma source(%dma_start3A_35 : memref<1000000x64xf32, #tpu.memory_space<hbm>>) target(%dma_start3A_30 : memref<128x64xf32, #tpu.memory_space<vmem>>) offsets(%dma_start3A_32 : memref<128xi32, #tpu.memory_space<vmem>>) semaphore(%arg23 : memref<!tpu.dma_semaphore, #tpu.memory_space<semaphore_mem>>)
    %dma_start3A_36 = arith.constant 0 : i32
    %dma_start3A_37 = tpu.memref_slice %arg15[%dma_start3A_36] : memref<512xf32, #tpu.memory_space<vmem>> -> memref<128xf32, #tpu.memory_space<vmem>>
    %dma_start3A_38 = arith.constant 0 : i32
    %dma_start3A_39 = tpu.memref_slice %arg12[%dma_start3A_38] : memref<512xi32, #tpu.memory_space<vmem>> -> memref<128xi32, #tpu.memory_space<vmem>>
    %dma_start3A_40 = arith.constant 0 : i32
    %dma_start3A_41 = tpu.memref_slice %arg6[%dma_start3A_40] : memref<1000000xf32, #tpu.memory_space<hbm>> -> memref<1000000xf32, #tpu.memory_space<hbm>>
    tpu.enqueue_indirect_dma source(%dma_start3A_41 : memref<1000000xf32, #tpu.memory_space<hbm>>) target(%dma_start3A_37 : memref<128xf32, #tpu.memory_space<vmem>>) offsets(%dma_start3A_39 : memref<128xi32, #tpu.memory_space<vmem>>) semaphore(%arg23 : memref<!tpu.dma_semaphore, #tpu.memory_space<semaphore_mem>>)
    %dma_start3A_42 = arith.constant 128 : i32
    %dma_start3A_43 = tpu.memref_slice %arg15[%dma_start3A_42] : memref<512xf32, #tpu.memory_space<vmem>> -> memref<128xf32, #tpu.memory_space<vmem>>
    %dma_start3A_44 = arith.constant 128 : i32
    %dma_start3A_45 = tpu.memref_slice %arg12[%dma_start3A_44] : memref<512xi32, #tpu.memory_space<vmem>> -> memref<128xi32, #tpu.memory_space<vmem>>
    %dma_start3A_46 = arith.constant 0 : i32
    %dma_start3A_47 = tpu.memref_slice %arg6[%dma_start3A_46] : memref<1000000xf32, #tpu.memory_space<hbm>> -> memref<1000000xf32, #tpu.memory_space<hbm>>
    tpu.enqueue_indirect_dma source(%dma_start3A_47 : memref<1000000xf32, #tpu.memory_space<hbm>>) target(%dma_start3A_43 : memref<128xf32, #tpu.memory_space<vmem>>) offsets(%dma_start3A_45 : memref<128xi32, #tpu.memory_space<vmem>>) semaphore(%arg23 : memref<!tpu.dma_semaphore, #tpu.memory_space<semaphore_mem>>)
    %dma_start3A_48 = arith.constant 256 : i32
    %dma_start3A_49 = tpu.memref_slice %arg15[%dma_start3A_48] : memref<512xf32, #tpu.memory_space<vmem>> -> memref<128xf32, #tpu.memory_space<vmem>>
    %dma_start3A_50 = arith.constant 256 : i32
    %dma_start3A_51 = tpu.memref_slice %arg12[%dma_start3A_50] : memref<512xi32, #tpu.memory_space<vmem>> -> memref<128xi32, #tpu.memory_space<vmem>>
    %dma_start3A_52 = arith.constant 0 : i32
    %dma_start3A_53 = tpu.memref_slice %arg6[%dma_start3A_52] : memref<1000000xf32, #tpu.memory_space<hbm>> -> memref<1000000xf32, #tpu.memory_space<hbm>>
    tpu.enqueue_indirect_dma source(%dma_start3A_53 : memref<1000000xf32, #tpu.memory_space<hbm>>) target(%dma_start3A_49 : memref<128xf32, #tpu.memory_space<vmem>>) offsets(%dma_start3A_51 : memref<128xi32, #tpu.memory_space<vmem>>) semaphore(%arg23 : memref<!tpu.dma_semaphore, #tpu.memory_space<semaphore_mem>>)
    %dma_start3A_54 = arith.constant 384 : i32
    %dma_start3A_55 = tpu.memref_slice %arg15[%dma_start3A_54] : memref<512xf32, #tpu.memory_space<vmem>> -> memref<128xf32, #tpu.memory_space<vmem>>
    %dma_start3A_56 = arith.constant 384 : i32
    %dma_start3A_57 = tpu.memref_slice %arg12[%dma_start3A_56] : memref<512xi32, #tpu.memory_space<vmem>> -> memref<128xi32, #tpu.memory_space<vmem>>
    %dma_start3A_58 = arith.constant 0 : i32
    %dma_start3A_59 = tpu.memref_slice %arg6[%dma_start3A_58] : memref<1000000xf32, #tpu.memory_space<hbm>> -> memref<1000000xf32, #tpu.memory_space<hbm>>
    tpu.enqueue_indirect_dma source(%dma_start3A_59 : memref<1000000xf32, #tpu.memory_space<hbm>>) target(%dma_start3A_55 : memref<128xf32, #tpu.memory_space<vmem>>) offsets(%dma_start3A_57 : memref<128xi32, #tpu.memory_space<vmem>>) semaphore(%arg23 : memref<!tpu.dma_semaphore, #tpu.memory_space<semaphore_mem>>)
    "tpu.region"() ({
      %run_scoped3A = tpu.sem_alloc : memref<!tpu.dma_semaphore, #tpu.memory_space<semaphore_mem>>
      tpu.enqueue_dma source(%arg5 : memref<100x64xf32, #tpu.memory_space<hbm>>) target(%arg16 : memref<100x64xf32, #tpu.memory_space<vmem>>) target_semaphore(%run_scoped3A : memref<!tpu.dma_semaphore, #tpu.memory_space<semaphore_mem>>)
      tpu.wait_dma2 semaphore(%run_scoped3A : memref<!tpu.dma_semaphore, #tpu.memory_space<semaphore_mem>>) src(%arg5 : memref<100x64xf32, #tpu.memory_space<hbm>>) dst(%arg16 : memref<100x64xf32, #tpu.memory_space<vmem>>)
      tpu.yield
    }) : () -> ()
    "tpu.region"() ({
      %run_scoped3A = tpu.sem_alloc : memref<!tpu.dma_semaphore, #tpu.memory_space<semaphore_mem>>
      tpu.enqueue_dma source(%arg8 : memref<112x16xf32, #tpu.memory_space<hbm>>) target(%arg17 : memref<112x16xf32, #tpu.memory_space<vmem>>) target_semaphore(%run_scoped3A : memref<!tpu.dma_semaphore, #tpu.memory_space<semaphore_mem>>)
      tpu.wait_dma2 semaphore(%run_scoped3A : memref<!tpu.dma_semaphore, #tpu.memory_space<semaphore_mem>>) src(%arg8 : memref<112x16xf32, #tpu.memory_space<hbm>>) dst(%arg17 : memref<112x16xf32, #tpu.memory_space<vmem>>)
      tpu.yield
    }) : () -> ()
    "tpu.region"() ({
      %run_scoped3A = tpu.sem_alloc : memref<!tpu.dma_semaphore, #tpu.memory_space<semaphore_mem>>
      tpu.enqueue_dma source(%arg7 : memref<112xf32, #tpu.memory_space<hbm>>) target(%arg18 : memref<112xf32, #tpu.memory_space<vmem>>) target_semaphore(%run_scoped3A : memref<!tpu.dma_semaphore, #tpu.memory_space<semaphore_mem>>)
      tpu.wait_dma2 semaphore(%run_scoped3A : memref<!tpu.dma_semaphore, #tpu.memory_space<semaphore_mem>>) src(%arg7 : memref<112xf32, #tpu.memory_space<hbm>>) dst(%arg18 : memref<112xf32, #tpu.memory_space<vmem>>)
      tpu.yield
    }) : () -> ()
    "tpu.region"() ({
      %run_scoped3A = tpu.sem_alloc : memref<!tpu.dma_semaphore, #tpu.memory_space<semaphore_mem>>
      tpu.enqueue_dma source(%arg9 : memref<16xf32, #tpu.memory_space<hbm>>) target(%arg19 : memref<16xf32, #tpu.memory_space<vmem>>) target_semaphore(%run_scoped3A : memref<!tpu.dma_semaphore, #tpu.memory_space<semaphore_mem>>)
      tpu.wait_dma2 semaphore(%run_scoped3A : memref<!tpu.dma_semaphore, #tpu.memory_space<semaphore_mem>>) src(%arg9 : memref<16xf32, #tpu.memory_space<hbm>>) dst(%arg19 : memref<16xf32, #tpu.memory_space<vmem>>)
      tpu.yield
    }) : () -> ()
    "tpu.region"() ({
      %run_scoped3A = tpu.sem_alloc : memref<!tpu.dma_semaphore, #tpu.memory_space<semaphore_mem>>
      tpu.enqueue_dma source(%arg10 : memref<16xf32, #tpu.memory_space<hbm>>) target(%arg20 : memref<16xf32, #tpu.memory_space<vmem>>) target_semaphore(%run_scoped3A : memref<!tpu.dma_semaphore, #tpu.memory_space<semaphore_mem>>)
      tpu.wait_dma2 semaphore(%run_scoped3A : memref<!tpu.dma_semaphore, #tpu.memory_space<semaphore_mem>>) src(%arg10 : memref<16xf32, #tpu.memory_space<hbm>>) dst(%arg20 : memref<16xf32, #tpu.memory_space<vmem>>)
      tpu.yield
    }) : () -> ()
    %get3A = arith.constant 0 : index
    %get3A_60 = tpu.vector_load %arg20[%get3A] {strides = array<i32>} : memref<16xf32, #tpu.memory_space<vmem>>, vector<16xf32>,
    %slice3A = vector.extract_strided_slice %get3A_60 {offsets = [0], sizes = [1], strides = [1]} : vector<16xf32> to vector<1xf32>
    %squeeze3A = vector.extract %slice3A[0] : f32 from vector<1xf32>
    %slice3A_61 = vector.extract_strided_slice %get3A_60 {offsets = [1], sizes = [1], strides = [1]} : vector<16xf32> to vector<1xf32>
    %squeeze3A_62 = vector.extract %slice3A_61[0] : f32 from vector<1xf32>
    %slice3A_63 = vector.extract_strided_slice %get3A_60 {offsets = [2], sizes = [1], strides = [1]} : vector<16xf32> to vector<1xf32>
    %squeeze3A_64 = vector.extract %slice3A_63[0] : f32 from vector<1xf32>
    %slice3A_65 = vector.extract_strided_slice %get3A_60 {offsets = [3], sizes = [1], strides = [1]} : vector<16xf32> to vector<1xf32>
    %squeeze3A_66 = vector.extract %slice3A_65[0] : f32 from vector<1xf32>
    %get3A_67 = arith.constant 0 : index
    %get3A_68 = tpu.vector_load %arg19[%get3A_67] {strides = array<i32>} : memref<16xf32, #tpu.memory_space<vmem>>, vector<16xf32>,
    %iota3A = tpu.iota {dimensions = array<i32: 0>} : vector<16xi32>
    %broadcast_in_dim3A = arith.constant 0 : i32
    %broadcast_in_dim3A_69 = vector.broadcast %broadcast_in_dim3A : i32 to vector<16xi32>
    %add3A_70 = arith.constant 0 : i32
    %add3A_71 = vector.broadcast %add3A_70 : i32 to vector<16xi32>
    %add3A_72 = arith.addi %add3A_71, %iota3A : vector<16xi32>
    %broadcast_in_dim3A_73 = arith.constant 0.000000e+00 : f32
    %broadcast_in_dim3A_74 = vector.broadcast %broadcast_in_dim3A_73 : f32 to vector<16xf32>
    %add3A_75 = arith.constant 0 : i32
    %add3A_76 = vector.broadcast %add3A_75 : i32 to vector<16xi32>
    %add3A_77 = arith.addi %broadcast_in_dim3A_69, %add3A_76 : vector<16xi32>
    %gather3A = tpu.vector_load_idx %arg17[%add3A_72, %add3A_77] : memref<112x16xf32, #tpu.memory_space<vmem>>[vector<16xi32>, vector<16xi32>], vector<16xf32>,
    %slice3A_78 = vector.extract_strided_slice %get3A_68 {offsets = [0], sizes = [1], strides = [1]} : vector<16xf32> to vector<1xf32>
    %squeeze3A_79 = vector.extract %slice3A_78[0] : f32 from vector<1xf32>
    %mul3A_80 = vector.broadcast %squeeze3A_79 : f32 to vector<16xf32>
    %mul3A_81 = arith.mulf %gather3A, %mul3A_80 : vector<16xf32>
    %add3A_82 = arith.addf %broadcast_in_dim3A_74, %mul3A_81 : vector<16xf32>
    %add3A_83 = arith.constant 1 : i32
    %add3A_84 = vector.broadcast %add3A_83 : i32 to vector<16xi32>
    %add3A_85 = arith.addi %broadcast_in_dim3A_69, %add3A_84 : vector<16xi32>
    %gather3A_86 = tpu.vector_load_idx %arg17[%add3A_72, %add3A_85] : memref<112x16xf32, #tpu.memory_space<vmem>>[vector<16xi32>, vector<16xi32>], vector<16xf32>,
    %slice3A_87 = vector.extract_strided_slice %get3A_68 {offsets = [1], sizes = [1], strides = [1]} : vector<16xf32> to vector<1xf32>
    %squeeze3A_88 = vector.extract %slice3A_87[0] : f32 from vector<1xf32>
    %mul3A_89 = vector.broadcast %squeeze3A_88 : f32 to vector<16xf32>
    %mul3A_90 = arith.mulf %gather3A_86, %mul3A_89 : vector<16xf32>
    %add3A_91 = arith.addf %add3A_82, %mul3A_90 : vector<16xf32>
    %add3A_92 = arith.constant 2 : i32
    %add3A_93 = vector.broadcast %add3A_92 : i32 to vector<16xi32>
    %add3A_94 = arith.addi %broadcast_in_dim3A_69, %add3A_93 : vector<16xi32>
    %gather3A_95 = tpu.vector_load_idx %arg17[%add3A_72, %add3A_94] : memref<112x16xf32, #tpu.memory_space<vmem>>[vector<16xi32>, vector<16xi32>], vector<16xf32>,
    %slice3A_96 = vector.extract_strided_slice %get3A_68 {offsets = [2], sizes = [1], strides = [1]} : vector<16xf32> to vector<1xf32>
    %squeeze3A_97 = vector.extract %slice3A_96[0] : f32 from vector<1xf32>
    %mul3A_98 = vector.broadcast %squeeze3A_97 : f32 to vector<16xf32>
    %mul3A_99 = arith.mulf %gather3A_95, %mul3A_98 : vector<16xf32>
    %add3A_100 = arith.addf %add3A_91, %mul3A_99 : vector<16xf32>
    %add3A_101 = arith.constant 3 : i32
    %add3A_102 = vector.broadcast %add3A_101 : i32 to vector<16xi32>
    %add3A_103 = arith.addi %broadcast_in_dim3A_69, %add3A_102 : vector<16xi32>
    %gather3A_104 = tpu.vector_load_idx %arg17[%add3A_72, %add3A_103] : memref<112x16xf32, #tpu.memory_space<vmem>>[vector<16xi32>, vector<16xi32>], vector<16xf32>,
    %slice3A_105 = vector.extract_strided_slice %get3A_68 {offsets = [3], sizes = [1], strides = [1]} : vector<16xf32> to vector<1xf32>
    %squeeze3A_106 = vector.extract %slice3A_105[0] : f32 from vector<1xf32>
    %mul3A_107 = vector.broadcast %squeeze3A_106 : f32 to vector<16xf32>
    %mul3A_108 = arith.mulf %gather3A_104, %mul3A_107 : vector<16xf32>
    %add3A_109 = arith.addf %add3A_100, %mul3A_108 : vector<16xf32>
    %add3A_110 = arith.constant 4 : i32
    %add3A_111 = vector.broadcast %add3A_110 : i32 to vector<16xi32>
    %add3A_112 = arith.addi %broadcast_in_dim3A_69, %add3A_111 : vector<16xi32>
    %gather3A_113 = tpu.vector_load_idx %arg17[%add3A_72, %add3A_112] : memref<112x16xf32, #tpu.memory_space<vmem>>[vector<16xi32>, vector<16xi32>], vector<16xf32>,
    %slice3A_114 = vector.extract_strided_slice %get3A_68 {offsets = [4], sizes = [1], strides = [1]} : vector<16xf32> to vector<1xf32>
    %squeeze3A_115 = vector.extract %slice3A_114[0] : f32 from vector<1xf32>
    %mul3A_116 = vector.broadcast %squeeze3A_115 : f32 to vector<16xf32>
    %mul3A_117 = arith.mulf %gather3A_113, %mul3A_116 : vector<16xf32>
    %add3A_118 = arith.addf %add3A_109, %mul3A_117 : vector<16xf32>
    %add3A_119 = arith.constant 5 : i32
    %add3A_120 = vector.broadcast %add3A_119 : i32 to vector<16xi32>
    %add3A_121 = arith.addi %broadcast_in_dim3A_69, %add3A_120 : vector<16xi32>
    %gather3A_122 = tpu.vector_load_idx %arg17[%add3A_72, %add3A_121] : memref<112x16xf32, #tpu.memory_space<vmem>>[vector<16xi32>, vector<16xi32>], vector<16xf32>,
    %slice3A_123 = vector.extract_strided_slice %get3A_68 {offsets = [5], sizes = [1], strides = [1]} : vector<16xf32> to vector<1xf32>
    %squeeze3A_124 = vector.extract %slice3A_123[0] : f32 from vector<1xf32>
    %mul3A_125 = vector.broadcast %squeeze3A_124 : f32 to vector<16xf32>
    %mul3A_126 = arith.mulf %gather3A_122, %mul3A_125 : vector<16xf32>
    %add3A_127 = arith.addf %add3A_118, %mul3A_126 : vector<16xf32>
    %add3A_128 = arith.constant 6 : i32
    %add3A_129 = vector.broadcast %add3A_128 : i32 to vector<16xi32>
    %add3A_130 = arith.addi %broadcast_in_dim3A_69, %add3A_129 : vector<16xi32>
    %gather3A_131 = tpu.vector_load_idx %arg17[%add3A_72, %add3A_130] : memref<112x16xf32, #tpu.memory_space<vmem>>[vector<16xi32>, vector<16xi32>], vector<16xf32>,
    %slice3A_132 = vector.extract_strided_slice %get3A_68 {offsets = [6], sizes = [1], strides = [1]} : vector<16xf32> to vector<1xf32>
    %squeeze3A_133 = vector.extract %slice3A_132[0] : f32 from vector<1xf32>
    %mul3A_134 = vector.broadcast %squeeze3A_133 : f32 to vector<16xf32>
    %mul3A_135 = arith.mulf %gather3A_131, %mul3A_134 : vector<16xf32>
    %add3A_136 = arith.addf %add3A_127, %mul3A_135 : vector<16xf32>
    %add3A_137 = arith.constant 7 : i32
    %add3A_138 = vector.broadcast %add3A_137 : i32 to vector<16xi32>
    %add3A_139 = arith.addi %broadcast_in_dim3A_69, %add3A_138 : vector<16xi32>
    %gather3A_140 = tpu.vector_load_idx %arg17[%add3A_72, %add3A_139] : memref<112x16xf32, #tpu.memory_space<vmem>>[vector<16xi32>, vector<16xi32>], vector<16xf32>,
    %slice3A_141 = vector.extract_strided_slice %get3A_68 {offsets = [7], sizes = [1], strides = [1]} : vector<16xf32> to vector<1xf32>
    %squeeze3A_142 = vector.extract %slice3A_141[0] : f32 from vector<1xf32>
    %mul3A_143 = vector.broadcast %squeeze3A_142 : f32 to vector<16xf32>
    %mul3A_144 = arith.mulf %gather3A_140, %mul3A_143 : vector<16xf32>
    %add3A_145 = arith.addf %add3A_136, %mul3A_144 : vector<16xf32>
    %add3A_146 = arith.constant 8 : i32
    %add3A_147 = vector.broadcast %add3A_146 : i32 to vector<16xi32>
    %add3A_148 = arith.addi %broadcast_in_dim3A_69, %add3A_147 : vector<16xi32>
    %gather3A_149 = tpu.vector_load_idx %arg17[%add3A_72, %add3A_148] : memref<112x16xf32, #tpu.memory_space<vmem>>[vector<16xi32>, vector<16xi32>], vector<16xf32>,
    %slice3A_150 = vector.extract_strided_slice %get3A_68 {offsets = [8], sizes = [1], strides = [1]} : vector<16xf32> to vector<1xf32>
    %squeeze3A_151 = vector.extract %slice3A_150[0] : f32 from vector<1xf32>
    %mul3A_152 = vector.broadcast %squeeze3A_151 : f32 to vector<16xf32>
    %mul3A_153 = arith.mulf %gather3A_149, %mul3A_152 : vector<16xf32>
    %add3A_154 = arith.addf %add3A_145, %mul3A_153 : vector<16xf32>
    %add3A_155 = arith.constant 9 : i32
    %add3A_156 = vector.broadcast %add3A_155 : i32 to vector<16xi32>
    %add3A_157 = arith.addi %broadcast_in_dim3A_69, %add3A_156 : vector<16xi32>
    %gather3A_158 = tpu.vector_load_idx %arg17[%add3A_72, %add3A_157] : memref<112x16xf32, #tpu.memory_space<vmem>>[vector<16xi32>, vector<16xi32>], vector<16xf32>,
    %slice3A_159 = vector.extract_strided_slice %get3A_68 {offsets = [9], sizes = [1], strides = [1]} : vector<16xf32> to vector<1xf32>
    %squeeze3A_160 = vector.extract %slice3A_159[0] : f32 from vector<1xf32>
    %mul3A_161 = vector.broadcast %squeeze3A_160 : f32 to vector<16xf32>
    %mul3A_162 = arith.mulf %gather3A_158, %mul3A_161 : vector<16xf32>
    %add3A_163 = arith.addf %add3A_154, %mul3A_162 : vector<16xf32>
    %add3A_164 = arith.constant 10 : i32
    %add3A_165 = vector.broadcast %add3A_164 : i32 to vector<16xi32>
    %add3A_166 = arith.addi %broadcast_in_dim3A_69, %add3A_165 : vector<16xi32>
    %gather3A_167 = tpu.vector_load_idx %arg17[%add3A_72, %add3A_166] : memref<112x16xf32, #tpu.memory_space<vmem>>[vector<16xi32>, vector<16xi32>], vector<16xf32>,
    %slice3A_168 = vector.extract_strided_slice %get3A_68 {offsets = [10], sizes = [1], strides = [1]} : vector<16xf32> to vector<1xf32>
    %squeeze3A_169 = vector.extract %slice3A_168[0] : f32 from vector<1xf32>
    %mul3A_170 = vector.broadcast %squeeze3A_169 : f32 to vector<16xf32>
    %mul3A_171 = arith.mulf %gather3A_167, %mul3A_170 : vector<16xf32>
    %add3A_172 = arith.addf %add3A_163, %mul3A_171 : vector<16xf32>
    %add3A_173 = arith.constant 11 : i32
    %add3A_174 = vector.broadcast %add3A_173 : i32 to vector<16xi32>
    %add3A_175 = arith.addi %broadcast_in_dim3A_69, %add3A_174 : vector<16xi32>
    %gather3A_176 = tpu.vector_load_idx %arg17[%add3A_72, %add3A_175] : memref<112x16xf32, #tpu.memory_space<vmem>>[vector<16xi32>, vector<16xi32>], vector<16xf32>,
    %slice3A_177 = vector.extract_strided_slice %get3A_68 {offsets = [11], sizes = [1], strides = [1]} : vector<16xf32> to vector<1xf32>
    %squeeze3A_178 = vector.extract %slice3A_177[0] : f32 from vector<1xf32>
    %mul3A_179 = vector.broadcast %squeeze3A_178 : f32 to vector<16xf32>
    %mul3A_180 = arith.mulf %gather3A_176, %mul3A_179 : vector<16xf32>
    %add3A_181 = arith.addf %add3A_172, %mul3A_180 : vector<16xf32>
    %add3A_182 = arith.constant 12 : i32
    %add3A_183 = vector.broadcast %add3A_182 : i32 to vector<16xi32>
    %add3A_184 = arith.addi %broadcast_in_dim3A_69, %add3A_183 : vector<16xi32>
    %gather3A_185 = tpu.vector_load_idx %arg17[%add3A_72, %add3A_184] : memref<112x16xf32, #tpu.memory_space<vmem>>[vector<16xi32>, vector<16xi32>], vector<16xf32>,
    %slice3A_186 = vector.extract_strided_slice %get3A_68 {offsets = [12], sizes = [1], strides = [1]} : vector<16xf32> to vector<1xf32>
    %squeeze3A_187 = vector.extract %slice3A_186[0] : f32 from vector<1xf32>
    %mul3A_188 = vector.broadcast %squeeze3A_187 : f32 to vector<16xf32>
    %mul3A_189 = arith.mulf %gather3A_185, %mul3A_188 : vector<16xf32>
    %add3A_190 = arith.addf %add3A_181, %mul3A_189 : vector<16xf32>
    %add3A_191 = arith.constant 13 : i32
    %add3A_192 = vector.broadcast %add3A_191 : i32 to vector<16xi32>
    %add3A_193 = arith.addi %broadcast_in_dim3A_69, %add3A_192 : vector<16xi32>
    %gather3A_194 = tpu.vector_load_idx %arg17[%add3A_72, %add3A_193] : memref<112x16xf32, #tpu.memory_space<vmem>>[vector<16xi32>, vector<16xi32>], vector<16xf32>,
    %slice3A_195 = vector.extract_strided_slice %get3A_68 {offsets = [13], sizes = [1], strides = [1]} : vector<16xf32> to vector<1xf32>
    %squeeze3A_196 = vector.extract %slice3A_195[0] : f32 from vector<1xf32>
    %mul3A_197 = vector.broadcast %squeeze3A_196 : f32 to vector<16xf32>
    %mul3A_198 = arith.mulf %gather3A_194, %mul3A_197 : vector<16xf32>
    %add3A_199 = arith.addf %add3A_190, %mul3A_198 : vector<16xf32>
    %add3A_200 = arith.constant 14 : i32
    %add3A_201 = vector.broadcast %add3A_200 : i32 to vector<16xi32>
    %add3A_202 = arith.addi %broadcast_in_dim3A_69, %add3A_201 : vector<16xi32>
    %gather3A_203 = tpu.vector_load_idx %arg17[%add3A_72, %add3A_202] : memref<112x16xf32, #tpu.memory_space<vmem>>[vector<16xi32>, vector<16xi32>], vector<16xf32>,
    %slice3A_204 = vector.extract_strided_slice %get3A_68 {offsets = [14], sizes = [1], strides = [1]} : vector<16xf32> to vector<1xf32>
    %squeeze3A_205 = vector.extract %slice3A_204[0] : f32 from vector<1xf32>
    %mul3A_206 = vector.broadcast %squeeze3A_205 : f32 to vector<16xf32>
    %mul3A_207 = arith.mulf %gather3A_203, %mul3A_206 : vector<16xf32>
    %add3A_208 = arith.addf %add3A_199, %mul3A_207 : vector<16xf32>
    %add3A_209 = arith.constant 15 : i32
    %add3A_210 = vector.broadcast %add3A_209 : i32 to vector<16xi32>
    %add3A_211 = arith.addi %broadcast_in_dim3A_69, %add3A_210 : vector<16xi32>
    %gather3A_212 = tpu.vector_load_idx %arg17[%add3A_72, %add3A_211] : memref<112x16xf32, #tpu.memory_space<vmem>>[vector<16xi32>, vector<16xi32>], vector<16xf32>,
    %slice3A_213 = vector.extract_strided_slice %get3A_68 {offsets = [15], sizes = [1], strides = [1]} : vector<16xf32> to vector<1xf32>
    %squeeze3A_214 = vector.extract %slice3A_213[0] : f32 from vector<1xf32>
    %mul3A_215 = vector.broadcast %squeeze3A_214 : f32 to vector<16xf32>
    %mul3A_216 = arith.mulf %gather3A_212, %mul3A_215 : vector<16xf32>
    %add3A_217 = arith.addf %add3A_208, %mul3A_216 : vector<16xf32>
    %get3A_218 = arith.constant 0 : index
    %get3A_219 = tpu.vector_load %arg18[%get3A_218] {strides = array<i32>} : memref<112xf32, #tpu.memory_space<vmem>>, vector<16xf32>,
    %add3A_220 = vector.broadcast %squeeze3A_64 : f32 to vector<16xf32>
    %add3A_221 = arith.addf %add3A_217, %add3A_220 : vector<16xf32>
    %mul3A_222 = vector.broadcast %squeeze3A_62 : f32 to vector<16xf32>
    %mul3A_223 = arith.mulf %mul3A_222, %add3A_221 : vector<16xf32>
    %add3A_224 = arith.addf %mul3A_223, %get3A_219 : vector<16xf32>
    %add3A_225 = vector.broadcast %squeeze3A_66 : f32 to vector<16xf32>
    %add3A_226 = arith.addf %add3A_224, %add3A_225 : vector<16xf32>
    %swap3A = arith.constant 0 : index
    %swap3A_227 = tpu.vector_load %arg21[%swap3A] {strides = array<i32>} : memref<128xf32, #tpu.memory_space<vmem>>, vector<16xf32>,
    tpu.vector_store %arg21[%swap3A], %add3A_226 {strides = array<i32>} : memref<128xf32, #tpu.memory_space<vmem>>, vector<16xf32>,
    %add3A_228 = arith.constant 16 : i32
    %add3A_229 = vector.broadcast %add3A_228 : i32 to vector<16xi32>
    %add3A_230 = arith.addi %add3A_229, %iota3A : vector<16xi32>
    %broadcast_in_dim3A_231 = arith.constant 0.000000e+00 : f32
    %broadcast_in_dim3A_232 = vector.broadcast %broadcast_in_dim3A_231 : f32 to vector<16xf32>
    %add3A_233 = arith.constant 0 : i32
    %add3A_234 = vector.broadcast %add3A_233 : i32 to vector<16xi32>
    %add3A_235 = arith.addi %broadcast_in_dim3A_69, %add3A_234 : vector<16xi32>
    %gather3A_236 = tpu.vector_load_idx %arg17[%add3A_230, %add3A_235] : memref<112x16xf32, #tpu.memory_space<vmem>>[vector<16xi32>, vector<16xi32>], vector<16xf32>,
    %slice3A_237 = vector.extract_strided_slice %get3A_68 {offsets = [0], sizes = [1], strides = [1]} : vector<16xf32> to vector<1xf32>
    %squeeze3A_238 = vector.extract %slice3A_237[0] : f32 from vector<1xf32>
    %mul3A_239 = vector.broadcast %squeeze3A_238 : f32 to vector<16xf32>
    %mul3A_240 = arith.mulf %gather3A_236, %mul3A_239 : vector<16xf32>
    %add3A_241 = arith.addf %broadcast_in_dim3A_232, %mul3A_240 : vector<16xf32>
    %add3A_242 = arith.constant 1 : i32
    %add3A_243 = vector.broadcast %add3A_242 : i32 to vector<16xi32>
    %add3A_244 = arith.addi %broadcast_in_dim3A_69, %add3A_243 : vector<16xi32>
    %gather3A_245 = tpu.vector_load_idx %arg17[%add3A_230, %add3A_244] : memref<112x16xf32, #tpu.memory_space<vmem>>[vector<16xi32>, vector<16xi32>], vector<16xf32>,
    %slice3A_246 = vector.extract_strided_slice %get3A_68 {offsets = [1], sizes = [1], strides = [1]} : vector<16xf32> to vector<1xf32>
    %squeeze3A_247 = vector.extract %slice3A_246[0] : f32 from vector<1xf32>
    %mul3A_248 = vector.broadcast %squeeze3A_247 : f32 to vector<16xf32>
    %mul3A_249 = arith.mulf %gather3A_245, %mul3A_248 : vector<16xf32>
    %add3A_250 = arith.addf %add3A_241, %mul3A_249 : vector<16xf32>
    %add3A_251 = arith.constant 2 : i32
    %add3A_252 = vector.broadcast %add3A_251 : i32 to vector<16xi32>
    %add3A_253 = arith.addi %broadcast_in_dim3A_69, %add3A_252 : vector<16xi32>
    %gather3A_254 = tpu.vector_load_idx %arg17[%add3A_230, %add3A_253] : memref<112x16xf32, #tpu.memory_space<vmem>>[vector<16xi32>, vector<16xi32>], vector<16xf32>,
    %slice3A_255 = vector.extract_strided_slice %get3A_68 {offsets = [2], sizes = [1], strides = [1]} : vector<16xf32> to vector<1xf32>
    %squeeze3A_256 = vector.extract %slice3A_255[0] : f32 from vector<1xf32>
    %mul3A_257 = vector.broadcast %squeeze3A_256 : f32 to vector<16xf32>
    %mul3A_258 = arith.mulf %gather3A_254, %mul3A_257 : vector<16xf32>
    %add3A_259 = arith.addf %add3A_250, %mul3A_258 : vector<16xf32>
    %add3A_260 = arith.constant 3 : i32
    %add3A_261 = vector.broadcast %add3A_260 : i32 to vector<16xi32>
    %add3A_262 = arith.addi %broadcast_in_dim3A_69, %add3A_261 : vector<16xi32>
    %gather3A_263 = tpu.vector_load_idx %arg17[%add3A_230, %add3A_262] : memref<112x16xf32, #tpu.memory_space<vmem>>[vector<16xi32>, vector<16xi32>], vector<16xf32>,
    %slice3A_264 = vector.extract_strided_slice %get3A_68 {offsets = [3], sizes = [1], strides = [1]} : vector<16xf32> to vector<1xf32>
    %squeeze3A_265 = vector.extract %slice3A_264[0] : f32 from vector<1xf32>
    %mul3A_266 = vector.broadcast %squeeze3A_265 : f32 to vector<16xf32>
    %mul3A_267 = arith.mulf %gather3A_263, %mul3A_266 : vector<16xf32>
    %add3A_268 = arith.addf %add3A_259, %mul3A_267 : vector<16xf32>
    %add3A_269 = arith.constant 4 : i32
    %add3A_270 = vector.broadcast %add3A_269 : i32 to vector<16xi32>
    %add3A_271 = arith.addi %broadcast_in_dim3A_69, %add3A_270 : vector<16xi32>
    %gather3A_272 = tpu.vector_load_idx %arg17[%add3A_230, %add3A_271] : memref<112x16xf32, #tpu.memory_space<vmem>>[vector<16xi32>, vector<16xi32>], vector<16xf32>,
    %slice3A_273 = vector.extract_strided_slice %get3A_68 {offsets = [4], sizes = [1], strides = [1]} : vector<16xf32> to vector<1xf32>
    %squeeze3A_274 = vector.extract %slice3A_273[0] : f32 from vector<1xf32>
    %mul3A_275 = vector.broadcast %squeeze3A_274 : f32 to vector<16xf32>
    %mul3A_276 = arith.mulf %gather3A_272, %mul3A_275 : vector<16xf32>
    %add3A_277 = arith.addf %add3A_268, %mul3A_276 : vector<16xf32>
    %add3A_278 = arith.constant 5 : i32
    %add3A_279 = vector.broadcast %add3A_278 : i32 to vector<16xi32>
    %add3A_280 = arith.addi %broadcast_in_dim3A_69, %add3A_279 : vector<16xi32>
    %gather3A_281 = tpu.vector_load_idx %arg17[%add3A_230, %add3A_280] : memref<112x16xf32, #tpu.memory_space<vmem>>[vector<16xi32>, vector<16xi32>], vector<16xf32>,
    %slice3A_282 = vector.extract_strided_slice %get3A_68 {offsets = [5], sizes = [1], strides = [1]} : vector<16xf32> to vector<1xf32>
    %squeeze3A_283 = vector.extract %slice3A_282[0] : f32 from vector<1xf32>
    %mul3A_284 = vector.broadcast %squeeze3A_283 : f32 to vector<16xf32>
    %mul3A_285 = arith.mulf %gather3A_281, %mul3A_284 : vector<16xf32>
    %add3A_286 = arith.addf %add3A_277, %mul3A_285 : vector<16xf32>
    %add3A_287 = arith.constant 6 : i32
    %add3A_288 = vector.broadcast %add3A_287 : i32 to vector<16xi32>
    %add3A_289 = arith.addi %broadcast_in_dim3A_69, %add3A_288 : vector<16xi32>
    %gather3A_290 = tpu.vector_load_idx %arg17[%add3A_230, %add3A_289] : memref<112x16xf32, #tpu.memory_space<vmem>>[vector<16xi32>, vector<16xi32>], vector<16xf32>,
    %slice3A_291 = vector.extract_strided_slice %get3A_68 {offsets = [6], sizes = [1], strides = [1]} : vector<16xf32> to vector<1xf32>
    %squeeze3A_292 = vector.extract %slice3A_291[0] : f32 from vector<1xf32>
    %mul3A_293 = vector.broadcast %squeeze3A_292 : f32 to vector<16xf32>
    %mul3A_294 = arith.mulf %gather3A_290, %mul3A_293 : vector<16xf32>
    %add3A_295 = arith.addf %add3A_286, %mul3A_294 : vector<16xf32>
    %add3A_296 = arith.constant 7 : i32
    %add3A_297 = vector.broadcast %add3A_296 : i32 to vector<16xi32>
    %add3A_298 = arith.addi %broadcast_in_dim3A_69, %add3A_297 : vector<16xi32>
    %gather3A_299 = tpu.vector_load_idx %arg17[%add3A_230, %add3A_298] : memref<112x16xf32, #tpu.memory_space<vmem>>[vector<16xi32>, vector<16xi32>], vector<16xf32>,
    %slice3A_300 = vector.extract_strided_slice %get3A_68 {offsets = [7], sizes = [1], strides = [1]} : vector<16xf32> to vector<1xf32>
    %squeeze3A_301 = vector.extract %slice3A_300[0] : f32 from vector<1xf32>
    %mul3A_302 = vector.broadcast %squeeze3A_301 : f32 to vector<16xf32>
    %mul3A_303 = arith.mulf %gather3A_299, %mul3A_302 : vector<16xf32>
    %add3A_304 = arith.addf %add3A_295, %mul3A_303 : vector<16xf32>
    %add3A_305 = arith.constant 8 : i32
    %add3A_306 = vector.broadcast %add3A_305 : i32 to vector<16xi32>
    %add3A_307 = arith.addi %broadcast_in_dim3A_69, %add3A_306 : vector<16xi32>
    %gather3A_308 = tpu.vector_load_idx %arg17[%add3A_230, %add3A_307] : memref<112x16xf32, #tpu.memory_space<vmem>>[vector<16xi32>, vector<16xi32>], vector<16xf32>,
    %slice3A_309 = vector.extract_strided_slice %get3A_68 {offsets = [8], sizes = [1], strides = [1]} : vector<16xf32> to vector<1xf32>
    %squeeze3A_310 = vector.extract %slice3A_309[0] : f32 from vector<1xf32>
    %mul3A_311 = vector.broadcast %squeeze3A_310 : f32 to vector<16xf32>
    %mul3A_312 = arith.mulf %gather3A_308, %mul3A_311 : vector<16xf32>
    %add3A_313 = arith.addf %add3A_304, %mul3A_312 : vector<16xf32>
    %add3A_314 = arith.constant 9 : i32
    %add3A_315 = vector.broadcast %add3A_314 : i32 to vector<16xi32>
    %add3A_316 = arith.addi %broadcast_in_dim3A_69, %add3A_315 : vector<16xi32>
    %gather3A_317 = tpu.vector_load_idx %arg17[%add3A_230, %add3A_316] : memref<112x16xf32, #tpu.memory_space<vmem>>[vector<16xi32>, vector<16xi32>], vector<16xf32>,
    %slice3A_318 = vector.extract_strided_slice %get3A_68 {offsets = [9], sizes = [1], strides = [1]} : vector<16xf32> to vector<1xf32>
    %squeeze3A_319 = vector.extract %slice3A_318[0] : f32 from vector<1xf32>
    %mul3A_320 = vector.broadcast %squeeze3A_319 : f32 to vector<16xf32>
    %mul3A_321 = arith.mulf %gather3A_317, %mul3A_320 : vector<16xf32>
    %add3A_322 = arith.addf %add3A_313, %mul3A_321 : vector<16xf32>
    %add3A_323 = arith.constant 10 : i32
    %add3A_324 = vector.broadcast %add3A_323 : i32 to vector<16xi32>
    %add3A_325 = arith.addi %broadcast_in_dim3A_69, %add3A_324 : vector<16xi32>
    %gather3A_326 = tpu.vector_load_idx %arg17[%add3A_230, %add3A_325] : memref<112x16xf32, #tpu.memory_space<vmem>>[vector<16xi32>, vector<16xi32>], vector<16xf32>,
    %slice3A_327 = vector.extract_strided_slice %get3A_68 {offsets = [10], sizes = [1], strides = [1]} : vector<16xf32> to vector<1xf32>
    %squeeze3A_328 = vector.extract %slice3A_327[0] : f32 from vector<1xf32>
    %mul3A_329 = vector.broadcast %squeeze3A_328 : f32 to vector<16xf32>
    %mul3A_330 = arith.mulf %gather3A_326, %mul3A_329 : vector<16xf32>
    %add3A_331 = arith.addf %add3A_322, %mul3A_330 : vector<16xf32>
    %add3A_332 = arith.constant 11 : i32
    %add3A_333 = vector.broadcast %add3A_332 : i32 to vector<16xi32>
    %add3A_334 = arith.addi %broadcast_in_dim3A_69, %add3A_333 : vector<16xi32>
    %gather3A_335 = tpu.vector_load_idx %arg17[%add3A_230, %add3A_334] : memref<112x16xf32, #tpu.memory_space<vmem>>[vector<16xi32>, vector<16xi32>], vector<16xf32>,
    %slice3A_336 = vector.extract_strided_slice %get3A_68 {offsets = [11], sizes = [1], strides = [1]} : vector<16xf32> to vector<1xf32>
    %squeeze3A_337 = vector.extract %slice3A_336[0] : f32 from vector<1xf32>
    %mul3A_338 = vector.broadcast %squeeze3A_337 : f32 to vector<16xf32>
    %mul3A_339 = arith.mulf %gather3A_335, %mul3A_338 : vector<16xf32>
    %add3A_340 = arith.addf %add3A_331, %mul3A_339 : vector<16xf32>
    %add3A_341 = arith.constant 12 : i32
    %add3A_342 = vector.broadcast %add3A_341 : i32 to vector<16xi32>
    %add3A_343 = arith.addi %broadcast_in_dim3A_69, %add3A_342 : vector<16xi32>
    %gather3A_344 = tpu.vector_load_idx %arg17[%add3A_230, %add3A_343] : memref<112x16xf32, #tpu.memory_space<vmem>>[vector<16xi32>, vector<16xi32>], vector<16xf32>,
    %slice3A_345 = vector.extract_strided_slice %get3A_68 {offsets = [12], sizes = [1], strides = [1]} : vector<16xf32> to vector<1xf32>
    %squeeze3A_346 = vector.extract %slice3A_345[0] : f32 from vector<1xf32>
    %mul3A_347 = vector.broadcast %squeeze3A_346 : f32 to vector<16xf32>
    %mul3A_348 = arith.mulf %gather3A_344, %mul3A_347 : vector<16xf32>
    %add3A_349 = arith.addf %add3A_340, %mul3A_348 : vector<16xf32>
    %add3A_350 = arith.constant 13 : i32
    %add3A_351 = vector.broadcast %add3A_350 : i32 to vector<16xi32>
    %add3A_352 = arith.addi %broadcast_in_dim3A_69, %add3A_351 : vector<16xi32>
    %gather3A_353 = tpu.vector_load_idx %arg17[%add3A_230, %add3A_352] : memref<112x16xf32, #tpu.memory_space<vmem>>[vector<16xi32>, vector<16xi32>], vector<16xf32>,
    %slice3A_354 = vector.extract_strided_slice %get3A_68 {offsets = [13], sizes = [1], strides = [1]} : vector<16xf32> to vector<1xf32>
    %squeeze3A_355 = vector.extract %slice3A_354[0] : f32 from vector<1xf32>
    %mul3A_356 = vector.broadcast %squeeze3A_355 : f32 to vector<16xf32>
    %mul3A_357 = arith.mulf %gather3A_353, %mul3A_356 : vector<16xf32>
    %add3A_358 = arith.addf %add3A_349, %mul3A_357 : vector<16xf32>
    %add3A_359 = arith.constant 14 : i32
    %add3A_360 = vector.broadcast %add3A_359 : i32 to vector<16xi32>
    %add3A_361 = arith.addi %broadcast_in_dim3A_69, %add3A_360 : vector<16xi32>
    %gather3A_362 = tpu.vector_load_idx %arg17[%add3A_230, %add3A_361] : memref<112x16xf32, #tpu.memory_space<vmem>>[vector<16xi32>, vector<16xi32>], vector<16xf32>,
    %slice3A_363 = vector.extract_strided_slice %get3A_68 {offsets = [14], sizes = [1], strides = [1]} : vector<16xf32> to vector<1xf32>
    %squeeze3A_364 = vector.extract %slice3A_363[0] : f32 from vector<1xf32>
    %mul3A_365 = vector.broadcast %squeeze3A_364 : f32 to vector<16xf32>
    %mul3A_366 = arith.mulf %gather3A_362, %mul3A_365 : vector<16xf32>
    %add3A_367 = arith.addf %add3A_358, %mul3A_366 : vector<16xf32>
    %add3A_368 = arith.constant 15 : i32
    %add3A_369 = vector.broadcast %add3A_368 : i32 to vector<16xi32>
    %add3A_370 = arith.addi %broadcast_in_dim3A_69, %add3A_369 : vector<16xi32>
    %gather3A_371 = tpu.vector_load_idx %arg17[%add3A_230, %add3A_370] : memref<112x16xf32, #tpu.memory_space<vmem>>[vector<16xi32>, vector<16xi32>], vector<16xf32>,
    %slice3A_372 = vector.extract_strided_slice %get3A_68 {offsets = [15], sizes = [1], strides = [1]} : vector<16xf32> to vector<1xf32>
    %squeeze3A_373 = vector.extract %slice3A_372[0] : f32 from vector<1xf32>
    %mul3A_374 = vector.broadcast %squeeze3A_373 : f32 to vector<16xf32>
    %mul3A_375 = arith.mulf %gather3A_371, %mul3A_374 : vector<16xf32>
    %add3A_376 = arith.addf %add3A_367, %mul3A_375 : vector<16xf32>
    %get3A_377 = arith.constant 16 : index
    %get3A_378 = tpu.vector_load %arg18[%get3A_377] {strides = array<i32>} : memref<112xf32, #tpu.memory_space<vmem>>, vector<16xf32>,
    %add3A_379 = vector.broadcast %squeeze3A_64 : f32 to vector<16xf32>
    %add3A_380 = arith.addf %add3A_376, %add3A_379 : vector<16xf32>
    %mul3A_381 = vector.broadcast %squeeze3A_62 : f32 to vector<16xf32>
    %mul3A_382 = arith.mulf %mul3A_381, %add3A_380 : vector<16xf32>
    %add3A_383 = arith.addf %mul3A_382, %get3A_378 : vector<16xf32>
    %add3A_384 = vector.broadcast %squeeze3A_66 : f32 to vector<16xf32>
    %add3A_385 = arith.addf %add3A_383, %add3A_384 : vector<16xf32>
    %swap3A_386 = arith.constant 16 : index
    %swap3A_387 = tpu.vector_load %arg21[%swap3A_386] {strides = array<i32>} : memref<128xf32, #tpu.memory_space<vmem>>, vector<16xf32>,
    tpu.vector_store %arg21[%swap3A_386], %add3A_385 {strides = array<i32>} : memref<128xf32, #tpu.memory_space<vmem>>, vector<16xf32>,
    %add3A_388 = arith.constant 32 : i32
    %add3A_389 = vector.broadcast %add3A_388 : i32 to vector<16xi32>
    %add3A_390 = arith.addi %add3A_389, %iota3A : vector<16xi32>
    %broadcast_in_dim3A_391 = arith.constant 0.000000e+00 : f32
    %broadcast_in_dim3A_392 = vector.broadcast %broadcast_in_dim3A_391 : f32 to vector<16xf32>
    %add3A_393 = arith.constant 0 : i32
    %add3A_394 = vector.broadcast %add3A_393 : i32 to vector<16xi32>
    %add3A_395 = arith.addi %broadcast_in_dim3A_69, %add3A_394 : vector<16xi32>
    %gather3A_396 = tpu.vector_load_idx %arg17[%add3A_390, %add3A_395] : memref<112x16xf32, #tpu.memory_space<vmem>>[vector<16xi32>, vector<16xi32>], vector<16xf32>,
    %slice3A_397 = vector.extract_strided_slice %get3A_68 {offsets = [0], sizes = [1], strides = [1]} : vector<16xf32> to vector<1xf32>
    %squeeze3A_398 = vector.extract %slice3A_397[0] : f32 from vector<1xf32>
    %mul3A_399 = vector.broadcast %squeeze3A_398 : f32 to vector<16xf32>
    %mul3A_400 = arith.mulf %gather3A_396, %mul3A_399 : vector<16xf32>
    %add3A_401 = arith.addf %broadcast_in_dim3A_392, %mul3A_400 : vector<16xf32>
    %add3A_402 = arith.constant 1 : i32
    %add3A_403 = vector.broadcast %add3A_402 : i32 to vector<16xi32>
    %add3A_404 = arith.addi %broadcast_in_dim3A_69, %add3A_403 : vector<16xi32>
    %gather3A_405 = tpu.vector_load_idx %arg17[%add3A_390, %add3A_404] : memref<112x16xf32, #tpu.memory_space<vmem>>[vector<16xi32>, vector<16xi32>], vector<16xf32>,
    %slice3A_406 = vector.extract_strided_slice %get3A_68 {offsets = [1], sizes = [1], strides = [1]} : vector<16xf32> to vector<1xf32>
    %squeeze3A_407 = vector.extract %slice3A_406[0] : f32 from vector<1xf32>
    %mul3A_408 = vector.broadcast %squeeze3A_407 : f32 to vector<16xf32>
    %mul3A_409 = arith.mulf %gather3A_405, %mul3A_408 : vector<16xf32>
    %add3A_410 = arith.addf %add3A_401, %mul3A_409 : vector<16xf32>
    %add3A_411 = arith.constant 2 : i32
    %add3A_412 = vector.broadcast %add3A_411 : i32 to vector<16xi32>
    %add3A_413 = arith.addi %broadcast_in_dim3A_69, %add3A_412 : vector<16xi32>
    %gather3A_414 = tpu.vector_load_idx %arg17[%add3A_390, %add3A_413] : memref<112x16xf32, #tpu.memory_space<vmem>>[vector<16xi32>, vector<16xi32>], vector<16xf32>,
    %slice3A_415 = vector.extract_strided_slice %get3A_68 {offsets = [2], sizes = [1], strides = [1]} : vector<16xf32> to vector<1xf32>
    %squeeze3A_416 = vector.extract %slice3A_415[0] : f32 from vector<1xf32>
    %mul3A_417 = vector.broadcast %squeeze3A_416 : f32 to vector<16xf32>
    %mul3A_418 = arith.mulf %gather3A_414, %mul3A_417 : vector<16xf32>
    %add3A_419 = arith.addf %add3A_410, %mul3A_418 : vector<16xf32>
    %add3A_420 = arith.constant 3 : i32
    %add3A_421 = vector.broadcast %add3A_420 : i32 to vector<16xi32>
    %add3A_422 = arith.addi %broadcast_in_dim3A_69, %add3A_421 : vector<16xi32>
    %gather3A_423 = tpu.vector_load_idx %arg17[%add3A_390, %add3A_422] : memref<112x16xf32, #tpu.memory_space<vmem>>[vector<16xi32>, vector<16xi32>], vector<16xf32>,
    %slice3A_424 = vector.extract_strided_slice %get3A_68 {offsets = [3], sizes = [1], strides = [1]} : vector<16xf32> to vector<1xf32>
    %squeeze3A_425 = vector.extract %slice3A_424[0] : f32 from vector<1xf32>
    %mul3A_426 = vector.broadcast %squeeze3A_425 : f32 to vector<16xf32>
    %mul3A_427 = arith.mulf %gather3A_423, %mul3A_426 : vector<16xf32>
    %add3A_428 = arith.addf %add3A_419, %mul3A_427 : vector<16xf32>
    %add3A_429 = arith.constant 4 : i32
    %add3A_430 = vector.broadcast %add3A_429 : i32 to vector<16xi32>
    %add3A_431 = arith.addi %broadcast_in_dim3A_69, %add3A_430 : vector<16xi32>
    %gather3A_432 = tpu.vector_load_idx %arg17[%add3A_390, %add3A_431] : memref<112x16xf32, #tpu.memory_space<vmem>>[vector<16xi32>, vector<16xi32>], vector<16xf32>,
    %slice3A_433 = vector.extract_strided_slice %get3A_68 {offsets = [4], sizes = [1], strides = [1]} : vector<16xf32> to vector<1xf32>
    %squeeze3A_434 = vector.extract %slice3A_433[0] : f32 from vector<1xf32>
    %mul3A_435 = vector.broadcast %squeeze3A_434 : f32 to vector<16xf32>
    %mul3A_436 = arith.mulf %gather3A_432, %mul3A_435 : vector<16xf32>
    %add3A_437 = arith.addf %add3A_428, %mul3A_436 : vector<16xf32>
    %add3A_438 = arith.constant 5 : i32
    %add3A_439 = vector.broadcast %add3A_438 : i32 to vector<16xi32>
    %add3A_440 = arith.addi %broadcast_in_dim3A_69, %add3A_439 : vector<16xi32>
    %gather3A_441 = tpu.vector_load_idx %arg17[%add3A_390, %add3A_440] : memref<112x16xf32, #tpu.memory_space<vmem>>[vector<16xi32>, vector<16xi32>], vector<16xf32>,
    %slice3A_442 = vector.extract_strided_slice %get3A_68 {offsets = [5], sizes = [1], strides = [1]} : vector<16xf32> to vector<1xf32>
    %squeeze3A_443 = vector.extract %slice3A_442[0] : f32 from vector<1xf32>
    %mul3A_444 = vector.broadcast %squeeze3A_443 : f32 to vector<16xf32>
    %mul3A_445 = arith.mulf %gather3A_441, %mul3A_444 : vector<16xf32>
    %add3A_446 = arith.addf %add3A_437, %mul3A_445 : vector<16xf32>
    %add3A_447 = arith.constant 6 : i32
    %add3A_448 = vector.broadcast %add3A_447 : i32 to vector<16xi32>
    %add3A_449 = arith.addi %broadcast_in_dim3A_69, %add3A_448 : vector<16xi32>
    %gather3A_450 = tpu.vector_load_idx %arg17[%add3A_390, %add3A_449] : memref<112x16xf32, #tpu.memory_space<vmem>>[vector<16xi32>, vector<16xi32>], vector<16xf32>,
    %slice3A_451 = vector.extract_strided_slice %get3A_68 {offsets = [6], sizes = [1], strides = [1]} : vector<16xf32> to vector<1xf32>
    %squeeze3A_452 = vector.extract %slice3A_451[0] : f32 from vector<1xf32>
    %mul3A_453 = vector.broadcast %squeeze3A_452 : f32 to vector<16xf32>
    %mul3A_454 = arith.mulf %gather3A_450, %mul3A_453 : vector<16xf32>
    %add3A_455 = arith.addf %add3A_446, %mul3A_454 : vector<16xf32>
    %add3A_456 = arith.constant 7 : i32
    %add3A_457 = vector.broadcast %add3A_456 : i32 to vector<16xi32>
    %add3A_458 = arith.addi %broadcast_in_dim3A_69, %add3A_457 : vector<16xi32>
    %gather3A_459 = tpu.vector_load_idx %arg17[%add3A_390, %add3A_458] : memref<112x16xf32, #tpu.memory_space<vmem>>[vector<16xi32>, vector<16xi32>], vector<16xf32>,
    %slice3A_460 = vector.extract_strided_slice %get3A_68 {offsets = [7], sizes = [1], strides = [1]} : vector<16xf32> to vector<1xf32>
    %squeeze3A_461 = vector.extract %slice3A_460[0] : f32 from vector<1xf32>
    %mul3A_462 = vector.broadcast %squeeze3A_461 : f32 to vector<16xf32>
    %mul3A_463 = arith.mulf %gather3A_459, %mul3A_462 : vector<16xf32>
    %add3A_464 = arith.addf %add3A_455, %mul3A_463 : vector<16xf32>
    %add3A_465 = arith.constant 8 : i32
    %add3A_466 = vector.broadcast %add3A_465 : i32 to vector<16xi32>
    %add3A_467 = arith.addi %broadcast_in_dim3A_69, %add3A_466 : vector<16xi32>
    %gather3A_468 = tpu.vector_load_idx %arg17[%add3A_390, %add3A_467] : memref<112x16xf32, #tpu.memory_space<vmem>>[vector<16xi32>, vector<16xi32>], vector<16xf32>,
    %slice3A_469 = vector.extract_strided_slice %get3A_68 {offsets = [8], sizes = [1], strides = [1]} : vector<16xf32> to vector<1xf32>
    %squeeze3A_470 = vector.extract %slice3A_469[0] : f32 from vector<1xf32>
    %mul3A_471 = vector.broadcast %squeeze3A_470 : f32 to vector<16xf32>
    %mul3A_472 = arith.mulf %gather3A_468, %mul3A_471 : vector<16xf32>
    %add3A_473 = arith.addf %add3A_464, %mul3A_472 : vector<16xf32>
    %add3A_474 = arith.constant 9 : i32
    %add3A_475 = vector.broadcast %add3A_474 : i32 to vector<16xi32>
    %add3A_476 = arith.addi %broadcast_in_dim3A_69, %add3A_475 : vector<16xi32>
    %gather3A_477 = tpu.vector_load_idx %arg17[%add3A_390, %add3A_476] : memref<112x16xf32, #tpu.memory_space<vmem>>[vector<16xi32>, vector<16xi32>], vector<16xf32>,
    %slice3A_478 = vector.extract_strided_slice %get3A_68 {offsets = [9], sizes = [1], strides = [1]} : vector<16xf32> to vector<1xf32>
    %squeeze3A_479 = vector.extract %slice3A_478[0] : f32 from vector<1xf32>
    %mul3A_480 = vector.broadcast %squeeze3A_479 : f32 to vector<16xf32>
    %mul3A_481 = arith.mulf %gather3A_477, %mul3A_480 : vector<16xf32>
    %add3A_482 = arith.addf %add3A_473, %mul3A_481 : vector<16xf32>
    %add3A_483 = arith.constant 10 : i32
    %add3A_484 = vector.broadcast %add3A_483 : i32 to vector<16xi32>
    %add3A_485 = arith.addi %broadcast_in_dim3A_69, %add3A_484 : vector<16xi32>
    %gather3A_486 = tpu.vector_load_idx %arg17[%add3A_390, %add3A_485] : memref<112x16xf32, #tpu.memory_space<vmem>>[vector<16xi32>, vector<16xi32>], vector<16xf32>,
    %slice3A_487 = vector.extract_strided_slice %get3A_68 {offsets = [10], sizes = [1], strides = [1]} : vector<16xf32> to vector<1xf32>
    %squeeze3A_488 = vector.extract %slice3A_487[0] : f32 from vector<1xf32>
    %mul3A_489 = vector.broadcast %squeeze3A_488 : f32 to vector<16xf32>
    %mul3A_490 = arith.mulf %gather3A_486, %mul3A_489 : vector<16xf32>
    %add3A_491 = arith.addf %add3A_482, %mul3A_490 : vector<16xf32>
    %add3A_492 = arith.constant 11 : i32
    %add3A_493 = vector.broadcast %add3A_492 : i32 to vector<16xi32>
    %add3A_494 = arith.addi %broadcast_in_dim3A_69, %add3A_493 : vector<16xi32>
    %gather3A_495 = tpu.vector_load_idx %arg17[%add3A_390, %add3A_494] : memref<112x16xf32, #tpu.memory_space<vmem>>[vector<16xi32>, vector<16xi32>], vector<16xf32>,
    %slice3A_496 = vector.extract_strided_slice %get3A_68 {offsets = [11], sizes = [1], strides = [1]} : vector<16xf32> to vector<1xf32>
    %squeeze3A_497 = vector.extract %slice3A_496[0] : f32 from vector<1xf32>
    %mul3A_498 = vector.broadcast %squeeze3A_497 : f32 to vector<16xf32>
    %mul3A_499 = arith.mulf %gather3A_495, %mul3A_498 : vector<16xf32>
    %add3A_500 = arith.addf %add3A_491, %mul3A_499 : vector<16xf32>
    %add3A_501 = arith.constant 12 : i32
    %add3A_502 = vector.broadcast %add3A_501 : i32 to vector<16xi32>
    %add3A_503 = arith.addi %broadcast_in_dim3A_69, %add3A_502 : vector<16xi32>
    %gather3A_504 = tpu.vector_load_idx %arg17[%add3A_390, %add3A_503] : memref<112x16xf32, #tpu.memory_space<vmem>>[vector<16xi32>, vector<16xi32>], vector<16xf32>,
    %slice3A_505 = vector.extract_strided_slice %get3A_68 {offsets = [12], sizes = [1], strides = [1]} : vector<16xf32> to vector<1xf32>
    %squeeze3A_506 = vector.extract %slice3A_505[0] : f32 from vector<1xf32>
    %mul3A_507 = vector.broadcast %squeeze3A_506 : f32 to vector<16xf32>
    %mul3A_508 = arith.mulf %gather3A_504, %mul3A_507 : vector<16xf32>
    %add3A_509 = arith.addf %add3A_500, %mul3A_508 : vector<16xf32>
    %add3A_510 = arith.constant 13 : i32
    %add3A_511 = vector.broadcast %add3A_510 : i32 to vector<16xi32>
    %add3A_512 = arith.addi %broadcast_in_dim3A_69, %add3A_511 : vector<16xi32>
    %gather3A_513 = tpu.vector_load_idx %arg17[%add3A_390, %add3A_512] : memref<112x16xf32, #tpu.memory_space<vmem>>[vector<16xi32>, vector<16xi32>], vector<16xf32>,
    %slice3A_514 = vector.extract_strided_slice %get3A_68 {offsets = [13], sizes = [1], strides = [1]} : vector<16xf32> to vector<1xf32>
    %squeeze3A_515 = vector.extract %slice3A_514[0] : f32 from vector<1xf32>
    %mul3A_516 = vector.broadcast %squeeze3A_515 : f32 to vector<16xf32>
    %mul3A_517 = arith.mulf %gather3A_513, %mul3A_516 : vector<16xf32>
    %add3A_518 = arith.addf %add3A_509, %mul3A_517 : vector<16xf32>
    %add3A_519 = arith.constant 14 : i32
    %add3A_520 = vector.broadcast %add3A_519 : i32 to vector<16xi32>
    %add3A_521 = arith.addi %broadcast_in_dim3A_69, %add3A_520 : vector<16xi32>
    %gather3A_522 = tpu.vector_load_idx %arg17[%add3A_390, %add3A_521] : memref<112x16xf32, #tpu.memory_space<vmem>>[vector<16xi32>, vector<16xi32>], vector<16xf32>,
    %slice3A_523 = vector.extract_strided_slice %get3A_68 {offsets = [14], sizes = [1], strides = [1]} : vector<16xf32> to vector<1xf32>
    %squeeze3A_524 = vector.extract %slice3A_523[0] : f32 from vector<1xf32>
    %mul3A_525 = vector.broadcast %squeeze3A_524 : f32 to vector<16xf32>
    %mul3A_526 = arith.mulf %gather3A_522, %mul3A_525 : vector<16xf32>
    %add3A_527 = arith.addf %add3A_518, %mul3A_526 : vector<16xf32>
    %add3A_528 = arith.constant 15 : i32
    %add3A_529 = vector.broadcast %add3A_528 : i32 to vector<16xi32>
    %add3A_530 = arith.addi %broadcast_in_dim3A_69, %add3A_529 : vector<16xi32>
    %gather3A_531 = tpu.vector_load_idx %arg17[%add3A_390, %add3A_530] : memref<112x16xf32, #tpu.memory_space<vmem>>[vector<16xi32>, vector<16xi32>], vector<16xf32>,
    %slice3A_532 = vector.extract_strided_slice %get3A_68 {offsets = [15], sizes = [1], strides = [1]} : vector<16xf32> to vector<1xf32>
    %squeeze3A_533 = vector.extract %slice3A_532[0] : f32 from vector<1xf32>
    %mul3A_534 = vector.broadcast %squeeze3A_533 : f32 to vector<16xf32>
    %mul3A_535 = arith.mulf %gather3A_531, %mul3A_534 : vector<16xf32>
    %add3A_536 = arith.addf %add3A_527, %mul3A_535 : vector<16xf32>
    %get3A_537 = arith.constant 32 : index
    %get3A_538 = tpu.vector_load %arg18[%get3A_537] {strides = array<i32>} : memref<112xf32, #tpu.memory_space<vmem>>, vector<16xf32>,
    %add3A_539 = vector.broadcast %squeeze3A_64 : f32 to vector<16xf32>
    %add3A_540 = arith.addf %add3A_536, %add3A_539 : vector<16xf32>
    %mul3A_541 = vector.broadcast %squeeze3A_62 : f32 to vector<16xf32>
    %mul3A_542 = arith.mulf %mul3A_541, %add3A_540 : vector<16xf32>
    %add3A_543 = arith.addf %mul3A_542, %get3A_538 : vector<16xf32>
    %add3A_544 = vector.broadcast %squeeze3A_66 : f32 to vector<16xf32>
    %add3A_545 = arith.addf %add3A_543, %add3A_544 : vector<16xf32>
    %swap3A_546 = arith.constant 32 : index
    %swap3A_547 = tpu.vector_load %arg21[%swap3A_546] {strides = array<i32>} : memref<128xf32, #tpu.memory_space<vmem>>, vector<16xf32>,
    tpu.vector_store %arg21[%swap3A_546], %add3A_545 {strides = array<i32>} : memref<128xf32, #tpu.memory_space<vmem>>, vector<16xf32>,
    %add3A_548 = arith.constant 48 : i32
    %add3A_549 = vector.broadcast %add3A_548 : i32 to vector<16xi32>
    %add3A_550 = arith.addi %add3A_549, %iota3A : vector<16xi32>
    %broadcast_in_dim3A_551 = arith.constant 0.000000e+00 : f32
    %broadcast_in_dim3A_552 = vector.broadcast %broadcast_in_dim3A_551 : f32 to vector<16xf32>
    %add3A_553 = arith.constant 0 : i32
    %add3A_554 = vector.broadcast %add3A_553 : i32 to vector<16xi32>
    %add3A_555 = arith.addi %broadcast_in_dim3A_69, %add3A_554 : vector<16xi32>
    %gather3A_556 = tpu.vector_load_idx %arg17[%add3A_550, %add3A_555] : memref<112x16xf32, #tpu.memory_space<vmem>>[vector<16xi32>, vector<16xi32>], vector<16xf32>,
    %slice3A_557 = vector.extract_strided_slice %get3A_68 {offsets = [0], sizes = [1], strides = [1]} : vector<16xf32> to vector<1xf32>
    %squeeze3A_558 = vector.extract %slice3A_557[0] : f32 from vector<1xf32>
    %mul3A_559 = vector.broadcast %squeeze3A_558 : f32 to vector<16xf32>
    %mul3A_560 = arith.mulf %gather3A_556, %mul3A_559 : vector<16xf32>
    %add3A_561 = arith.addf %broadcast_in_dim3A_552, %mul3A_560 : vector<16xf32>
    %add3A_562 = arith.constant 1 : i32
    %add3A_563 = vector.broadcast %add3A_562 : i32 to vector<16xi32>
    %add3A_564 = arith.addi %broadcast_in_dim3A_69, %add3A_563 : vector<16xi32>
    %gather3A_565 = tpu.vector_load_idx %arg17[%add3A_550, %add3A_564] : memref<112x16xf32, #tpu.memory_space<vmem>>[vector<16xi32>, vector<16xi32>], vector<16xf32>,
    %slice3A_566 = vector.extract_strided_slice %get3A_68 {offsets = [1], sizes = [1], strides = [1]} : vector<16xf32> to vector<1xf32>
    %squeeze3A_567 = vector.extract %slice3A_566[0] : f32 from vector<1xf32>
    %mul3A_568 = vector.broadcast %squeeze3A_567 : f32 to vector<16xf32>
    %mul3A_569 = arith.mulf %gather3A_565, %mul3A_568 : vector<16xf32>
    %add3A_570 = arith.addf %add3A_561, %mul3A_569 : vector<16xf32>
    %add3A_571 = arith.constant 2 : i32
    %add3A_572 = vector.broadcast %add3A_571 : i32 to vector<16xi32>
    %add3A_573 = arith.addi %broadcast_in_dim3A_69, %add3A_572 : vector<16xi32>
    %gather3A_574 = tpu.vector_load_idx %arg17[%add3A_550, %add3A_573] : memref<112x16xf32, #tpu.memory_space<vmem>>[vector<16xi32>, vector<16xi32>], vector<16xf32>,
    %slice3A_575 = vector.extract_strided_slice %get3A_68 {offsets = [2], sizes = [1], strides = [1]} : vector<16xf32> to vector<1xf32>
    %squeeze3A_576 = vector.extract %slice3A_575[0] : f32 from vector<1xf32>
    %mul3A_577 = vector.broadcast %squeeze3A_576 : f32 to vector<16xf32>
    %mul3A_578 = arith.mulf %gather3A_574, %mul3A_577 : vector<16xf32>
    %add3A_579 = arith.addf %add3A_570, %mul3A_578 : vector<16xf32>
    %add3A_580 = arith.constant 3 : i32
    %add3A_581 = vector.broadcast %add3A_580 : i32 to vector<16xi32>
    %add3A_582 = arith.addi %broadcast_in_dim3A_69, %add3A_581 : vector<16xi32>
    %gather3A_583 = tpu.vector_load_idx %arg17[%add3A_550, %add3A_582] : memref<112x16xf32, #tpu.memory_space<vmem>>[vector<16xi32>, vector<16xi32>], vector<16xf32>,
    %slice3A_584 = vector.extract_strided_slice %get3A_68 {offsets = [3], sizes = [1], strides = [1]} : vector<16xf32> to vector<1xf32>
    %squeeze3A_585 = vector.extract %slice3A_584[0] : f32 from vector<1xf32>
    %mul3A_586 = vector.broadcast %squeeze3A_585 : f32 to vector<16xf32>
    %mul3A_587 = arith.mulf %gather3A_583, %mul3A_586 : vector<16xf32>
    %add3A_588 = arith.addf %add3A_579, %mul3A_587 : vector<16xf32>
    %add3A_589 = arith.constant 4 : i32
    %add3A_590 = vector.broadcast %add3A_589 : i32 to vector<16xi32>
    %add3A_591 = arith.addi %broadcast_in_dim3A_69, %add3A_590 : vector<16xi32>
    %gather3A_592 = tpu.vector_load_idx %arg17[%add3A_550, %add3A_591] : memref<112x16xf32, #tpu.memory_space<vmem>>[vector<16xi32>, vector<16xi32>], vector<16xf32>,
    %slice3A_593 = vector.extract_strided_slice %get3A_68 {offsets = [4], sizes = [1], strides = [1]} : vector<16xf32> to vector<1xf32>
    %squeeze3A_594 = vector.extract %slice3A_593[0] : f32 from vector<1xf32>
    %mul3A_595 = vector.broadcast %squeeze3A_594 : f32 to vector<16xf32>
    %mul3A_596 = arith.mulf %gather3A_592, %mul3A_595 : vector<16xf32>
    %add3A_597 = arith.addf %add3A_588, %mul3A_596 : vector<16xf32>
    %add3A_598 = arith.constant 5 : i32
    %add3A_599 = vector.broadcast %add3A_598 : i32 to vector<16xi32>
    %add3A_600 = arith.addi %broadcast_in_dim3A_69, %add3A_599 : vector<16xi32>
    %gather3A_601 = tpu.vector_load_idx %arg17[%add3A_550, %add3A_600] : memref<112x16xf32, #tpu.memory_space<vmem>>[vector<16xi32>, vector<16xi32>], vector<16xf32>,
    %slice3A_602 = vector.extract_strided_slice %get3A_68 {offsets = [5], sizes = [1], strides = [1]} : vector<16xf32> to vector<1xf32>
    %squeeze3A_603 = vector.extract %slice3A_602[0] : f32 from vector<1xf32>
    %mul3A_604 = vector.broadcast %squeeze3A_603 : f32 to vector<16xf32>
    %mul3A_605 = arith.mulf %gather3A_601, %mul3A_604 : vector<16xf32>
    %add3A_606 = arith.addf %add3A_597, %mul3A_605 : vector<16xf32>
    %add3A_607 = arith.constant 6 : i32
    %add3A_608 = vector.broadcast %add3A_607 : i32 to vector<16xi32>
    %add3A_609 = arith.addi %broadcast_in_dim3A_69, %add3A_608 : vector<16xi32>
    %gather3A_610 = tpu.vector_load_idx %arg17[%add3A_550, %add3A_609] : memref<112x16xf32, #tpu.memory_space<vmem>>[vector<16xi32>, vector<16xi32>], vector<16xf32>,
    %slice3A_611 = vector.extract_strided_slice %get3A_68 {offsets = [6], sizes = [1], strides = [1]} : vector<16xf32> to vector<1xf32>
    %squeeze3A_612 = vector.extract %slice3A_611[0] : f32 from vector<1xf32>
    %mul3A_613 = vector.broadcast %squeeze3A_612 : f32 to vector<16xf32>
    %mul3A_614 = arith.mulf %gather3A_610, %mul3A_613 : vector<16xf32>
    %add3A_615 = arith.addf %add3A_606, %mul3A_614 : vector<16xf32>
    %add3A_616 = arith.constant 7 : i32
    %add3A_617 = vector.broadcast %add3A_616 : i32 to vector<16xi32>
    %add3A_618 = arith.addi %broadcast_in_dim3A_69, %add3A_617 : vector<16xi32>
    %gather3A_619 = tpu.vector_load_idx %arg17[%add3A_550, %add3A_618] : memref<112x16xf32, #tpu.memory_space<vmem>>[vector<16xi32>, vector<16xi32>], vector<16xf32>,
    %slice3A_620 = vector.extract_strided_slice %get3A_68 {offsets = [7], sizes = [1], strides = [1]} : vector<16xf32> to vector<1xf32>
    %squeeze3A_621 = vector.extract %slice3A_620[0] : f32 from vector<1xf32>
    %mul3A_622 = vector.broadcast %squeeze3A_621 : f32 to vector<16xf32>
    %mul3A_623 = arith.mulf %gather3A_619, %mul3A_622 : vector<16xf32>
    %add3A_624 = arith.addf %add3A_615, %mul3A_623 : vector<16xf32>
    %add3A_625 = arith.constant 8 : i32
    %add3A_626 = vector.broadcast %add3A_625 : i32 to vector<16xi32>
    %add3A_627 = arith.addi %broadcast_in_dim3A_69, %add3A_626 : vector<16xi32>
    %gather3A_628 = tpu.vector_load_idx %arg17[%add3A_550, %add3A_627] : memref<112x16xf32, #tpu.memory_space<vmem>>[vector<16xi32>, vector<16xi32>], vector<16xf32>,
    %slice3A_629 = vector.extract_strided_slice %get3A_68 {offsets = [8], sizes = [1], strides = [1]} : vector<16xf32> to vector<1xf32>
    %squeeze3A_630 = vector.extract %slice3A_629[0] : f32 from vector<1xf32>
    %mul3A_631 = vector.broadcast %squeeze3A_630 : f32 to vector<16xf32>
    %mul3A_632 = arith.mulf %gather3A_628, %mul3A_631 : vector<16xf32>
    %add3A_633 = arith.addf %add3A_624, %mul3A_632 : vector<16xf32>
    %add3A_634 = arith.constant 9 : i32
    %add3A_635 = vector.broadcast %add3A_634 : i32 to vector<16xi32>
    %add3A_636 = arith.addi %broadcast_in_dim3A_69, %add3A_635 : vector<16xi32>
    %gather3A_637 = tpu.vector_load_idx %arg17[%add3A_550, %add3A_636] : memref<112x16xf32, #tpu.memory_space<vmem>>[vector<16xi32>, vector<16xi32>], vector<16xf32>,
    %slice3A_638 = vector.extract_strided_slice %get3A_68 {offsets = [9], sizes = [1], strides = [1]} : vector<16xf32> to vector<1xf32>
    %squeeze3A_639 = vector.extract %slice3A_638[0] : f32 from vector<1xf32>
    %mul3A_640 = vector.broadcast %squeeze3A_639 : f32 to vector<16xf32>
    %mul3A_641 = arith.mulf %gather3A_637, %mul3A_640 : vector<16xf32>
    %add3A_642 = arith.addf %add3A_633, %mul3A_641 : vector<16xf32>
    %add3A_643 = arith.constant 10 : i32
    %add3A_644 = vector.broadcast %add3A_643 : i32 to vector<16xi32>
    %add3A_645 = arith.addi %broadcast_in_dim3A_69, %add3A_644 : vector<16xi32>
    %gather3A_646 = tpu.vector_load_idx %arg17[%add3A_550, %add3A_645] : memref<112x16xf32, #tpu.memory_space<vmem>>[vector<16xi32>, vector<16xi32>], vector<16xf32>,
    %slice3A_647 = vector.extract_strided_slice %get3A_68 {offsets = [10], sizes = [1], strides = [1]} : vector<16xf32> to vector<1xf32>
    %squeeze3A_648 = vector.extract %slice3A_647[0] : f32 from vector<1xf32>
    %mul3A_649 = vector.broadcast %squeeze3A_648 : f32 to vector<16xf32>
    %mul3A_650 = arith.mulf %gather3A_646, %mul3A_649 : vector<16xf32>
    %add3A_651 = arith.addf %add3A_642, %mul3A_650 : vector<16xf32>
    %add3A_652 = arith.constant 11 : i32
    %add3A_653 = vector.broadcast %add3A_652 : i32 to vector<16xi32>
    %add3A_654 = arith.addi %broadcast_in_dim3A_69, %add3A_653 : vector<16xi32>
    %gather3A_655 = tpu.vector_load_idx %arg17[%add3A_550, %add3A_654] : memref<112x16xf32, #tpu.memory_space<vmem>>[vector<16xi32>, vector<16xi32>], vector<16xf32>,
    %slice3A_656 = vector.extract_strided_slice %get3A_68 {offsets = [11], sizes = [1], strides = [1]} : vector<16xf32> to vector<1xf32>
    %squeeze3A_657 = vector.extract %slice3A_656[0] : f32 from vector<1xf32>
    %mul3A_658 = vector.broadcast %squeeze3A_657 : f32 to vector<16xf32>
    %mul3A_659 = arith.mulf %gather3A_655, %mul3A_658 : vector<16xf32>
    %add3A_660 = arith.addf %add3A_651, %mul3A_659 : vector<16xf32>
    %add3A_661 = arith.constant 12 : i32
    %add3A_662 = vector.broadcast %add3A_661 : i32 to vector<16xi32>
    %add3A_663 = arith.addi %broadcast_in_dim3A_69, %add3A_662 : vector<16xi32>
    %gather3A_664 = tpu.vector_load_idx %arg17[%add3A_550, %add3A_663] : memref<112x16xf32, #tpu.memory_space<vmem>>[vector<16xi32>, vector<16xi32>], vector<16xf32>,
    %slice3A_665 = vector.extract_strided_slice %get3A_68 {offsets = [12], sizes = [1], strides = [1]} : vector<16xf32> to vector<1xf32>
    %squeeze3A_666 = vector.extract %slice3A_665[0] : f32 from vector<1xf32>
    %mul3A_667 = vector.broadcast %squeeze3A_666 : f32 to vector<16xf32>
    %mul3A_668 = arith.mulf %gather3A_664, %mul3A_667 : vector<16xf32>
    %add3A_669 = arith.addf %add3A_660, %mul3A_668 : vector<16xf32>
    %add3A_670 = arith.constant 13 : i32
    %add3A_671 = vector.broadcast %add3A_670 : i32 to vector<16xi32>
    %add3A_672 = arith.addi %broadcast_in_dim3A_69, %add3A_671 : vector<16xi32>
    %gather3A_673 = tpu.vector_load_idx %arg17[%add3A_550, %add3A_672] : memref<112x16xf32, #tpu.memory_space<vmem>>[vector<16xi32>, vector<16xi32>], vector<16xf32>,
    %slice3A_674 = vector.extract_strided_slice %get3A_68 {offsets = [13], sizes = [1], strides = [1]} : vector<16xf32> to vector<1xf32>
    %squeeze3A_675 = vector.extract %slice3A_674[0] : f32 from vector<1xf32>
    %mul3A_676 = vector.broadcast %squeeze3A_675 : f32 to vector<16xf32>
    %mul3A_677 = arith.mulf %gather3A_673, %mul3A_676 : vector<16xf32>
    %add3A_678 = arith.addf %add3A_669, %mul3A_677 : vector<16xf32>
    %add3A_679 = arith.constant 14 : i32
    %add3A_680 = vector.broadcast %add3A_679 : i32 to vector<16xi32>
    %add3A_681 = arith.addi %broadcast_in_dim3A_69, %add3A_680 : vector<16xi32>
    %gather3A_682 = tpu.vector_load_idx %arg17[%add3A_550, %add3A_681] : memref<112x16xf32, #tpu.memory_space<vmem>>[vector<16xi32>, vector<16xi32>], vector<16xf32>,
    %slice3A_683 = vector.extract_strided_slice %get3A_68 {offsets = [14], sizes = [1], strides = [1]} : vector<16xf32> to vector<1xf32>
    %squeeze3A_684 = vector.extract %slice3A_683[0] : f32 from vector<1xf32>
    %mul3A_685 = vector.broadcast %squeeze3A_684 : f32 to vector<16xf32>
    %mul3A_686 = arith.mulf %gather3A_682, %mul3A_685 : vector<16xf32>
    %add3A_687 = arith.addf %add3A_678, %mul3A_686 : vector<16xf32>
    %add3A_688 = arith.constant 15 : i32
    %add3A_689 = vector.broadcast %add3A_688 : i32 to vector<16xi32>
    %add3A_690 = arith.addi %broadcast_in_dim3A_69, %add3A_689 : vector<16xi32>
    %gather3A_691 = tpu.vector_load_idx %arg17[%add3A_550, %add3A_690] : memref<112x16xf32, #tpu.memory_space<vmem>>[vector<16xi32>, vector<16xi32>], vector<16xf32>,
    %slice3A_692 = vector.extract_strided_slice %get3A_68 {offsets = [15], sizes = [1], strides = [1]} : vector<16xf32> to vector<1xf32>
    %squeeze3A_693 = vector.extract %slice3A_692[0] : f32 from vector<1xf32>
    %mul3A_694 = vector.broadcast %squeeze3A_693 : f32 to vector<16xf32>
    %mul3A_695 = arith.mulf %gather3A_691, %mul3A_694 : vector<16xf32>
    %add3A_696 = arith.addf %add3A_687, %mul3A_695 : vector<16xf32>
    %get3A_697 = arith.constant 48 : index
    %get3A_698 = tpu.vector_load %arg18[%get3A_697] {strides = array<i32>} : memref<112xf32, #tpu.memory_space<vmem>>, vector<16xf32>,
    %add3A_699 = vector.broadcast %squeeze3A_64 : f32 to vector<16xf32>
    %add3A_700 = arith.addf %add3A_696, %add3A_699 : vector<16xf32>
    %mul3A_701 = vector.broadcast %squeeze3A_62 : f32 to vector<16xf32>
    %mul3A_702 = arith.mulf %mul3A_701, %add3A_700 : vector<16xf32>
    %add3A_703 = arith.addf %mul3A_702, %get3A_698 : vector<16xf32>
    %add3A_704 = vector.broadcast %squeeze3A_66 : f32 to vector<16xf32>
    %add3A_705 = arith.addf %add3A_703, %add3A_704 : vector<16xf32>
    %swap3A_706 = arith.constant 48 : index
    %swap3A_707 = tpu.vector_load %arg21[%swap3A_706] {strides = array<i32>} : memref<128xf32, #tpu.memory_space<vmem>>, vector<16xf32>,
    tpu.vector_store %arg21[%swap3A_706], %add3A_705 {strides = array<i32>} : memref<128xf32, #tpu.memory_space<vmem>>, vector<16xf32>,
    %add3A_708 = arith.constant 64 : i32
    %add3A_709 = vector.broadcast %add3A_708 : i32 to vector<16xi32>
    %add3A_710 = arith.addi %add3A_709, %iota3A : vector<16xi32>
    %broadcast_in_dim3A_711 = arith.constant 0.000000e+00 : f32
    %broadcast_in_dim3A_712 = vector.broadcast %broadcast_in_dim3A_711 : f32 to vector<16xf32>
    %add3A_713 = arith.constant 0 : i32
    %add3A_714 = vector.broadcast %add3A_713 : i32 to vector<16xi32>
    %add3A_715 = arith.addi %broadcast_in_dim3A_69, %add3A_714 : vector<16xi32>
    %gather3A_716 = tpu.vector_load_idx %arg17[%add3A_710, %add3A_715] : memref<112x16xf32, #tpu.memory_space<vmem>>[vector<16xi32>, vector<16xi32>], vector<16xf32>,
    %slice3A_717 = vector.extract_strided_slice %get3A_68 {offsets = [0], sizes = [1], strides = [1]} : vector<16xf32> to vector<1xf32>
    %squeeze3A_718 = vector.extract %slice3A_717[0] : f32 from vector<1xf32>
    %mul3A_719 = vector.broadcast %squeeze3A_718 : f32 to vector<16xf32>
    %mul3A_720 = arith.mulf %gather3A_716, %mul3A_719 : vector<16xf32>
    %add3A_721 = arith.addf %broadcast_in_dim3A_712, %mul3A_720 : vector<16xf32>
    %add3A_722 = arith.constant 1 : i32
    %add3A_723 = vector.broadcast %add3A_722 : i32 to vector<16xi32>
    %add3A_724 = arith.addi %broadcast_in_dim3A_69, %add3A_723 : vector<16xi32>
    %gather3A_725 = tpu.vector_load_idx %arg17[%add3A_710, %add3A_724] : memref<112x16xf32, #tpu.memory_space<vmem>>[vector<16xi32>, vector<16xi32>], vector<16xf32>,
    %slice3A_726 = vector.extract_strided_slice %get3A_68 {offsets = [1], sizes = [1], strides = [1]} : vector<16xf32> to vector<1xf32>
    %squeeze3A_727 = vector.extract %slice3A_726[0] : f32 from vector<1xf32>
    %mul3A_728 = vector.broadcast %squeeze3A_727 : f32 to vector<16xf32>
    %mul3A_729 = arith.mulf %gather3A_725, %mul3A_728 : vector<16xf32>
    %add3A_730 = arith.addf %add3A_721, %mul3A_729 : vector<16xf32>
    %add3A_731 = arith.constant 2 : i32
    %add3A_732 = vector.broadcast %add3A_731 : i32 to vector<16xi32>
    %add3A_733 = arith.addi %broadcast_in_dim3A_69, %add3A_732 : vector<16xi32>
    %gather3A_734 = tpu.vector_load_idx %arg17[%add3A_710, %add3A_733] : memref<112x16xf32, #tpu.memory_space<vmem>>[vector<16xi32>, vector<16xi32>], vector<16xf32>,
    %slice3A_735 = vector.extract_strided_slice %get3A_68 {offsets = [2], sizes = [1], strides = [1]} : vector<16xf32> to vector<1xf32>
    %squeeze3A_736 = vector.extract %slice3A_735[0] : f32 from vector<1xf32>
    %mul3A_737 = vector.broadcast %squeeze3A_736 : f32 to vector<16xf32>
    %mul3A_738 = arith.mulf %gather3A_734, %mul3A_737 : vector<16xf32>
    %add3A_739 = arith.addf %add3A_730, %mul3A_738 : vector<16xf32>
    %add3A_740 = arith.constant 3 : i32
    %add3A_741 = vector.broadcast %add3A_740 : i32 to vector<16xi32>
    %add3A_742 = arith.addi %broadcast_in_dim3A_69, %add3A_741 : vector<16xi32>
    %gather3A_743 = tpu.vector_load_idx %arg17[%add3A_710, %add3A_742] : memref<112x16xf32, #tpu.memory_space<vmem>>[vector<16xi32>, vector<16xi32>], vector<16xf32>,
    %slice3A_744 = vector.extract_strided_slice %get3A_68 {offsets = [3], sizes = [1], strides = [1]} : vector<16xf32> to vector<1xf32>
    %squeeze3A_745 = vector.extract %slice3A_744[0] : f32 from vector<1xf32>
    %mul3A_746 = vector.broadcast %squeeze3A_745 : f32 to vector<16xf32>
    %mul3A_747 = arith.mulf %gather3A_743, %mul3A_746 : vector<16xf32>
    %add3A_748 = arith.addf %add3A_739, %mul3A_747 : vector<16xf32>
    %add3A_749 = arith.constant 4 : i32
    %add3A_750 = vector.broadcast %add3A_749 : i32 to vector<16xi32>
    %add3A_751 = arith.addi %broadcast_in_dim3A_69, %add3A_750 : vector<16xi32>
    %gather3A_752 = tpu.vector_load_idx %arg17[%add3A_710, %add3A_751] : memref<112x16xf32, #tpu.memory_space<vmem>>[vector<16xi32>, vector<16xi32>], vector<16xf32>,
    %slice3A_753 = vector.extract_strided_slice %get3A_68 {offsets = [4], sizes = [1], strides = [1]} : vector<16xf32> to vector<1xf32>
    %squeeze3A_754 = vector.extract %slice3A_753[0] : f32 from vector<1xf32>
    %mul3A_755 = vector.broadcast %squeeze3A_754 : f32 to vector<16xf32>
    %mul3A_756 = arith.mulf %gather3A_752, %mul3A_755 : vector<16xf32>
    %add3A_757 = arith.addf %add3A_748, %mul3A_756 : vector<16xf32>
    %add3A_758 = arith.constant 5 : i32
    %add3A_759 = vector.broadcast %add3A_758 : i32 to vector<16xi32>
    %add3A_760 = arith.addi %broadcast_in_dim3A_69, %add3A_759 : vector<16xi32>
    %gather3A_761 = tpu.vector_load_idx %arg17[%add3A_710, %add3A_760] : memref<112x16xf32, #tpu.memory_space<vmem>>[vector<16xi32>, vector<16xi32>], vector<16xf32>,
    %slice3A_762 = vector.extract_strided_slice %get3A_68 {offsets = [5], sizes = [1], strides = [1]} : vector<16xf32> to vector<1xf32>
    %squeeze3A_763 = vector.extract %slice3A_762[0] : f32 from vector<1xf32>
    %mul3A_764 = vector.broadcast %squeeze3A_763 : f32 to vector<16xf32>
    %mul3A_765 = arith.mulf %gather3A_761, %mul3A_764 : vector<16xf32>
    %add3A_766 = arith.addf %add3A_757, %mul3A_765 : vector<16xf32>
    %add3A_767 = arith.constant 6 : i32
    %add3A_768 = vector.broadcast %add3A_767 : i32 to vector<16xi32>
    %add3A_769 = arith.addi %broadcast_in_dim3A_69, %add3A_768 : vector<16xi32>
    %gather3A_770 = tpu.vector_load_idx %arg17[%add3A_710, %add3A_769] : memref<112x16xf32, #tpu.memory_space<vmem>>[vector<16xi32>, vector<16xi32>], vector<16xf32>,
    %slice3A_771 = vector.extract_strided_slice %get3A_68 {offsets = [6], sizes = [1], strides = [1]} : vector<16xf32> to vector<1xf32>
    %squeeze3A_772 = vector.extract %slice3A_771[0] : f32 from vector<1xf32>
    %mul3A_773 = vector.broadcast %squeeze3A_772 : f32 to vector<16xf32>
    %mul3A_774 = arith.mulf %gather3A_770, %mul3A_773 : vector<16xf32>
    %add3A_775 = arith.addf %add3A_766, %mul3A_774 : vector<16xf32>
    %add3A_776 = arith.constant 7 : i32
    %add3A_777 = vector.broadcast %add3A_776 : i32 to vector<16xi32>
    %add3A_778 = arith.addi %broadcast_in_dim3A_69, %add3A_777 : vector<16xi32>
    %gather3A_779 = tpu.vector_load_idx %arg17[%add3A_710, %add3A_778] : memref<112x16xf32, #tpu.memory_space<vmem>>[vector<16xi32>, vector<16xi32>], vector<16xf32>,
    %slice3A_780 = vector.extract_strided_slice %get3A_68 {offsets = [7], sizes = [1], strides = [1]} : vector<16xf32> to vector<1xf32>
    %squeeze3A_781 = vector.extract %slice3A_780[0] : f32 from vector<1xf32>
    %mul3A_782 = vector.broadcast %squeeze3A_781 : f32 to vector<16xf32>
    %mul3A_783 = arith.mulf %gather3A_779, %mul3A_782 : vector<16xf32>
    %add3A_784 = arith.addf %add3A_775, %mul3A_783 : vector<16xf32>
    %add3A_785 = arith.constant 8 : i32
    %add3A_786 = vector.broadcast %add3A_785 : i32 to vector<16xi32>
    %add3A_787 = arith.addi %broadcast_in_dim3A_69, %add3A_786 : vector<16xi32>
    %gather3A_788 = tpu.vector_load_idx %arg17[%add3A_710, %add3A_787] : memref<112x16xf32, #tpu.memory_space<vmem>>[vector<16xi32>, vector<16xi32>], vector<16xf32>,
    %slice3A_789 = vector.extract_strided_slice %get3A_68 {offsets = [8], sizes = [1], strides = [1]} : vector<16xf32> to vector<1xf32>
    %squeeze3A_790 = vector.extract %slice3A_789[0] : f32 from vector<1xf32>
    %mul3A_791 = vector.broadcast %squeeze3A_790 : f32 to vector<16xf32>
    %mul3A_792 = arith.mulf %gather3A_788, %mul3A_791 : vector<16xf32>
    %add3A_793 = arith.addf %add3A_784, %mul3A_792 : vector<16xf32>
    %add3A_794 = arith.constant 9 : i32
    %add3A_795 = vector.broadcast %add3A_794 : i32 to vector<16xi32>
    %add3A_796 = arith.addi %broadcast_in_dim3A_69, %add3A_795 : vector<16xi32>
    %gather3A_797 = tpu.vector_load_idx %arg17[%add3A_710, %add3A_796] : memref<112x16xf32, #tpu.memory_space<vmem>>[vector<16xi32>, vector<16xi32>], vector<16xf32>,
    %slice3A_798 = vector.extract_strided_slice %get3A_68 {offsets = [9], sizes = [1], strides = [1]} : vector<16xf32> to vector<1xf32>
    %squeeze3A_799 = vector.extract %slice3A_798[0] : f32 from vector<1xf32>
    %mul3A_800 = vector.broadcast %squeeze3A_799 : f32 to vector<16xf32>
    %mul3A_801 = arith.mulf %gather3A_797, %mul3A_800 : vector<16xf32>
    %add3A_802 = arith.addf %add3A_793, %mul3A_801 : vector<16xf32>
    %add3A_803 = arith.constant 10 : i32
    %add3A_804 = vector.broadcast %add3A_803 : i32 to vector<16xi32>
    %add3A_805 = arith.addi %broadcast_in_dim3A_69, %add3A_804 : vector<16xi32>
    %gather3A_806 = tpu.vector_load_idx %arg17[%add3A_710, %add3A_805] : memref<112x16xf32, #tpu.memory_space<vmem>>[vector<16xi32>, vector<16xi32>], vector<16xf32>,
    %slice3A_807 = vector.extract_strided_slice %get3A_68 {offsets = [10], sizes = [1], strides = [1]} : vector<16xf32> to vector<1xf32>
    %squeeze3A_808 = vector.extract %slice3A_807[0] : f32 from vector<1xf32>
    %mul3A_809 = vector.broadcast %squeeze3A_808 : f32 to vector<16xf32>
    %mul3A_810 = arith.mulf %gather3A_806, %mul3A_809 : vector<16xf32>
    %add3A_811 = arith.addf %add3A_802, %mul3A_810 : vector<16xf32>
    %add3A_812 = arith.constant 11 : i32
    %add3A_813 = vector.broadcast %add3A_812 : i32 to vector<16xi32>
    %add3A_814 = arith.addi %broadcast_in_dim3A_69, %add3A_813 : vector<16xi32>
    %gather3A_815 = tpu.vector_load_idx %arg17[%add3A_710, %add3A_814] : memref<112x16xf32, #tpu.memory_space<vmem>>[vector<16xi32>, vector<16xi32>], vector<16xf32>,
    %slice3A_816 = vector.extract_strided_slice %get3A_68 {offsets = [11], sizes = [1], strides = [1]} : vector<16xf32> to vector<1xf32>
    %squeeze3A_817 = vector.extract %slice3A_816[0] : f32 from vector<1xf32>
    %mul3A_818 = vector.broadcast %squeeze3A_817 : f32 to vector<16xf32>
    %mul3A_819 = arith.mulf %gather3A_815, %mul3A_818 : vector<16xf32>
    %add3A_820 = arith.addf %add3A_811, %mul3A_819 : vector<16xf32>
    %add3A_821 = arith.constant 12 : i32
    %add3A_822 = vector.broadcast %add3A_821 : i32 to vector<16xi32>
    %add3A_823 = arith.addi %broadcast_in_dim3A_69, %add3A_822 : vector<16xi32>
    %gather3A_824 = tpu.vector_load_idx %arg17[%add3A_710, %add3A_823] : memref<112x16xf32, #tpu.memory_space<vmem>>[vector<16xi32>, vector<16xi32>], vector<16xf32>,
    %slice3A_825 = vector.extract_strided_slice %get3A_68 {offsets = [12], sizes = [1], strides = [1]} : vector<16xf32> to vector<1xf32>
    %squeeze3A_826 = vector.extract %slice3A_825[0] : f32 from vector<1xf32>
    %mul3A_827 = vector.broadcast %squeeze3A_826 : f32 to vector<16xf32>
    %mul3A_828 = arith.mulf %gather3A_824, %mul3A_827 : vector<16xf32>
    %add3A_829 = arith.addf %add3A_820, %mul3A_828 : vector<16xf32>
    %add3A_830 = arith.constant 13 : i32
    %add3A_831 = vector.broadcast %add3A_830 : i32 to vector<16xi32>
    %add3A_832 = arith.addi %broadcast_in_dim3A_69, %add3A_831 : vector<16xi32>
    %gather3A_833 = tpu.vector_load_idx %arg17[%add3A_710, %add3A_832] : memref<112x16xf32, #tpu.memory_space<vmem>>[vector<16xi32>, vector<16xi32>], vector<16xf32>,
    %slice3A_834 = vector.extract_strided_slice %get3A_68 {offsets = [13], sizes = [1], strides = [1]} : vector<16xf32> to vector<1xf32>
    %squeeze3A_835 = vector.extract %slice3A_834[0] : f32 from vector<1xf32>
    %mul3A_836 = vector.broadcast %squeeze3A_835 : f32 to vector<16xf32>
    %mul3A_837 = arith.mulf %gather3A_833, %mul3A_836 : vector<16xf32>
    %add3A_838 = arith.addf %add3A_829, %mul3A_837 : vector<16xf32>
    %add3A_839 = arith.constant 14 : i32
    %add3A_840 = vector.broadcast %add3A_839 : i32 to vector<16xi32>
    %add3A_841 = arith.addi %broadcast_in_dim3A_69, %add3A_840 : vector<16xi32>
    %gather3A_842 = tpu.vector_load_idx %arg17[%add3A_710, %add3A_841] : memref<112x16xf32, #tpu.memory_space<vmem>>[vector<16xi32>, vector<16xi32>], vector<16xf32>,
    %slice3A_843 = vector.extract_strided_slice %get3A_68 {offsets = [14], sizes = [1], strides = [1]} : vector<16xf32> to vector<1xf32>
    %squeeze3A_844 = vector.extract %slice3A_843[0] : f32 from vector<1xf32>
    %mul3A_845 = vector.broadcast %squeeze3A_844 : f32 to vector<16xf32>
    %mul3A_846 = arith.mulf %gather3A_842, %mul3A_845 : vector<16xf32>
    %add3A_847 = arith.addf %add3A_838, %mul3A_846 : vector<16xf32>
    %add3A_848 = arith.constant 15 : i32
    %add3A_849 = vector.broadcast %add3A_848 : i32 to vector<16xi32>
    %add3A_850 = arith.addi %broadcast_in_dim3A_69, %add3A_849 : vector<16xi32>
    %gather3A_851 = tpu.vector_load_idx %arg17[%add3A_710, %add3A_850] : memref<112x16xf32, #tpu.memory_space<vmem>>[vector<16xi32>, vector<16xi32>], vector<16xf32>,
    %slice3A_852 = vector.extract_strided_slice %get3A_68 {offsets = [15], sizes = [1], strides = [1]} : vector<16xf32> to vector<1xf32>
    %squeeze3A_853 = vector.extract %slice3A_852[0] : f32 from vector<1xf32>
    %mul3A_854 = vector.broadcast %squeeze3A_853 : f32 to vector<16xf32>
    %mul3A_855 = arith.mulf %gather3A_851, %mul3A_854 : vector<16xf32>
    %add3A_856 = arith.addf %add3A_847, %mul3A_855 : vector<16xf32>
    %get3A_857 = arith.constant 64 : index
    %get3A_858 = tpu.vector_load %arg18[%get3A_857] {strides = array<i32>} : memref<112xf32, #tpu.memory_space<vmem>>, vector<16xf32>,
    %add3A_859 = vector.broadcast %squeeze3A_64 : f32 to vector<16xf32>
    %add3A_860 = arith.addf %add3A_856, %add3A_859 : vector<16xf32>
    %mul3A_861 = vector.broadcast %squeeze3A_62 : f32 to vector<16xf32>
    %mul3A_862 = arith.mulf %mul3A_861, %add3A_860 : vector<16xf32>
    %add3A_863 = arith.addf %mul3A_862, %get3A_858 : vector<16xf32>
    %add3A_864 = vector.broadcast %squeeze3A_66 : f32 to vector<16xf32>
    %add3A_865 = arith.addf %add3A_863, %add3A_864 : vector<16xf32>
    %swap3A_866 = arith.constant 64 : index
    %swap3A_867 = tpu.vector_load %arg21[%swap3A_866] {strides = array<i32>} : memref<128xf32, #tpu.memory_space<vmem>>, vector<16xf32>,
    tpu.vector_store %arg21[%swap3A_866], %add3A_865 {strides = array<i32>} : memref<128xf32, #tpu.memory_space<vmem>>, vector<16xf32>,
    %add3A_868 = arith.constant 80 : i32
    %add3A_869 = vector.broadcast %add3A_868 : i32 to vector<16xi32>
    %add3A_870 = arith.addi %add3A_869, %iota3A : vector<16xi32>
    %broadcast_in_dim3A_871 = arith.constant 0.000000e+00 : f32
    %broadcast_in_dim3A_872 = vector.broadcast %broadcast_in_dim3A_871 : f32 to vector<16xf32>
    %add3A_873 = arith.constant 0 : i32
    %add3A_874 = vector.broadcast %add3A_873 : i32 to vector<16xi32>
    %add3A_875 = arith.addi %broadcast_in_dim3A_69, %add3A_874 : vector<16xi32>
    %gather3A_876 = tpu.vector_load_idx %arg17[%add3A_870, %add3A_875] : memref<112x16xf32, #tpu.memory_space<vmem>>[vector<16xi32>, vector<16xi32>], vector<16xf32>,
    %slice3A_877 = vector.extract_strided_slice %get3A_68 {offsets = [0], sizes = [1], strides = [1]} : vector<16xf32> to vector<1xf32>
    %squeeze3A_878 = vector.extract %slice3A_877[0] : f32 from vector<1xf32>
    %mul3A_879 = vector.broadcast %squeeze3A_878 : f32 to vector<16xf32>
    %mul3A_880 = arith.mulf %gather3A_876, %mul3A_879 : vector<16xf32>
    %add3A_881 = arith.addf %broadcast_in_dim3A_872, %mul3A_880 : vector<16xf32>
    %add3A_882 = arith.constant 1 : i32
    %add3A_883 = vector.broadcast %add3A_882 : i32 to vector<16xi32>
    %add3A_884 = arith.addi %broadcast_in_dim3A_69, %add3A_883 : vector<16xi32>
    %gather3A_885 = tpu.vector_load_idx %arg17[%add3A_870, %add3A_884] : memref<112x16xf32, #tpu.memory_space<vmem>>[vector<16xi32>, vector<16xi32>], vector<16xf32>,
    %slice3A_886 = vector.extract_strided_slice %get3A_68 {offsets = [1], sizes = [1], strides = [1]} : vector<16xf32> to vector<1xf32>
    %squeeze3A_887 = vector.extract %slice3A_886[0] : f32 from vector<1xf32>
    %mul3A_888 = vector.broadcast %squeeze3A_887 : f32 to vector<16xf32>
    %mul3A_889 = arith.mulf %gather3A_885, %mul3A_888 : vector<16xf32>
    %add3A_890 = arith.addf %add3A_881, %mul3A_889 : vector<16xf32>
    %add3A_891 = arith.constant 2 : i32
    %add3A_892 = vector.broadcast %add3A_891 : i32 to vector<16xi32>
    %add3A_893 = arith.addi %broadcast_in_dim3A_69, %add3A_892 : vector<16xi32>
    %gather3A_894 = tpu.vector_load_idx %arg17[%add3A_870, %add3A_893] : memref<112x16xf32, #tpu.memory_space<vmem>>[vector<16xi32>, vector<16xi32>], vector<16xf32>,
    %slice3A_895 = vector.extract_strided_slice %get3A_68 {offsets = [2], sizes = [1], strides = [1]} : vector<16xf32> to vector<1xf32>
    %squeeze3A_896 = vector.extract %slice3A_895[0] : f32 from vector<1xf32>
    %mul3A_897 = vector.broadcast %squeeze3A_896 : f32 to vector<16xf32>
    %mul3A_898 = arith.mulf %gather3A_894, %mul3A_897 : vector<16xf32>
    %add3A_899 = arith.addf %add3A_890, %mul3A_898 : vector<16xf32>
    %add3A_900 = arith.constant 3 : i32
    %add3A_901 = vector.broadcast %add3A_900 : i32 to vector<16xi32>
    %add3A_902 = arith.addi %broadcast_in_dim3A_69, %add3A_901 : vector<16xi32>
    %gather3A_903 = tpu.vector_load_idx %arg17[%add3A_870, %add3A_902] : memref<112x16xf32, #tpu.memory_space<vmem>>[vector<16xi32>, vector<16xi32>], vector<16xf32>,
    %slice3A_904 = vector.extract_strided_slice %get3A_68 {offsets = [3], sizes = [1], strides = [1]} : vector<16xf32> to vector<1xf32>
    %squeeze3A_905 = vector.extract %slice3A_904[0] : f32 from vector<1xf32>
    %mul3A_906 = vector.broadcast %squeeze3A_905 : f32 to vector<16xf32>
    %mul3A_907 = arith.mulf %gather3A_903, %mul3A_906 : vector<16xf32>
    %add3A_908 = arith.addf %add3A_899, %mul3A_907 : vector<16xf32>
    %add3A_909 = arith.constant 4 : i32
    %add3A_910 = vector.broadcast %add3A_909 : i32 to vector<16xi32>
    %add3A_911 = arith.addi %broadcast_in_dim3A_69, %add3A_910 : vector<16xi32>
    %gather3A_912 = tpu.vector_load_idx %arg17[%add3A_870, %add3A_911] : memref<112x16xf32, #tpu.memory_space<vmem>>[vector<16xi32>, vector<16xi32>], vector<16xf32>,
    %slice3A_913 = vector.extract_strided_slice %get3A_68 {offsets = [4], sizes = [1], strides = [1]} : vector<16xf32> to vector<1xf32>
    %squeeze3A_914 = vector.extract %slice3A_913[0] : f32 from vector<1xf32>
    %mul3A_915 = vector.broadcast %squeeze3A_914 : f32 to vector<16xf32>
    %mul3A_916 = arith.mulf %gather3A_912, %mul3A_915 : vector<16xf32>
    %add3A_917 = arith.addf %add3A_908, %mul3A_916 : vector<16xf32>
    %add3A_918 = arith.constant 5 : i32
    %add3A_919 = vector.broadcast %add3A_918 : i32 to vector<16xi32>
    %add3A_920 = arith.addi %broadcast_in_dim3A_69, %add3A_919 : vector<16xi32>
    %gather3A_921 = tpu.vector_load_idx %arg17[%add3A_870, %add3A_920] : memref<112x16xf32, #tpu.memory_space<vmem>>[vector<16xi32>, vector<16xi32>], vector<16xf32>,
    %slice3A_922 = vector.extract_strided_slice %get3A_68 {offsets = [5], sizes = [1], strides = [1]} : vector<16xf32> to vector<1xf32>
    %squeeze3A_923 = vector.extract %slice3A_922[0] : f32 from vector<1xf32>
    %mul3A_924 = vector.broadcast %squeeze3A_923 : f32 to vector<16xf32>
    %mul3A_925 = arith.mulf %gather3A_921, %mul3A_924 : vector<16xf32>
    %add3A_926 = arith.addf %add3A_917, %mul3A_925 : vector<16xf32>
    %add3A_927 = arith.constant 6 : i32
    %add3A_928 = vector.broadcast %add3A_927 : i32 to vector<16xi32>
    %add3A_929 = arith.addi %broadcast_in_dim3A_69, %add3A_928 : vector<16xi32>
    %gather3A_930 = tpu.vector_load_idx %arg17[%add3A_870, %add3A_929] : memref<112x16xf32, #tpu.memory_space<vmem>>[vector<16xi32>, vector<16xi32>], vector<16xf32>,
    %slice3A_931 = vector.extract_strided_slice %get3A_68 {offsets = [6], sizes = [1], strides = [1]} : vector<16xf32> to vector<1xf32>
    %squeeze3A_932 = vector.extract %slice3A_931[0] : f32 from vector<1xf32>
    %mul3A_933 = vector.broadcast %squeeze3A_932 : f32 to vector<16xf32>
    %mul3A_934 = arith.mulf %gather3A_930, %mul3A_933 : vector<16xf32>
    %add3A_935 = arith.addf %add3A_926, %mul3A_934 : vector<16xf32>
    %add3A_936 = arith.constant 7 : i32
    %add3A_937 = vector.broadcast %add3A_936 : i32 to vector<16xi32>
    %add3A_938 = arith.addi %broadcast_in_dim3A_69, %add3A_937 : vector<16xi32>
    %gather3A_939 = tpu.vector_load_idx %arg17[%add3A_870, %add3A_938] : memref<112x16xf32, #tpu.memory_space<vmem>>[vector<16xi32>, vector<16xi32>], vector<16xf32>,
    %slice3A_940 = vector.extract_strided_slice %get3A_68 {offsets = [7], sizes = [1], strides = [1]} : vector<16xf32> to vector<1xf32>
    %squeeze3A_941 = vector.extract %slice3A_940[0] : f32 from vector<1xf32>
    %mul3A_942 = vector.broadcast %squeeze3A_941 : f32 to vector<16xf32>
    %mul3A_943 = arith.mulf %gather3A_939, %mul3A_942 : vector<16xf32>
    %add3A_944 = arith.addf %add3A_935, %mul3A_943 : vector<16xf32>
    %add3A_945 = arith.constant 8 : i32
    %add3A_946 = vector.broadcast %add3A_945 : i32 to vector<16xi32>
    %add3A_947 = arith.addi %broadcast_in_dim3A_69, %add3A_946 : vector<16xi32>
    %gather3A_948 = tpu.vector_load_idx %arg17[%add3A_870, %add3A_947] : memref<112x16xf32, #tpu.memory_space<vmem>>[vector<16xi32>, vector<16xi32>], vector<16xf32>,
    %slice3A_949 = vector.extract_strided_slice %get3A_68 {offsets = [8], sizes = [1], strides = [1]} : vector<16xf32> to vector<1xf32>
    %squeeze3A_950 = vector.extract %slice3A_949[0] : f32 from vector<1xf32>
    %mul3A_951 = vector.broadcast %squeeze3A_950 : f32 to vector<16xf32>
    %mul3A_952 = arith.mulf %gather3A_948, %mul3A_951 : vector<16xf32>
    %add3A_953 = arith.addf %add3A_944, %mul3A_952 : vector<16xf32>
    %add3A_954 = arith.constant 9 : i32
    %add3A_955 = vector.broadcast %add3A_954 : i32 to vector<16xi32>
    %add3A_956 = arith.addi %broadcast_in_dim3A_69, %add3A_955 : vector<16xi32>
    %gather3A_957 = tpu.vector_load_idx %arg17[%add3A_870, %add3A_956] : memref<112x16xf32, #tpu.memory_space<vmem>>[vector<16xi32>, vector<16xi32>], vector<16xf32>,
    %slice3A_958 = vector.extract_strided_slice %get3A_68 {offsets = [9], sizes = [1], strides = [1]} : vector<16xf32> to vector<1xf32>
    %squeeze3A_959 = vector.extract %slice3A_958[0] : f32 from vector<1xf32>
    %mul3A_960 = vector.broadcast %squeeze3A_959 : f32 to vector<16xf32>
    %mul3A_961 = arith.mulf %gather3A_957, %mul3A_960 : vector<16xf32>
    %add3A_962 = arith.addf %add3A_953, %mul3A_961 : vector<16xf32>
    %add3A_963 = arith.constant 10 : i32
    %add3A_964 = vector.broadcast %add3A_963 : i32 to vector<16xi32>
    %add3A_965 = arith.addi %broadcast_in_dim3A_69, %add3A_964 : vector<16xi32>
    %gather3A_966 = tpu.vector_load_idx %arg17[%add3A_870, %add3A_965] : memref<112x16xf32, #tpu.memory_space<vmem>>[vector<16xi32>, vector<16xi32>], vector<16xf32>,
    %slice3A_967 = vector.extract_strided_slice %get3A_68 {offsets = [10], sizes = [1], strides = [1]} : vector<16xf32> to vector<1xf32>
    %squeeze3A_968 = vector.extract %slice3A_967[0] : f32 from vector<1xf32>
    %mul3A_969 = vector.broadcast %squeeze3A_968 : f32 to vector<16xf32>
    %mul3A_970 = arith.mulf %gather3A_966, %mul3A_969 : vector<16xf32>
    %add3A_971 = arith.addf %add3A_962, %mul3A_970 : vector<16xf32>
    %add3A_972 = arith.constant 11 : i32
    %add3A_973 = vector.broadcast %add3A_972 : i32 to vector<16xi32>
    %add3A_974 = arith.addi %broadcast_in_dim3A_69, %add3A_973 : vector<16xi32>
    %gather3A_975 = tpu.vector_load_idx %arg17[%add3A_870, %add3A_974] : memref<112x16xf32, #tpu.memory_space<vmem>>[vector<16xi32>, vector<16xi32>], vector<16xf32>,
    %slice3A_976 = vector.extract_strided_slice %get3A_68 {offsets = [11], sizes = [1], strides = [1]} : vector<16xf32> to vector<1xf32>
    %squeeze3A_977 = vector.extract %slice3A_976[0] : f32 from vector<1xf32>
    %mul3A_978 = vector.broadcast %squeeze3A_977 : f32 to vector<16xf32>
    %mul3A_979 = arith.mulf %gather3A_975, %mul3A_978 : vector<16xf32>
    %add3A_980 = arith.addf %add3A_971, %mul3A_979 : vector<16xf32>
    %add3A_981 = arith.constant 12 : i32
    %add3A_982 = vector.broadcast %add3A_981 : i32 to vector<16xi32>
    %add3A_983 = arith.addi %broadcast_in_dim3A_69, %add3A_982 : vector<16xi32>
    %gather3A_984 = tpu.vector_load_idx %arg17[%add3A_870, %add3A_983] : memref<112x16xf32, #tpu.memory_space<vmem>>[vector<16xi32>, vector<16xi32>], vector<16xf32>,
    %slice3A_985 = vector.extract_strided_slice %get3A_68 {offsets = [12], sizes = [1], strides = [1]} : vector<16xf32> to vector<1xf32>
    %squeeze3A_986 = vector.extract %slice3A_985[0] : f32 from vector<1xf32>
    %mul3A_987 = vector.broadcast %squeeze3A_986 : f32 to vector<16xf32>
    %mul3A_988 = arith.mulf %gather3A_984, %mul3A_987 : vector<16xf32>
    %add3A_989 = arith.addf %add3A_980, %mul3A_988 : vector<16xf32>
    %add3A_990 = arith.constant 13 : i32
    %add3A_991 = vector.broadcast %add3A_990 : i32 to vector<16xi32>
    %add3A_992 = arith.addi %broadcast_in_dim3A_69, %add3A_991 : vector<16xi32>
    %gather3A_993 = tpu.vector_load_idx %arg17[%add3A_870, %add3A_992] : memref<112x16xf32, #tpu.memory_space<vmem>>[vector<16xi32>, vector<16xi32>], vector<16xf32>,
    %slice3A_994 = vector.extract_strided_slice %get3A_68 {offsets = [13], sizes = [1], strides = [1]} : vector<16xf32> to vector<1xf32>
    %squeeze3A_995 = vector.extract %slice3A_994[0] : f32 from vector<1xf32>
    %mul3A_996 = vector.broadcast %squeeze3A_995 : f32 to vector<16xf32>
    %mul3A_997 = arith.mulf %gather3A_993, %mul3A_996 : vector<16xf32>
    %add3A_998 = arith.addf %add3A_989, %mul3A_997 : vector<16xf32>
    %add3A_999 = arith.constant 14 : i32
    %add3A_1000 = vector.broadcast %add3A_999 : i32 to vector<16xi32>
    %add3A_1001 = arith.addi %broadcast_in_dim3A_69, %add3A_1000 : vector<16xi32>
    %gather3A_1002 = tpu.vector_load_idx %arg17[%add3A_870, %add3A_1001] : memref<112x16xf32, #tpu.memory_space<vmem>>[vector<16xi32>, vector<16xi32>], vector<16xf32>,
    %slice3A_1003 = vector.extract_strided_slice %get3A_68 {offsets = [14], sizes = [1], strides = [1]} : vector<16xf32> to vector<1xf32>
    %squeeze3A_1004 = vector.extract %slice3A_1003[0] : f32 from vector<1xf32>
    %mul3A_1005 = vector.broadcast %squeeze3A_1004 : f32 to vector<16xf32>
    %mul3A_1006 = arith.mulf %gather3A_1002, %mul3A_1005 : vector<16xf32>
    %add3A_1007 = arith.addf %add3A_998, %mul3A_1006 : vector<16xf32>
    %add3A_1008 = arith.constant 15 : i32
    %add3A_1009 = vector.broadcast %add3A_1008 : i32 to vector<16xi32>
    %add3A_1010 = arith.addi %broadcast_in_dim3A_69, %add3A_1009 : vector<16xi32>
    %gather3A_1011 = tpu.vector_load_idx %arg17[%add3A_870, %add3A_1010] : memref<112x16xf32, #tpu.memory_space<vmem>>[vector<16xi32>, vector<16xi32>], vector<16xf32>,
    %slice3A_1012 = vector.extract_strided_slice %get3A_68 {offsets = [15], sizes = [1], strides = [1]} : vector<16xf32> to vector<1xf32>
    %squeeze3A_1013 = vector.extract %slice3A_1012[0] : f32 from vector<1xf32>
    %mul3A_1014 = vector.broadcast %squeeze3A_1013 : f32 to vector<16xf32>
    %mul3A_1015 = arith.mulf %gather3A_1011, %mul3A_1014 : vector<16xf32>
    %add3A_1016 = arith.addf %add3A_1007, %mul3A_1015 : vector<16xf32>
    %get3A_1017 = arith.constant 80 : index
    %get3A_1018 = tpu.vector_load %arg18[%get3A_1017] {strides = array<i32>} : memref<112xf32, #tpu.memory_space<vmem>>, vector<16xf32>,
    %add3A_1019 = vector.broadcast %squeeze3A_64 : f32 to vector<16xf32>
    %add3A_1020 = arith.addf %add3A_1016, %add3A_1019 : vector<16xf32>
    %mul3A_1021 = vector.broadcast %squeeze3A_62 : f32 to vector<16xf32>
    %mul3A_1022 = arith.mulf %mul3A_1021, %add3A_1020 : vector<16xf32>
    %add3A_1023 = arith.addf %mul3A_1022, %get3A_1018 : vector<16xf32>
    %add3A_1024 = vector.broadcast %squeeze3A_66 : f32 to vector<16xf32>
    %add3A_1025 = arith.addf %add3A_1023, %add3A_1024 : vector<16xf32>
    %swap3A_1026 = arith.constant 80 : index
    %swap3A_1027 = tpu.vector_load %arg21[%swap3A_1026] {strides = array<i32>} : memref<128xf32, #tpu.memory_space<vmem>>, vector<16xf32>,
    tpu.vector_store %arg21[%swap3A_1026], %add3A_1025 {strides = array<i32>} : memref<128xf32, #tpu.memory_space<vmem>>, vector<16xf32>,
    %add3A_1028 = arith.constant 96 : i32
    %add3A_1029 = vector.broadcast %add3A_1028 : i32 to vector<16xi32>
    %add3A_1030 = arith.addi %add3A_1029, %iota3A : vector<16xi32>
    %broadcast_in_dim3A_1031 = arith.constant 0.000000e+00 : f32
    %broadcast_in_dim3A_1032 = vector.broadcast %broadcast_in_dim3A_1031 : f32 to vector<16xf32>
    %add3A_1033 = arith.constant 0 : i32
    %add3A_1034 = vector.broadcast %add3A_1033 : i32 to vector<16xi32>
    %add3A_1035 = arith.addi %broadcast_in_dim3A_69, %add3A_1034 : vector<16xi32>
    %gather3A_1036 = tpu.vector_load_idx %arg17[%add3A_1030, %add3A_1035] : memref<112x16xf32, #tpu.memory_space<vmem>>[vector<16xi32>, vector<16xi32>], vector<16xf32>,
    %slice3A_1037 = vector.extract_strided_slice %get3A_68 {offsets = [0], sizes = [1], strides = [1]} : vector<16xf32> to vector<1xf32>
    %squeeze3A_1038 = vector.extract %slice3A_1037[0] : f32 from vector<1xf32>
    %mul3A_1039 = vector.broadcast %squeeze3A_1038 : f32 to vector<16xf32>
    %mul3A_1040 = arith.mulf %gather3A_1036, %mul3A_1039 : vector<16xf32>
    %add3A_1041 = arith.addf %broadcast_in_dim3A_1032, %mul3A_1040 : vector<16xf32>
    %add3A_1042 = arith.constant 1 : i32
    %add3A_1043 = vector.broadcast %add3A_1042 : i32 to vector<16xi32>
    %add3A_1044 = arith.addi %broadcast_in_dim3A_69, %add3A_1043 : vector<16xi32>
    %gather3A_1045 = tpu.vector_load_idx %arg17[%add3A_1030, %add3A_1044] : memref<112x16xf32, #tpu.memory_space<vmem>>[vector<16xi32>, vector<16xi32>], vector<16xf32>,
    %slice3A_1046 = vector.extract_strided_slice %get3A_68 {offsets = [1], sizes = [1], strides = [1]} : vector<16xf32> to vector<1xf32>
    %squeeze3A_1047 = vector.extract %slice3A_1046[0] : f32 from vector<1xf32>
    %mul3A_1048 = vector.broadcast %squeeze3A_1047 : f32 to vector<16xf32>
    %mul3A_1049 = arith.mulf %gather3A_1045, %mul3A_1048 : vector<16xf32>
    %add3A_1050 = arith.addf %add3A_1041, %mul3A_1049 : vector<16xf32>
    %add3A_1051 = arith.constant 2 : i32
    %add3A_1052 = vector.broadcast %add3A_1051 : i32 to vector<16xi32>
    %add3A_1053 = arith.addi %broadcast_in_dim3A_69, %add3A_1052 : vector<16xi32>
    %gather3A_1054 = tpu.vector_load_idx %arg17[%add3A_1030, %add3A_1053] : memref<112x16xf32, #tpu.memory_space<vmem>>[vector<16xi32>, vector<16xi32>], vector<16xf32>,
    %slice3A_1055 = vector.extract_strided_slice %get3A_68 {offsets = [2], sizes = [1], strides = [1]} : vector<16xf32> to vector<1xf32>
    %squeeze3A_1056 = vector.extract %slice3A_1055[0] : f32 from vector<1xf32>
    %mul3A_1057 = vector.broadcast %squeeze3A_1056 : f32 to vector<16xf32>
    %mul3A_1058 = arith.mulf %gather3A_1054, %mul3A_1057 : vector<16xf32>
    %add3A_1059 = arith.addf %add3A_1050, %mul3A_1058 : vector<16xf32>
    %add3A_1060 = arith.constant 3 : i32
    %add3A_1061 = vector.broadcast %add3A_1060 : i32 to vector<16xi32>
    %add3A_1062 = arith.addi %broadcast_in_dim3A_69, %add3A_1061 : vector<16xi32>
    %gather3A_1063 = tpu.vector_load_idx %arg17[%add3A_1030, %add3A_1062] : memref<112x16xf32, #tpu.memory_space<vmem>>[vector<16xi32>, vector<16xi32>], vector<16xf32>,
    %slice3A_1064 = vector.extract_strided_slice %get3A_68 {offsets = [3], sizes = [1], strides = [1]} : vector<16xf32> to vector<1xf32>
    %squeeze3A_1065 = vector.extract %slice3A_1064[0] : f32 from vector<1xf32>
    %mul3A_1066 = vector.broadcast %squeeze3A_1065 : f32 to vector<16xf32>
    %mul3A_1067 = arith.mulf %gather3A_1063, %mul3A_1066 : vector<16xf32>
    %add3A_1068 = arith.addf %add3A_1059, %mul3A_1067 : vector<16xf32>
    %add3A_1069 = arith.constant 4 : i32
    %add3A_1070 = vector.broadcast %add3A_1069 : i32 to vector<16xi32>
    %add3A_1071 = arith.addi %broadcast_in_dim3A_69, %add3A_1070 : vector<16xi32>
    %gather3A_1072 = tpu.vector_load_idx %arg17[%add3A_1030, %add3A_1071] : memref<112x16xf32, #tpu.memory_space<vmem>>[vector<16xi32>, vector<16xi32>], vector<16xf32>,
    %slice3A_1073 = vector.extract_strided_slice %get3A_68 {offsets = [4], sizes = [1], strides = [1]} : vector<16xf32> to vector<1xf32>
    %squeeze3A_1074 = vector.extract %slice3A_1073[0] : f32 from vector<1xf32>
    %mul3A_1075 = vector.broadcast %squeeze3A_1074 : f32 to vector<16xf32>
    %mul3A_1076 = arith.mulf %gather3A_1072, %mul3A_1075 : vector<16xf32>
    %add3A_1077 = arith.addf %add3A_1068, %mul3A_1076 : vector<16xf32>
    %add3A_1078 = arith.constant 5 : i32
    %add3A_1079 = vector.broadcast %add3A_1078 : i32 to vector<16xi32>
    %add3A_1080 = arith.addi %broadcast_in_dim3A_69, %add3A_1079 : vector<16xi32>
    %gather3A_1081 = tpu.vector_load_idx %arg17[%add3A_1030, %add3A_1080] : memref<112x16xf32, #tpu.memory_space<vmem>>[vector<16xi32>, vector<16xi32>], vector<16xf32>,
    %slice3A_1082 = vector.extract_strided_slice %get3A_68 {offsets = [5], sizes = [1], strides = [1]} : vector<16xf32> to vector<1xf32>
    %squeeze3A_1083 = vector.extract %slice3A_1082[0] : f32 from vector<1xf32>
    %mul3A_1084 = vector.broadcast %squeeze3A_1083 : f32 to vector<16xf32>
    %mul3A_1085 = arith.mulf %gather3A_1081, %mul3A_1084 : vector<16xf32>
    %add3A_1086 = arith.addf %add3A_1077, %mul3A_1085 : vector<16xf32>
    %add3A_1087 = arith.constant 6 : i32
    %add3A_1088 = vector.broadcast %add3A_1087 : i32 to vector<16xi32>
    %add3A_1089 = arith.addi %broadcast_in_dim3A_69, %add3A_1088 : vector<16xi32>
    %gather3A_1090 = tpu.vector_load_idx %arg17[%add3A_1030, %add3A_1089] : memref<112x16xf32, #tpu.memory_space<vmem>>[vector<16xi32>, vector<16xi32>], vector<16xf32>,
    %slice3A_1091 = vector.extract_strided_slice %get3A_68 {offsets = [6], sizes = [1], strides = [1]} : vector<16xf32> to vector<1xf32>
    %squeeze3A_1092 = vector.extract %slice3A_1091[0] : f32 from vector<1xf32>
    %mul3A_1093 = vector.broadcast %squeeze3A_1092 : f32 to vector<16xf32>
    %mul3A_1094 = arith.mulf %gather3A_1090, %mul3A_1093 : vector<16xf32>
    %add3A_1095 = arith.addf %add3A_1086, %mul3A_1094 : vector<16xf32>
    %add3A_1096 = arith.constant 7 : i32
    %add3A_1097 = vector.broadcast %add3A_1096 : i32 to vector<16xi32>
    %add3A_1098 = arith.addi %broadcast_in_dim3A_69, %add3A_1097 : vector<16xi32>
    %gather3A_1099 = tpu.vector_load_idx %arg17[%add3A_1030, %add3A_1098] : memref<112x16xf32, #tpu.memory_space<vmem>>[vector<16xi32>, vector<16xi32>], vector<16xf32>,
    %slice3A_1100 = vector.extract_strided_slice %get3A_68 {offsets = [7], sizes = [1], strides = [1]} : vector<16xf32> to vector<1xf32>
    %squeeze3A_1101 = vector.extract %slice3A_1100[0] : f32 from vector<1xf32>
    %mul3A_1102 = vector.broadcast %squeeze3A_1101 : f32 to vector<16xf32>
    %mul3A_1103 = arith.mulf %gather3A_1099, %mul3A_1102 : vector<16xf32>
    %add3A_1104 = arith.addf %add3A_1095, %mul3A_1103 : vector<16xf32>
    %add3A_1105 = arith.constant 8 : i32
    %add3A_1106 = vector.broadcast %add3A_1105 : i32 to vector<16xi32>
    %add3A_1107 = arith.addi %broadcast_in_dim3A_69, %add3A_1106 : vector<16xi32>
    %gather3A_1108 = tpu.vector_load_idx %arg17[%add3A_1030, %add3A_1107] : memref<112x16xf32, #tpu.memory_space<vmem>>[vector<16xi32>, vector<16xi32>], vector<16xf32>,
    %slice3A_1109 = vector.extract_strided_slice %get3A_68 {offsets = [8], sizes = [1], strides = [1]} : vector<16xf32> to vector<1xf32>
    %squeeze3A_1110 = vector.extract %slice3A_1109[0] : f32 from vector<1xf32>
    %mul3A_1111 = vector.broadcast %squeeze3A_1110 : f32 to vector<16xf32>
    %mul3A_1112 = arith.mulf %gather3A_1108, %mul3A_1111 : vector<16xf32>
    %add3A_1113 = arith.addf %add3A_1104, %mul3A_1112 : vector<16xf32>
    %add3A_1114 = arith.constant 9 : i32
    %add3A_1115 = vector.broadcast %add3A_1114 : i32 to vector<16xi32>
    %add3A_1116 = arith.addi %broadcast_in_dim3A_69, %add3A_1115 : vector<16xi32>
    %gather3A_1117 = tpu.vector_load_idx %arg17[%add3A_1030, %add3A_1116] : memref<112x16xf32, #tpu.memory_space<vmem>>[vector<16xi32>, vector<16xi32>], vector<16xf32>,
    %slice3A_1118 = vector.extract_strided_slice %get3A_68 {offsets = [9], sizes = [1], strides = [1]} : vector<16xf32> to vector<1xf32>
    %squeeze3A_1119 = vector.extract %slice3A_1118[0] : f32 from vector<1xf32>
    %mul3A_1120 = vector.broadcast %squeeze3A_1119 : f32 to vector<16xf32>
    %mul3A_1121 = arith.mulf %gather3A_1117, %mul3A_1120 : vector<16xf32>
    %add3A_1122 = arith.addf %add3A_1113, %mul3A_1121 : vector<16xf32>
    %add3A_1123 = arith.constant 10 : i32
    %add3A_1124 = vector.broadcast %add3A_1123 : i32 to vector<16xi32>
    %add3A_1125 = arith.addi %broadcast_in_dim3A_69, %add3A_1124 : vector<16xi32>
    %gather3A_1126 = tpu.vector_load_idx %arg17[%add3A_1030, %add3A_1125] : memref<112x16xf32, #tpu.memory_space<vmem>>[vector<16xi32>, vector<16xi32>], vector<16xf32>,
    %slice3A_1127 = vector.extract_strided_slice %get3A_68 {offsets = [10], sizes = [1], strides = [1]} : vector<16xf32> to vector<1xf32>
    %squeeze3A_1128 = vector.extract %slice3A_1127[0] : f32 from vector<1xf32>
    %mul3A_1129 = vector.broadcast %squeeze3A_1128 : f32 to vector<16xf32>
    %mul3A_1130 = arith.mulf %gather3A_1126, %mul3A_1129 : vector<16xf32>
    %add3A_1131 = arith.addf %add3A_1122, %mul3A_1130 : vector<16xf32>
    %add3A_1132 = arith.constant 11 : i32
    %add3A_1133 = vector.broadcast %add3A_1132 : i32 to vector<16xi32>
    %add3A_1134 = arith.addi %broadcast_in_dim3A_69, %add3A_1133 : vector<16xi32>
    %gather3A_1135 = tpu.vector_load_idx %arg17[%add3A_1030, %add3A_1134] : memref<112x16xf32, #tpu.memory_space<vmem>>[vector<16xi32>, vector<16xi32>], vector<16xf32>,
    %slice3A_1136 = vector.extract_strided_slice %get3A_68 {offsets = [11], sizes = [1], strides = [1]} : vector<16xf32> to vector<1xf32>
    %squeeze3A_1137 = vector.extract %slice3A_1136[0] : f32 from vector<1xf32>
    %mul3A_1138 = vector.broadcast %squeeze3A_1137 : f32 to vector<16xf32>
    %mul3A_1139 = arith.mulf %gather3A_1135, %mul3A_1138 : vector<16xf32>
    %add3A_1140 = arith.addf %add3A_1131, %mul3A_1139 : vector<16xf32>
    %add3A_1141 = arith.constant 12 : i32
    %add3A_1142 = vector.broadcast %add3A_1141 : i32 to vector<16xi32>
    %add3A_1143 = arith.addi %broadcast_in_dim3A_69, %add3A_1142 : vector<16xi32>
    %gather3A_1144 = tpu.vector_load_idx %arg17[%add3A_1030, %add3A_1143] : memref<112x16xf32, #tpu.memory_space<vmem>>[vector<16xi32>, vector<16xi32>], vector<16xf32>,
    %slice3A_1145 = vector.extract_strided_slice %get3A_68 {offsets = [12], sizes = [1], strides = [1]} : vector<16xf32> to vector<1xf32>
    %squeeze3A_1146 = vector.extract %slice3A_1145[0] : f32 from vector<1xf32>
    %mul3A_1147 = vector.broadcast %squeeze3A_1146 : f32 to vector<16xf32>
    %mul3A_1148 = arith.mulf %gather3A_1144, %mul3A_1147 : vector<16xf32>
    %add3A_1149 = arith.addf %add3A_1140, %mul3A_1148 : vector<16xf32>
    %add3A_1150 = arith.constant 13 : i32
    %add3A_1151 = vector.broadcast %add3A_1150 : i32 to vector<16xi32>
    %add3A_1152 = arith.addi %broadcast_in_dim3A_69, %add3A_1151 : vector<16xi32>
    %gather3A_1153 = tpu.vector_load_idx %arg17[%add3A_1030, %add3A_1152] : memref<112x16xf32, #tpu.memory_space<vmem>>[vector<16xi32>, vector<16xi32>], vector<16xf32>,
    %slice3A_1154 = vector.extract_strided_slice %get3A_68 {offsets = [13], sizes = [1], strides = [1]} : vector<16xf32> to vector<1xf32>
    %squeeze3A_1155 = vector.extract %slice3A_1154[0] : f32 from vector<1xf32>
    %mul3A_1156 = vector.broadcast %squeeze3A_1155 : f32 to vector<16xf32>
    %mul3A_1157 = arith.mulf %gather3A_1153, %mul3A_1156 : vector<16xf32>
    %add3A_1158 = arith.addf %add3A_1149, %mul3A_1157 : vector<16xf32>
    %add3A_1159 = arith.constant 14 : i32
    %add3A_1160 = vector.broadcast %add3A_1159 : i32 to vector<16xi32>
    %add3A_1161 = arith.addi %broadcast_in_dim3A_69, %add3A_1160 : vector<16xi32>
    %gather3A_1162 = tpu.vector_load_idx %arg17[%add3A_1030, %add3A_1161] : memref<112x16xf32, #tpu.memory_space<vmem>>[vector<16xi32>, vector<16xi32>], vector<16xf32>,
    %slice3A_1163 = vector.extract_strided_slice %get3A_68 {offsets = [14], sizes = [1], strides = [1]} : vector<16xf32> to vector<1xf32>
    %squeeze3A_1164 = vector.extract %slice3A_1163[0] : f32 from vector<1xf32>
    %mul3A_1165 = vector.broadcast %squeeze3A_1164 : f32 to vector<16xf32>
    %mul3A_1166 = arith.mulf %gather3A_1162, %mul3A_1165 : vector<16xf32>
    %add3A_1167 = arith.addf %add3A_1158, %mul3A_1166 : vector<16xf32>
    %add3A_1168 = arith.constant 15 : i32
    %add3A_1169 = vector.broadcast %add3A_1168 : i32 to vector<16xi32>
    %add3A_1170 = arith.addi %broadcast_in_dim3A_69, %add3A_1169 : vector<16xi32>
    %gather3A_1171 = tpu.vector_load_idx %arg17[%add3A_1030, %add3A_1170] : memref<112x16xf32, #tpu.memory_space<vmem>>[vector<16xi32>, vector<16xi32>], vector<16xf32>,
    %slice3A_1172 = vector.extract_strided_slice %get3A_68 {offsets = [15], sizes = [1], strides = [1]} : vector<16xf32> to vector<1xf32>
    %squeeze3A_1173 = vector.extract %slice3A_1172[0] : f32 from vector<1xf32>
    %mul3A_1174 = vector.broadcast %squeeze3A_1173 : f32 to vector<16xf32>
    %mul3A_1175 = arith.mulf %gather3A_1171, %mul3A_1174 : vector<16xf32>
    %add3A_1176 = arith.addf %add3A_1167, %mul3A_1175 : vector<16xf32>
    %get3A_1177 = arith.constant 96 : index
    %get3A_1178 = tpu.vector_load %arg18[%get3A_1177] {strides = array<i32>} : memref<112xf32, #tpu.memory_space<vmem>>, vector<16xf32>,
    %add3A_1179 = vector.broadcast %squeeze3A_64 : f32 to vector<16xf32>
    %add3A_1180 = arith.addf %add3A_1176, %add3A_1179 : vector<16xf32>
    %mul3A_1181 = vector.broadcast %squeeze3A_62 : f32 to vector<16xf32>
    %mul3A_1182 = arith.mulf %mul3A_1181, %add3A_1180 : vector<16xf32>
    %add3A_1183 = arith.addf %mul3A_1182, %get3A_1178 : vector<16xf32>
    %add3A_1184 = vector.broadcast %squeeze3A_66 : f32 to vector<16xf32>
    %add3A_1185 = arith.addf %add3A_1183, %add3A_1184 : vector<16xf32>
    %swap3A_1186 = arith.constant 96 : index
    %swap3A_1187 = tpu.vector_load %arg21[%swap3A_1186] {strides = array<i32>} : memref<128xf32, #tpu.memory_space<vmem>>, vector<16xf32>,
    tpu.vector_store %arg21[%swap3A_1186], %add3A_1185 {strides = array<i32>} : memref<128xf32, #tpu.memory_space<vmem>>, vector<16xf32>,
    %dma_wait3A = arith.constant 0 : i32
    %dma_wait3A_1188 = arith.constant 0 : i32
    %dma_wait3A_1189 = tpu.memref_slice %arg14[%dma_wait3A, %dma_wait3A_1188] : memref<512x64xf32, #tpu.memory_space<vmem>> -> memref<128x64xf32, #tpu.memory_space<vmem>>
    %dma_wait3A_1190 = arith.constant 0 : i32
    %dma_wait3A_1191 = tpu.memref_slice %arg12[%dma_wait3A_1190] : memref<512xi32, #tpu.memory_space<vmem>> -> memref<128xi32, #tpu.memory_space<vmem>>
    %dma_wait3A_1192 = arith.constant 0 : i32
    %dma_wait3A_1193 = arith.constant 0 : i32
    %dma_wait3A_1194 = tpu.memref_slice %arg4[%dma_wait3A_1192, %dma_wait3A_1193] : memref<1000000x64xf32, #tpu.memory_space<hbm>> -> memref<1000000x64xf32, #tpu.memory_space<hbm>>
    tpu.wait_indirect_dma semaphore(%arg23 : memref<!tpu.dma_semaphore, #tpu.memory_space<semaphore_mem>>) src(%dma_wait3A_1194 : memref<1000000x64xf32, #tpu.memory_space<hbm>>) dst(%dma_wait3A_1189 : memref<128x64xf32, #tpu.memory_space<vmem>>)
    %dma_wait3A_1195 = arith.constant 128 : i32
    %dma_wait3A_1196 = arith.constant 0 : i32
    %dma_wait3A_1197 = tpu.memref_slice %arg14[%dma_wait3A_1195, %dma_wait3A_1196] : memref<512x64xf32, #tpu.memory_space<vmem>> -> memref<128x64xf32, #tpu.memory_space<vmem>>
    %dma_wait3A_1198 = arith.constant 128 : i32
    %dma_wait3A_1199 = tpu.memref_slice %arg12[%dma_wait3A_1198] : memref<512xi32, #tpu.memory_space<vmem>> -> memref<128xi32, #tpu.memory_space<vmem>>
    %dma_wait3A_1200 = arith.constant 0 : i32
    %dma_wait3A_1201 = arith.constant 0 : i32
    %dma_wait3A_1202 = tpu.memref_slice %arg4[%dma_wait3A_1200, %dma_wait3A_1201] : memref<1000000x64xf32, #tpu.memory_space<hbm>> -> memref<1000000x64xf32, #tpu.memory_space<hbm>>
    tpu.wait_indirect_dma semaphore(%arg23 : memref<!tpu.dma_semaphore, #tpu.memory_space<semaphore_mem>>) src(%dma_wait3A_1202 : memref<1000000x64xf32, #tpu.memory_space<hbm>>) dst(%dma_wait3A_1197 : memref<128x64xf32, #tpu.memory_space<vmem>>)
    %dma_wait3A_1203 = arith.constant 256 : i32
    %dma_wait3A_1204 = arith.constant 0 : i32
    %dma_wait3A_1205 = tpu.memref_slice %arg14[%dma_wait3A_1203, %dma_wait3A_1204] : memref<512x64xf32, #tpu.memory_space<vmem>> -> memref<128x64xf32, #tpu.memory_space<vmem>>
    %dma_wait3A_1206 = arith.constant 256 : i32
    %dma_wait3A_1207 = tpu.memref_slice %arg12[%dma_wait3A_1206] : memref<512xi32, #tpu.memory_space<vmem>> -> memref<128xi32, #tpu.memory_space<vmem>>
    %dma_wait3A_1208 = arith.constant 0 : i32
    %dma_wait3A_1209 = arith.constant 0 : i32
    %dma_wait3A_1210 = tpu.memref_slice %arg4[%dma_wait3A_1208, %dma_wait3A_1209] : memref<1000000x64xf32, #tpu.memory_space<hbm>> -> memref<1000000x64xf32, #tpu.memory_space<hbm>>
    tpu.wait_indirect_dma semaphore(%arg23 : memref<!tpu.dma_semaphore, #tpu.memory_space<semaphore_mem>>) src(%dma_wait3A_1210 : memref<1000000x64xf32, #tpu.memory_space<hbm>>) dst(%dma_wait3A_1205 : memref<128x64xf32, #tpu.memory_space<vmem>>)
    %dma_wait3A_1211 = arith.constant 384 : i32
    %dma_wait3A_1212 = arith.constant 0 : i32
    %dma_wait3A_1213 = tpu.memref_slice %arg14[%dma_wait3A_1211, %dma_wait3A_1212] : memref<512x64xf32, #tpu.memory_space<vmem>> -> memref<128x64xf32, #tpu.memory_space<vmem>>
    %dma_wait3A_1214 = arith.constant 384 : i32
    %dma_wait3A_1215 = tpu.memref_slice %arg12[%dma_wait3A_1214] : memref<512xi32, #tpu.memory_space<vmem>> -> memref<128xi32, #tpu.memory_space<vmem>>
    %dma_wait3A_1216 = arith.constant 0 : i32
    %dma_wait3A_1217 = arith.constant 0 : i32
    %dma_wait3A_1218 = tpu.memref_slice %arg4[%dma_wait3A_1216, %dma_wait3A_1217] : memref<1000000x64xf32, #tpu.memory_space<hbm>> -> memref<1000000x64xf32, #tpu.memory_space<hbm>>
    tpu.wait_indirect_dma semaphore(%arg23 : memref<!tpu.dma_semaphore, #tpu.memory_space<semaphore_mem>>) src(%dma_wait3A_1218 : memref<1000000x64xf32, #tpu.memory_space<hbm>>) dst(%dma_wait3A_1213 : memref<128x64xf32, #tpu.memory_space<vmem>>)
    %dma_wait3A_1219 = arith.constant 0 : i32
    %dma_wait3A_1220 = tpu.memref_slice %arg15[%dma_wait3A_1219] : memref<512xf32, #tpu.memory_space<vmem>> -> memref<128xf32, #tpu.memory_space<vmem>>
    %dma_wait3A_1221 = arith.constant 0 : i32
    %dma_wait3A_1222 = tpu.memref_slice %arg12[%dma_wait3A_1221] : memref<512xi32, #tpu.memory_space<vmem>> -> memref<128xi32, #tpu.memory_space<vmem>>
    %dma_wait3A_1223 = arith.constant 0 : i32
    %dma_wait3A_1224 = tpu.memref_slice %arg6[%dma_wait3A_1223] : memref<1000000xf32, #tpu.memory_space<hbm>> -> memref<1000000xf32, #tpu.memory_space<hbm>>
    tpu.wait_indirect_dma semaphore(%arg23 : memref<!tpu.dma_semaphore, #tpu.memory_space<semaphore_mem>>) src(%dma_wait3A_1224 : memref<1000000xf32, #tpu.memory_space<hbm>>) dst(%dma_wait3A_1220 : memref<128xf32, #tpu.memory_space<vmem>>)
    %dma_wait3A_1225 = arith.constant 128 : i32
    %dma_wait3A_1226 = tpu.memref_slice %arg15[%dma_wait3A_1225] : memref<512xf32, #tpu.memory_space<vmem>> -> memref<128xf32, #tpu.memory_space<vmem>>
    %dma_wait3A_1227 = arith.constant 128 : i32
    %dma_wait3A_1228 = tpu.memref_slice %arg12[%dma_wait3A_1227] : memref<512xi32, #tpu.memory_space<vmem>> -> memref<128xi32, #tpu.memory_space<vmem>>
    %dma_wait3A_1229 = arith.constant 0 : i32
    %dma_wait3A_1230 = tpu.memref_slice %arg6[%dma_wait3A_1229] : memref<1000000xf32, #tpu.memory_space<hbm>> -> memref<1000000xf32, #tpu.memory_space<hbm>>
    tpu.wait_indirect_dma semaphore(%arg23 : memref<!tpu.dma_semaphore, #tpu.memory_space<semaphore_mem>>) src(%dma_wait3A_1230 : memref<1000000xf32, #tpu.memory_space<hbm>>) dst(%dma_wait3A_1226 : memref<128xf32, #tpu.memory_space<vmem>>)
    %dma_wait3A_1231 = arith.constant 256 : i32
    %dma_wait3A_1232 = tpu.memref_slice %arg15[%dma_wait3A_1231] : memref<512xf32, #tpu.memory_space<vmem>> -> memref<128xf32, #tpu.memory_space<vmem>>
    %dma_wait3A_1233 = arith.constant 256 : i32
    %dma_wait3A_1234 = tpu.memref_slice %arg12[%dma_wait3A_1233] : memref<512xi32, #tpu.memory_space<vmem>> -> memref<128xi32, #tpu.memory_space<vmem>>
    %dma_wait3A_1235 = arith.constant 0 : i32
    %dma_wait3A_1236 = tpu.memref_slice %arg6[%dma_wait3A_1235] : memref<1000000xf32, #tpu.memory_space<hbm>> -> memref<1000000xf32, #tpu.memory_space<hbm>>
    tpu.wait_indirect_dma semaphore(%arg23 : memref<!tpu.dma_semaphore, #tpu.memory_space<semaphore_mem>>) src(%dma_wait3A_1236 : memref<1000000xf32, #tpu.memory_space<hbm>>) dst(%dma_wait3A_1232 : memref<128xf32, #tpu.memory_space<vmem>>)
    %dma_wait3A_1237 = arith.constant 384 : i32
    %dma_wait3A_1238 = tpu.memref_slice %arg15[%dma_wait3A_1237] : memref<512xf32, #tpu.memory_space<vmem>> -> memref<128xf32, #tpu.memory_space<vmem>>
    %dma_wait3A_1239 = arith.constant 384 : i32
    %dma_wait3A_1240 = tpu.memref_slice %arg12[%dma_wait3A_1239] : memref<512xi32, #tpu.memory_space<vmem>> -> memref<128xi32, #tpu.memory_space<vmem>>
    %dma_wait3A_1241 = arith.constant 0 : i32
    %dma_wait3A_1242 = tpu.memref_slice %arg6[%dma_wait3A_1241] : memref<1000000xf32, #tpu.memory_space<hbm>> -> memref<1000000xf32, #tpu.memory_space<hbm>>
    tpu.wait_indirect_dma semaphore(%arg23 : memref<!tpu.dma_semaphore, #tpu.memory_space<semaphore_mem>>) src(%dma_wait3A_1242 : memref<1000000xf32, #tpu.memory_space<hbm>>) dst(%dma_wait3A_1238 : memref<128xf32, #tpu.memory_space<vmem>>)
    %scan3A = arith.constant 0 : i32
    %scan3A_1243 = arith.constant 32 : i32
    %scan3A_1244 = arith.addi %scan3A, %scan3A_1243 : i32
    %scan3A_1245 = arith.constant 1 : i32
    scf.for %scan3A_1249 = %scan3A to %scan3A_1244 step %scan3A_1245  : i32 {
      %mul3A_1250 = arith.constant 16 : i32
      %mul3A_1251 = arith.muli %scan3A_1249, %mul3A_1250 : i32
      %add3A_1252 = vector.broadcast %mul3A_1251 : i32 to vector<16xi32>
      %add3A_1253 = arith.addi %add3A_1252, %iota3A : vector<16xi32>
      %mul3A_1254 = arith.constant 16 : i32
      %mul3A_1255 = arith.muli %scan3A_1249, %mul3A_1254 : i32
      %get3A_1256 = arith.index_cast %mul3A_1255 : i32 to index
      %get3A_1257 = tpu.vector_load %arg13[%get3A_1256] {strides = array<i32>} : memref<512xi32, #tpu.memory_space<vmem>>, vector<16xi32>,
      %broadcast_in_dim3A_1258 = arith.constant 0.000000e+00 : f32
      %broadcast_in_dim3A_1259 = vector.broadcast %broadcast_in_dim3A_1258 : f32 to vector<16xf32>
      %broadcast_in_dim3A_1260 = arith.constant 0.000000e+00 : f32
      %broadcast_in_dim3A_1261 = vector.broadcast %broadcast_in_dim3A_1260 : f32 to vector<16xf32>
      %broadcast_in_dim3A_1262 = arith.constant 0.000000e+00 : f32
      %broadcast_in_dim3A_1263 = vector.broadcast %broadcast_in_dim3A_1262 : f32 to vector<16xf32>
      %broadcast_in_dim3A_1264 = arith.constant 0.000000e+00 : f32
      %broadcast_in_dim3A_1265 = vector.broadcast %broadcast_in_dim3A_1264 : f32 to vector<16xf32>
      %add3A_1266 = arith.constant 0 : i32
      %add3A_1267 = vector.broadcast %add3A_1266 : i32 to vector<16xi32>
      %add3A_1268 = arith.addi %broadcast_in_dim3A_69, %add3A_1267 : vector<16xi32>
      %gather3A_1269 = tpu.vector_load_idx %arg14[%add3A_1253, %add3A_1268] : memref<512x64xf32, #tpu.memory_space<vmem>>[vector<16xi32>, vector<16xi32>], vector<16xf32>,
      %add3A_1270 = arith.constant 0 : i32
      %add3A_1271 = vector.broadcast %add3A_1270 : i32 to vector<16xi32>
      %add3A_1272 = arith.addi %broadcast_in_dim3A_69, %add3A_1271 : vector<16xi32>
      %gather3A_1273 = tpu.vector_load_idx %arg16[%get3A_1257, %add3A_1272] : memref<100x64xf32, #tpu.memory_space<vmem>>[vector<16xi32>, vector<16xi32>], vector<16xf32>,
      %mul3A_1274 = arith.mulf %gather3A_1269, %gather3A_1273 : vector<16xf32>
      %add3A_1275 = arith.addf %broadcast_in_dim3A_1259, %mul3A_1274 : vector<16xf32>
      %add3A_1276 = arith.constant 1 : i32
      %add3A_1277 = vector.broadcast %add3A_1276 : i32 to vector<16xi32>
      %add3A_1278 = arith.addi %broadcast_in_dim3A_69, %add3A_1277 : vector<16xi32>
      %gather3A_1279 = tpu.vector_load_idx %arg14[%add3A_1253, %add3A_1278] : memref<512x64xf32, #tpu.memory_space<vmem>>[vector<16xi32>, vector<16xi32>], vector<16xf32>,
      %add3A_1280 = arith.constant 1 : i32
      %add3A_1281 = vector.broadcast %add3A_1280 : i32 to vector<16xi32>
      %add3A_1282 = arith.addi %broadcast_in_dim3A_69, %add3A_1281 : vector<16xi32>
      %gather3A_1283 = tpu.vector_load_idx %arg16[%get3A_1257, %add3A_1282] : memref<100x64xf32, #tpu.memory_space<vmem>>[vector<16xi32>, vector<16xi32>], vector<16xf32>,
      %mul3A_1284 = arith.mulf %gather3A_1279, %gather3A_1283 : vector<16xf32>
      %add3A_1285 = arith.addf %broadcast_in_dim3A_1261, %mul3A_1284 : vector<16xf32>
      %add3A_1286 = arith.constant 2 : i32
      %add3A_1287 = vector.broadcast %add3A_1286 : i32 to vector<16xi32>
      %add3A_1288 = arith.addi %broadcast_in_dim3A_69, %add3A_1287 : vector<16xi32>
      %gather3A_1289 = tpu.vector_load_idx %arg14[%add3A_1253, %add3A_1288] : memref<512x64xf32, #tpu.memory_space<vmem>>[vector<16xi32>, vector<16xi32>], vector<16xf32>,
      %add3A_1290 = arith.constant 2 : i32
      %add3A_1291 = vector.broadcast %add3A_1290 : i32 to vector<16xi32>
      %add3A_1292 = arith.addi %broadcast_in_dim3A_69, %add3A_1291 : vector<16xi32>
      %gather3A_1293 = tpu.vector_load_idx %arg16[%get3A_1257, %add3A_1292] : memref<100x64xf32, #tpu.memory_space<vmem>>[vector<16xi32>, vector<16xi32>], vector<16xf32>,
      %mul3A_1294 = arith.mulf %gather3A_1289, %gather3A_1293 : vector<16xf32>
      %add3A_1295 = arith.addf %broadcast_in_dim3A_1263, %mul3A_1294 : vector<16xf32>
      %add3A_1296 = arith.constant 3 : i32
      %add3A_1297 = vector.broadcast %add3A_1296 : i32 to vector<16xi32>
      %add3A_1298 = arith.addi %broadcast_in_dim3A_69, %add3A_1297 : vector<16xi32>
      %gather3A_1299 = tpu.vector_load_idx %arg14[%add3A_1253, %add3A_1298] : memref<512x64xf32, #tpu.memory_space<vmem>>[vector<16xi32>, vector<16xi32>], vector<16xf32>,
      %add3A_1300 = arith.constant 3 : i32
      %add3A_1301 = vector.broadcast %add3A_1300 : i32 to vector<16xi32>
      %add3A_1302 = arith.addi %broadcast_in_dim3A_69, %add3A_1301 : vector<16xi32>
      %gather3A_1303 = tpu.vector_load_idx %arg16[%get3A_1257, %add3A_1302] : memref<100x64xf32, #tpu.memory_space<vmem>>[vector<16xi32>, vector<16xi32>], vector<16xf32>,
      %mul3A_1304 = arith.mulf %gather3A_1299, %gather3A_1303 : vector<16xf32>
      %add3A_1305 = arith.addf %broadcast_in_dim3A_1265, %mul3A_1304 : vector<16xf32>
      %add3A_1306 = arith.constant 4 : i32
      %add3A_1307 = vector.broadcast %add3A_1306 : i32 to vector<16xi32>
      %add3A_1308 = arith.addi %broadcast_in_dim3A_69, %add3A_1307 : vector<16xi32>
      %gather3A_1309 = tpu.vector_load_idx %arg14[%add3A_1253, %add3A_1308] : memref<512x64xf32, #tpu.memory_space<vmem>>[vector<16xi32>, vector<16xi32>], vector<16xf32>,
      %add3A_1310 = arith.constant 4 : i32
      %add3A_1311 = vector.broadcast %add3A_1310 : i32 to vector<16xi32>
      %add3A_1312 = arith.addi %broadcast_in_dim3A_69, %add3A_1311 : vector<16xi32>
      %gather3A_1313 = tpu.vector_load_idx %arg16[%get3A_1257, %add3A_1312] : memref<100x64xf32, #tpu.memory_space<vmem>>[vector<16xi32>, vector<16xi32>], vector<16xf32>,
      %mul3A_1314 = arith.mulf %gather3A_1309, %gather3A_1313 : vector<16xf32>
      %add3A_1315 = arith.addf %add3A_1275, %mul3A_1314 : vector<16xf32>
      %add3A_1316 = arith.constant 5 : i32
      %add3A_1317 = vector.broadcast %add3A_1316 : i32 to vector<16xi32>
      %add3A_1318 = arith.addi %broadcast_in_dim3A_69, %add3A_1317 : vector<16xi32>
      %gather3A_1319 = tpu.vector_load_idx %arg14[%add3A_1253, %add3A_1318] : memref<512x64xf32, #tpu.memory_space<vmem>>[vector<16xi32>, vector<16xi32>], vector<16xf32>,
      %add3A_1320 = arith.constant 5 : i32
      %add3A_1321 = vector.broadcast %add3A_1320 : i32 to vector<16xi32>
      %add3A_1322 = arith.addi %broadcast_in_dim3A_69, %add3A_1321 : vector<16xi32>
      %gather3A_1323 = tpu.vector_load_idx %arg16[%get3A_1257, %add3A_1322] : memref<100x64xf32, #tpu.memory_space<vmem>>[vector<16xi32>, vector<16xi32>], vector<16xf32>,
      %mul3A_1324 = arith.mulf %gather3A_1319, %gather3A_1323 : vector<16xf32>
      %add3A_1325 = arith.addf %add3A_1285, %mul3A_1324 : vector<16xf32>
      %add3A_1326 = arith.constant 6 : i32
      %add3A_1327 = vector.broadcast %add3A_1326 : i32 to vector<16xi32>
      %add3A_1328 = arith.addi %broadcast_in_dim3A_69, %add3A_1327 : vector<16xi32>
      %gather3A_1329 = tpu.vector_load_idx %arg14[%add3A_1253, %add3A_1328] : memref<512x64xf32, #tpu.memory_space<vmem>>[vector<16xi32>, vector<16xi32>], vector<16xf32>,
      %add3A_1330 = arith.constant 6 : i32
      %add3A_1331 = vector.broadcast %add3A_1330 : i32 to vector<16xi32>
      %add3A_1332 = arith.addi %broadcast_in_dim3A_69, %add3A_1331 : vector<16xi32>
      %gather3A_1333 = tpu.vector_load_idx %arg16[%get3A_1257, %add3A_1332] : memref<100x64xf32, #tpu.memory_space<vmem>>[vector<16xi32>, vector<16xi32>], vector<16xf32>,
      %mul3A_1334 = arith.mulf %gather3A_1329, %gather3A_1333 : vector<16xf32>
      %add3A_1335 = arith.addf %add3A_1295, %mul3A_1334 : vector<16xf32>
      %add3A_1336 = arith.constant 7 : i32
      %add3A_1337 = vector.broadcast %add3A_1336 : i32 to vector<16xi32>
      %add3A_1338 = arith.addi %broadcast_in_dim3A_69, %add3A_1337 : vector<16xi32>
      %gather3A_1339 = tpu.vector_load_idx %arg14[%add3A_1253, %add3A_1338] : memref<512x64xf32, #tpu.memory_space<vmem>>[vector<16xi32>, vector<16xi32>], vector<16xf32>,
      %add3A_1340 = arith.constant 7 : i32
      %add3A_1341 = vector.broadcast %add3A_1340 : i32 to vector<16xi32>
      %add3A_1342 = arith.addi %broadcast_in_dim3A_69, %add3A_1341 : vector<16xi32>
      %gather3A_1343 = tpu.vector_load_idx %arg16[%get3A_1257, %add3A_1342] : memref<100x64xf32, #tpu.memory_space<vmem>>[vector<16xi32>, vector<16xi32>], vector<16xf32>,
      %mul3A_1344 = arith.mulf %gather3A_1339, %gather3A_1343 : vector<16xf32>
      %add3A_1345 = arith.addf %add3A_1305, %mul3A_1344 : vector<16xf32>
      %add3A_1346 = arith.constant 8 : i32
      %add3A_1347 = vector.broadcast %add3A_1346 : i32 to vector<16xi32>
      %add3A_1348 = arith.addi %broadcast_in_dim3A_69, %add3A_1347 : vector<16xi32>
      %gather3A_1349 = tpu.vector_load_idx %arg14[%add3A_1253, %add3A_1348] : memref<512x64xf32, #tpu.memory_space<vmem>>[vector<16xi32>, vector<16xi32>], vector<16xf32>,
      %add3A_1350 = arith.constant 8 : i32
      %add3A_1351 = vector.broadcast %add3A_1350 : i32 to vector<16xi32>
      %add3A_1352 = arith.addi %broadcast_in_dim3A_69, %add3A_1351 : vector<16xi32>
      %gather3A_1353 = tpu.vector_load_idx %arg16[%get3A_1257, %add3A_1352] : memref<100x64xf32, #tpu.memory_space<vmem>>[vector<16xi32>, vector<16xi32>], vector<16xf32>,
      %mul3A_1354 = arith.mulf %gather3A_1349, %gather3A_1353 : vector<16xf32>
      %add3A_1355 = arith.addf %add3A_1315, %mul3A_1354 : vector<16xf32>
      %add3A_1356 = arith.constant 9 : i32
      %add3A_1357 = vector.broadcast %add3A_1356 : i32 to vector<16xi32>
      %add3A_1358 = arith.addi %broadcast_in_dim3A_69, %add3A_1357 : vector<16xi32>
      %gather3A_1359 = tpu.vector_load_idx %arg14[%add3A_1253, %add3A_1358] : memref<512x64xf32, #tpu.memory_space<vmem>>[vector<16xi32>, vector<16xi32>], vector<16xf32>,
      %add3A_1360 = arith.constant 9 : i32
      %add3A_1361 = vector.broadcast %add3A_1360 : i32 to vector<16xi32>
      %add3A_1362 = arith.addi %broadcast_in_dim3A_69, %add3A_1361 : vector<16xi32>
      %gather3A_1363 = tpu.vector_load_idx %arg16[%get3A_1257, %add3A_1362] : memref<100x64xf32, #tpu.memory_space<vmem>>[vector<16xi32>, vector<16xi32>], vector<16xf32>,
      %mul3A_1364 = arith.mulf %gather3A_1359, %gather3A_1363 : vector<16xf32>
      %add3A_1365 = arith.addf %add3A_1325, %mul3A_1364 : vector<16xf32>
      %add3A_1366 = arith.constant 10 : i32
      %add3A_1367 = vector.broadcast %add3A_1366 : i32 to vector<16xi32>
      %add3A_1368 = arith.addi %broadcast_in_dim3A_69, %add3A_1367 : vector<16xi32>
      %gather3A_1369 = tpu.vector_load_idx %arg14[%add3A_1253, %add3A_1368] : memref<512x64xf32, #tpu.memory_space<vmem>>[vector<16xi32>, vector<16xi32>], vector<16xf32>,
      %add3A_1370 = arith.constant 10 : i32
      %add3A_1371 = vector.broadcast %add3A_1370 : i32 to vector<16xi32>
      %add3A_1372 = arith.addi %broadcast_in_dim3A_69, %add3A_1371 : vector<16xi32>
      %gather3A_1373 = tpu.vector_load_idx %arg16[%get3A_1257, %add3A_1372] : memref<100x64xf32, #tpu.memory_space<vmem>>[vector<16xi32>, vector<16xi32>], vector<16xf32>,
      %mul3A_1374 = arith.mulf %gather3A_1369, %gather3A_1373 : vector<16xf32>
      %add3A_1375 = arith.addf %add3A_1335, %mul3A_1374 : vector<16xf32>
      %add3A_1376 = arith.constant 11 : i32
      %add3A_1377 = vector.broadcast %add3A_1376 : i32 to vector<16xi32>
      %add3A_1378 = arith.addi %broadcast_in_dim3A_69, %add3A_1377 : vector<16xi32>
      %gather3A_1379 = tpu.vector_load_idx %arg14[%add3A_1253, %add3A_1378] : memref<512x64xf32, #tpu.memory_space<vmem>>[vector<16xi32>, vector<16xi32>], vector<16xf32>,
      %add3A_1380 = arith.constant 11 : i32
      %add3A_1381 = vector.broadcast %add3A_1380 : i32 to vector<16xi32>
      %add3A_1382 = arith.addi %broadcast_in_dim3A_69, %add3A_1381 : vector<16xi32>
      %gather3A_1383 = tpu.vector_load_idx %arg16[%get3A_1257, %add3A_1382] : memref<100x64xf32, #tpu.memory_space<vmem>>[vector<16xi32>, vector<16xi32>], vector<16xf32>,
      %mul3A_1384 = arith.mulf %gather3A_1379, %gather3A_1383 : vector<16xf32>
      %add3A_1385 = arith.addf %add3A_1345, %mul3A_1384 : vector<16xf32>
      %add3A_1386 = arith.constant 12 : i32
      %add3A_1387 = vector.broadcast %add3A_1386 : i32 to vector<16xi32>
      %add3A_1388 = arith.addi %broadcast_in_dim3A_69, %add3A_1387 : vector<16xi32>
      %gather3A_1389 = tpu.vector_load_idx %arg14[%add3A_1253, %add3A_1388] : memref<512x64xf32, #tpu.memory_space<vmem>>[vector<16xi32>, vector<16xi32>], vector<16xf32>,
      %add3A_1390 = arith.constant 12 : i32
      %add3A_1391 = vector.broadcast %add3A_1390 : i32 to vector<16xi32>
      %add3A_1392 = arith.addi %broadcast_in_dim3A_69, %add3A_1391 : vector<16xi32>
      %gather3A_1393 = tpu.vector_load_idx %arg16[%get3A_1257, %add3A_1392] : memref<100x64xf32, #tpu.memory_space<vmem>>[vector<16xi32>, vector<16xi32>], vector<16xf32>,
      %mul3A_1394 = arith.mulf %gather3A_1389, %gather3A_1393 : vector<16xf32>
      %add3A_1395 = arith.addf %add3A_1355, %mul3A_1394 : vector<16xf32>
      %add3A_1396 = arith.constant 13 : i32
      %add3A_1397 = vector.broadcast %add3A_1396 : i32 to vector<16xi32>
      %add3A_1398 = arith.addi %broadcast_in_dim3A_69, %add3A_1397 : vector<16xi32>
      %gather3A_1399 = tpu.vector_load_idx %arg14[%add3A_1253, %add3A_1398] : memref<512x64xf32, #tpu.memory_space<vmem>>[vector<16xi32>, vector<16xi32>], vector<16xf32>,
      %add3A_1400 = arith.constant 13 : i32
      %add3A_1401 = vector.broadcast %add3A_1400 : i32 to vector<16xi32>
      %add3A_1402 = arith.addi %broadcast_in_dim3A_69, %add3A_1401 : vector<16xi32>
      %gather3A_1403 = tpu.vector_load_idx %arg16[%get3A_1257, %add3A_1402] : memref<100x64xf32, #tpu.memory_space<vmem>>[vector<16xi32>, vector<16xi32>], vector<16xf32>,
      %mul3A_1404 = arith.mulf %gather3A_1399, %gather3A_1403 : vector<16xf32>
      %add3A_1405 = arith.addf %add3A_1365, %mul3A_1404 : vector<16xf32>
      %add3A_1406 = arith.constant 14 : i32
      %add3A_1407 = vector.broadcast %add3A_1406 : i32 to vector<16xi32>
      %add3A_1408 = arith.addi %broadcast_in_dim3A_69, %add3A_1407 : vector<16xi32>
      %gather3A_1409 = tpu.vector_load_idx %arg14[%add3A_1253, %add3A_1408] : memref<512x64xf32, #tpu.memory_space<vmem>>[vector<16xi32>, vector<16xi32>], vector<16xf32>,
      %add3A_1410 = arith.constant 14 : i32
      %add3A_1411 = vector.broadcast %add3A_1410 : i32 to vector<16xi32>
      %add3A_1412 = arith.addi %broadcast_in_dim3A_69, %add3A_1411 : vector<16xi32>
      %gather3A_1413 = tpu.vector_load_idx %arg16[%get3A_1257, %add3A_1412] : memref<100x64xf32, #tpu.memory_space<vmem>>[vector<16xi32>, vector<16xi32>], vector<16xf32>,
      %mul3A_1414 = arith.mulf %gather3A_1409, %gather3A_1413 : vector<16xf32>
      %add3A_1415 = arith.addf %add3A_1375, %mul3A_1414 : vector<16xf32>
      %add3A_1416 = arith.constant 15 : i32
      %add3A_1417 = vector.broadcast %add3A_1416 : i32 to vector<16xi32>
      %add3A_1418 = arith.addi %broadcast_in_dim3A_69, %add3A_1417 : vector<16xi32>
      %gather3A_1419 = tpu.vector_load_idx %arg14[%add3A_1253, %add3A_1418] : memref<512x64xf32, #tpu.memory_space<vmem>>[vector<16xi32>, vector<16xi32>], vector<16xf32>,
      %add3A_1420 = arith.constant 15 : i32
      %add3A_1421 = vector.broadcast %add3A_1420 : i32 to vector<16xi32>
      %add3A_1422 = arith.addi %broadcast_in_dim3A_69, %add3A_1421 : vector<16xi32>
      %gather3A_1423 = tpu.vector_load_idx %arg16[%get3A_1257, %add3A_1422] : memref<100x64xf32, #tpu.memory_space<vmem>>[vector<16xi32>, vector<16xi32>], vector<16xf32>,
      %mul3A_1424 = arith.mulf %gather3A_1419, %gather3A_1423 : vector<16xf32>
      %add3A_1425 = arith.addf %add3A_1385, %mul3A_1424 : vector<16xf32>
      %add3A_1426 = arith.constant 16 : i32
      %add3A_1427 = vector.broadcast %add3A_1426 : i32 to vector<16xi32>
      %add3A_1428 = arith.addi %broadcast_in_dim3A_69, %add3A_1427 : vector<16xi32>
      %gather3A_1429 = tpu.vector_load_idx %arg14[%add3A_1253, %add3A_1428] : memref<512x64xf32, #tpu.memory_space<vmem>>[vector<16xi32>, vector<16xi32>], vector<16xf32>,
      %add3A_1430 = arith.constant 16 : i32
      %add3A_1431 = vector.broadcast %add3A_1430 : i32 to vector<16xi32>
      %add3A_1432 = arith.addi %broadcast_in_dim3A_69, %add3A_1431 : vector<16xi32>
      %gather3A_1433 = tpu.vector_load_idx %arg16[%get3A_1257, %add3A_1432] : memref<100x64xf32, #tpu.memory_space<vmem>>[vector<16xi32>, vector<16xi32>], vector<16xf32>,
      %mul3A_1434 = arith.mulf %gather3A_1429, %gather3A_1433 : vector<16xf32>
      %add3A_1435 = arith.addf %add3A_1395, %mul3A_1434 : vector<16xf32>
      %add3A_1436 = arith.constant 17 : i32
      %add3A_1437 = vector.broadcast %add3A_1436 : i32 to vector<16xi32>
      %add3A_1438 = arith.addi %broadcast_in_dim3A_69, %add3A_1437 : vector<16xi32>
      %gather3A_1439 = tpu.vector_load_idx %arg14[%add3A_1253, %add3A_1438] : memref<512x64xf32, #tpu.memory_space<vmem>>[vector<16xi32>, vector<16xi32>], vector<16xf32>,
      %add3A_1440 = arith.constant 17 : i32
      %add3A_1441 = vector.broadcast %add3A_1440 : i32 to vector<16xi32>
      %add3A_1442 = arith.addi %broadcast_in_dim3A_69, %add3A_1441 : vector<16xi32>
      %gather3A_1443 = tpu.vector_load_idx %arg16[%get3A_1257, %add3A_1442] : memref<100x64xf32, #tpu.memory_space<vmem>>[vector<16xi32>, vector<16xi32>], vector<16xf32>,
      %mul3A_1444 = arith.mulf %gather3A_1439, %gather3A_1443 : vector<16xf32>
      %add3A_1445 = arith.addf %add3A_1405, %mul3A_1444 : vector<16xf32>
      %add3A_1446 = arith.constant 18 : i32
      %add3A_1447 = vector.broadcast %add3A_1446 : i32 to vector<16xi32>
      %add3A_1448 = arith.addi %broadcast_in_dim3A_69, %add3A_1447 : vector<16xi32>
      %gather3A_1449 = tpu.vector_load_idx %arg14[%add3A_1253, %add3A_1448] : memref<512x64xf32, #tpu.memory_space<vmem>>[vector<16xi32>, vector<16xi32>], vector<16xf32>,
      %add3A_1450 = arith.constant 18 : i32
      %add3A_1451 = vector.broadcast %add3A_1450 : i32 to vector<16xi32>
      %add3A_1452 = arith.addi %broadcast_in_dim3A_69, %add3A_1451 : vector<16xi32>
      %gather3A_1453 = tpu.vector_load_idx %arg16[%get3A_1257, %add3A_1452] : memref<100x64xf32, #tpu.memory_space<vmem>>[vector<16xi32>, vector<16xi32>], vector<16xf32>,
      %mul3A_1454 = arith.mulf %gather3A_1449, %gather3A_1453 : vector<16xf32>
      %add3A_1455 = arith.addf %add3A_1415, %mul3A_1454 : vector<16xf32>
      %add3A_1456 = arith.constant 19 : i32
      %add3A_1457 = vector.broadcast %add3A_1456 : i32 to vector<16xi32>
      %add3A_1458 = arith.addi %broadcast_in_dim3A_69, %add3A_1457 : vector<16xi32>
      %gather3A_1459 = tpu.vector_load_idx %arg14[%add3A_1253, %add3A_1458] : memref<512x64xf32, #tpu.memory_space<vmem>>[vector<16xi32>, vector<16xi32>], vector<16xf32>,
      %add3A_1460 = arith.constant 19 : i32
      %add3A_1461 = vector.broadcast %add3A_1460 : i32 to vector<16xi32>
      %add3A_1462 = arith.addi %broadcast_in_dim3A_69, %add3A_1461 : vector<16xi32>
      %gather3A_1463 = tpu.vector_load_idx %arg16[%get3A_1257, %add3A_1462] : memref<100x64xf32, #tpu.memory_space<vmem>>[vector<16xi32>, vector<16xi32>], vector<16xf32>,
      %mul3A_1464 = arith.mulf %gather3A_1459, %gather3A_1463 : vector<16xf32>
      %add3A_1465 = arith.addf %add3A_1425, %mul3A_1464 : vector<16xf32>
      %add3A_1466 = arith.constant 20 : i32
      %add3A_1467 = vector.broadcast %add3A_1466 : i32 to vector<16xi32>
      %add3A_1468 = arith.addi %broadcast_in_dim3A_69, %add3A_1467 : vector<16xi32>
      %gather3A_1469 = tpu.vector_load_idx %arg14[%add3A_1253, %add3A_1468] : memref<512x64xf32, #tpu.memory_space<vmem>>[vector<16xi32>, vector<16xi32>], vector<16xf32>,
      %add3A_1470 = arith.constant 20 : i32
      %add3A_1471 = vector.broadcast %add3A_1470 : i32 to vector<16xi32>
      %add3A_1472 = arith.addi %broadcast_in_dim3A_69, %add3A_1471 : vector<16xi32>
      %gather3A_1473 = tpu.vector_load_idx %arg16[%get3A_1257, %add3A_1472] : memref<100x64xf32, #tpu.memory_space<vmem>>[vector<16xi32>, vector<16xi32>], vector<16xf32>,
      %mul3A_1474 = arith.mulf %gather3A_1469, %gather3A_1473 : vector<16xf32>
      %add3A_1475 = arith.addf %add3A_1435, %mul3A_1474 : vector<16xf32>
      %add3A_1476 = arith.constant 21 : i32
      %add3A_1477 = vector.broadcast %add3A_1476 : i32 to vector<16xi32>
      %add3A_1478 = arith.addi %broadcast_in_dim3A_69, %add3A_1477 : vector<16xi32>
      %gather3A_1479 = tpu.vector_load_idx %arg14[%add3A_1253, %add3A_1478] : memref<512x64xf32, #tpu.memory_space<vmem>>[vector<16xi32>, vector<16xi32>], vector<16xf32>,
      %add3A_1480 = arith.constant 21 : i32
      %add3A_1481 = vector.broadcast %add3A_1480 : i32 to vector<16xi32>
      %add3A_1482 = arith.addi %broadcast_in_dim3A_69, %add3A_1481 : vector<16xi32>
      %gather3A_1483 = tpu.vector_load_idx %arg16[%get3A_1257, %add3A_1482] : memref<100x64xf32, #tpu.memory_space<vmem>>[vector<16xi32>, vector<16xi32>], vector<16xf32>,
      %mul3A_1484 = arith.mulf %gather3A_1479, %gather3A_1483 : vector<16xf32>
      %add3A_1485 = arith.addf %add3A_1445, %mul3A_1484 : vector<16xf32>
      %add3A_1486 = arith.constant 22 : i32
      %add3A_1487 = vector.broadcast %add3A_1486 : i32 to vector<16xi32>
      %add3A_1488 = arith.addi %broadcast_in_dim3A_69, %add3A_1487 : vector<16xi32>
      %gather3A_1489 = tpu.vector_load_idx %arg14[%add3A_1253, %add3A_1488] : memref<512x64xf32, #tpu.memory_space<vmem>>[vector<16xi32>, vector<16xi32>], vector<16xf32>,
      %add3A_1490 = arith.constant 22 : i32
      %add3A_1491 = vector.broadcast %add3A_1490 : i32 to vector<16xi32>
      %add3A_1492 = arith.addi %broadcast_in_dim3A_69, %add3A_1491 : vector<16xi32>
      %gather3A_1493 = tpu.vector_load_idx %arg16[%get3A_1257, %add3A_1492] : memref<100x64xf32, #tpu.memory_space<vmem>>[vector<16xi32>, vector<16xi32>], vector<16xf32>,
      %mul3A_1494 = arith.mulf %gather3A_1489, %gather3A_1493 : vector<16xf32>
      %add3A_1495 = arith.addf %add3A_1455, %mul3A_1494 : vector<16xf32>
      %add3A_1496 = arith.constant 23 : i32
      %add3A_1497 = vector.broadcast %add3A_1496 : i32 to vector<16xi32>
      %add3A_1498 = arith.addi %broadcast_in_dim3A_69, %add3A_1497 : vector<16xi32>
      %gather3A_1499 = tpu.vector_load_idx %arg14[%add3A_1253, %add3A_1498] : memref<512x64xf32, #tpu.memory_space<vmem>>[vector<16xi32>, vector<16xi32>], vector<16xf32>,
      %add3A_1500 = arith.constant 23 : i32
      %add3A_1501 = vector.broadcast %add3A_1500 : i32 to vector<16xi32>
      %add3A_1502 = arith.addi %broadcast_in_dim3A_69, %add3A_1501 : vector<16xi32>
      %gather3A_1503 = tpu.vector_load_idx %arg16[%get3A_1257, %add3A_1502] : memref<100x64xf32, #tpu.memory_space<vmem>>[vector<16xi32>, vector<16xi32>], vector<16xf32>,
      %mul3A_1504 = arith.mulf %gather3A_1499, %gather3A_1503 : vector<16xf32>
      %add3A_1505 = arith.addf %add3A_1465, %mul3A_1504 : vector<16xf32>
      %add3A_1506 = arith.constant 24 : i32
      %add3A_1507 = vector.broadcast %add3A_1506 : i32 to vector<16xi32>
      %add3A_1508 = arith.addi %broadcast_in_dim3A_69, %add3A_1507 : vector<16xi32>
      %gather3A_1509 = tpu.vector_load_idx %arg14[%add3A_1253, %add3A_1508] : memref<512x64xf32, #tpu.memory_space<vmem>>[vector<16xi32>, vector<16xi32>], vector<16xf32>,
      %add3A_1510 = arith.constant 24 : i32
      %add3A_1511 = vector.broadcast %add3A_1510 : i32 to vector<16xi32>
      %add3A_1512 = arith.addi %broadcast_in_dim3A_69, %add3A_1511 : vector<16xi32>
      %gather3A_1513 = tpu.vector_load_idx %arg16[%get3A_1257, %add3A_1512] : memref<100x64xf32, #tpu.memory_space<vmem>>[vector<16xi32>, vector<16xi32>], vector<16xf32>,
      %mul3A_1514 = arith.mulf %gather3A_1509, %gather3A_1513 : vector<16xf32>
      %add3A_1515 = arith.addf %add3A_1475, %mul3A_1514 : vector<16xf32>
      %add3A_1516 = arith.constant 25 : i32
      %add3A_1517 = vector.broadcast %add3A_1516 : i32 to vector<16xi32>
      %add3A_1518 = arith.addi %broadcast_in_dim3A_69, %add3A_1517 : vector<16xi32>
      %gather3A_1519 = tpu.vector_load_idx %arg14[%add3A_1253, %add3A_1518] : memref<512x64xf32, #tpu.memory_space<vmem>>[vector<16xi32>, vector<16xi32>], vector<16xf32>,
      %add3A_1520 = arith.constant 25 : i32
      %add3A_1521 = vector.broadcast %add3A_1520 : i32 to vector<16xi32>
      %add3A_1522 = arith.addi %broadcast_in_dim3A_69, %add3A_1521 : vector<16xi32>
      %gather3A_1523 = tpu.vector_load_idx %arg16[%get3A_1257, %add3A_1522] : memref<100x64xf32, #tpu.memory_space<vmem>>[vector<16xi32>, vector<16xi32>], vector<16xf32>,
      %mul3A_1524 = arith.mulf %gather3A_1519, %gather3A_1523 : vector<16xf32>
      %add3A_1525 = arith.addf %add3A_1485, %mul3A_1524 : vector<16xf32>
      %add3A_1526 = arith.constant 26 : i32
      %add3A_1527 = vector.broadcast %add3A_1526 : i32 to vector<16xi32>
      %add3A_1528 = arith.addi %broadcast_in_dim3A_69, %add3A_1527 : vector<16xi32>
      %gather3A_1529 = tpu.vector_load_idx %arg14[%add3A_1253, %add3A_1528] : memref<512x64xf32, #tpu.memory_space<vmem>>[vector<16xi32>, vector<16xi32>], vector<16xf32>,
      %add3A_1530 = arith.constant 26 : i32
      %add3A_1531 = vector.broadcast %add3A_1530 : i32 to vector<16xi32>
      %add3A_1532 = arith.addi %broadcast_in_dim3A_69, %add3A_1531 : vector<16xi32>
      %gather3A_1533 = tpu.vector_load_idx %arg16[%get3A_1257, %add3A_1532] : memref<100x64xf32, #tpu.memory_space<vmem>>[vector<16xi32>, vector<16xi32>], vector<16xf32>,
      %mul3A_1534 = arith.mulf %gather3A_1529, %gather3A_1533 : vector<16xf32>
      %add3A_1535 = arith.addf %add3A_1495, %mul3A_1534 : vector<16xf32>
      %add3A_1536 = arith.constant 27 : i32
      %add3A_1537 = vector.broadcast %add3A_1536 : i32 to vector<16xi32>
      %add3A_1538 = arith.addi %broadcast_in_dim3A_69, %add3A_1537 : vector<16xi32>
      %gather3A_1539 = tpu.vector_load_idx %arg14[%add3A_1253, %add3A_1538] : memref<512x64xf32, #tpu.memory_space<vmem>>[vector<16xi32>, vector<16xi32>], vector<16xf32>,
      %add3A_1540 = arith.constant 27 : i32
      %add3A_1541 = vector.broadcast %add3A_1540 : i32 to vector<16xi32>
      %add3A_1542 = arith.addi %broadcast_in_dim3A_69, %add3A_1541 : vector<16xi32>
      %gather3A_1543 = tpu.vector_load_idx %arg16[%get3A_1257, %add3A_1542] : memref<100x64xf32, #tpu.memory_space<vmem>>[vector<16xi32>, vector<16xi32>], vector<16xf32>,
      %mul3A_1544 = arith.mulf %gather3A_1539, %gather3A_1543 : vector<16xf32>
      %add3A_1545 = arith.addf %add3A_1505, %mul3A_1544 : vector<16xf32>
      %add3A_1546 = arith.constant 28 : i32
      %add3A_1547 = vector.broadcast %add3A_1546 : i32 to vector<16xi32>
      %add3A_1548 = arith.addi %broadcast_in_dim3A_69, %add3A_1547 : vector<16xi32>
      %gather3A_1549 = tpu.vector_load_idx %arg14[%add3A_1253, %add3A_1548] : memref<512x64xf32, #tpu.memory_space<vmem>>[vector<16xi32>, vector<16xi32>], vector<16xf32>,
      %add3A_1550 = arith.constant 28 : i32
      %add3A_1551 = vector.broadcast %add3A_1550 : i32 to vector<16xi32>
      %add3A_1552 = arith.addi %broadcast_in_dim3A_69, %add3A_1551 : vector<16xi32>
      %gather3A_1553 = tpu.vector_load_idx %arg16[%get3A_1257, %add3A_1552] : memref<100x64xf32, #tpu.memory_space<vmem>>[vector<16xi32>, vector<16xi32>], vector<16xf32>,
      %mul3A_1554 = arith.mulf %gather3A_1549, %gather3A_1553 : vector<16xf32>
      %add3A_1555 = arith.addf %add3A_1515, %mul3A_1554 : vector<16xf32>
      %add3A_1556 = arith.constant 29 : i32
      %add3A_1557 = vector.broadcast %add3A_1556 : i32 to vector<16xi32>
      %add3A_1558 = arith.addi %broadcast_in_dim3A_69, %add3A_1557 : vector<16xi32>
      %gather3A_1559 = tpu.vector_load_idx %arg14[%add3A_1253, %add3A_1558] : memref<512x64xf32, #tpu.memory_space<vmem>>[vector<16xi32>, vector<16xi32>], vector<16xf32>,
      %add3A_1560 = arith.constant 29 : i32
      %add3A_1561 = vector.broadcast %add3A_1560 : i32 to vector<16xi32>
      %add3A_1562 = arith.addi %broadcast_in_dim3A_69, %add3A_1561 : vector<16xi32>
      %gather3A_1563 = tpu.vector_load_idx %arg16[%get3A_1257, %add3A_1562] : memref<100x64xf32, #tpu.memory_space<vmem>>[vector<16xi32>, vector<16xi32>], vector<16xf32>,
      %mul3A_1564 = arith.mulf %gather3A_1559, %gather3A_1563 : vector<16xf32>
      %add3A_1565 = arith.addf %add3A_1525, %mul3A_1564 : vector<16xf32>
      %add3A_1566 = arith.constant 30 : i32
      %add3A_1567 = vector.broadcast %add3A_1566 : i32 to vector<16xi32>
      %add3A_1568 = arith.addi %broadcast_in_dim3A_69, %add3A_1567 : vector<16xi32>
      %gather3A_1569 = tpu.vector_load_idx %arg14[%add3A_1253, %add3A_1568] : memref<512x64xf32, #tpu.memory_space<vmem>>[vector<16xi32>, vector<16xi32>], vector<16xf32>,
      %add3A_1570 = arith.constant 30 : i32
      %add3A_1571 = vector.broadcast %add3A_1570 : i32 to vector<16xi32>
      %add3A_1572 = arith.addi %broadcast_in_dim3A_69, %add3A_1571 : vector<16xi32>
      %gather3A_1573 = tpu.vector_load_idx %arg16[%get3A_1257, %add3A_1572] : memref<100x64xf32, #tpu.memory_space<vmem>>[vector<16xi32>, vector<16xi32>], vector<16xf32>,
      %mul3A_1574 = arith.mulf %gather3A_1569, %gather3A_1573 : vector<16xf32>
      %add3A_1575 = arith.addf %add3A_1535, %mul3A_1574 : vector<16xf32>
      %add3A_1576 = arith.constant 31 : i32
      %add3A_1577 = vector.broadcast %add3A_1576 : i32 to vector<16xi32>
      %add3A_1578 = arith.addi %broadcast_in_dim3A_69, %add3A_1577 : vector<16xi32>
      %gather3A_1579 = tpu.vector_load_idx %arg14[%add3A_1253, %add3A_1578] : memref<512x64xf32, #tpu.memory_space<vmem>>[vector<16xi32>, vector<16xi32>], vector<16xf32>,
      %add3A_1580 = arith.constant 31 : i32
      %add3A_1581 = vector.broadcast %add3A_1580 : i32 to vector<16xi32>
      %add3A_1582 = arith.addi %broadcast_in_dim3A_69, %add3A_1581 : vector<16xi32>
      %gather3A_1583 = tpu.vector_load_idx %arg16[%get3A_1257, %add3A_1582] : memref<100x64xf32, #tpu.memory_space<vmem>>[vector<16xi32>, vector<16xi32>], vector<16xf32>,
      %mul3A_1584 = arith.mulf %gather3A_1579, %gather3A_1583 : vector<16xf32>
      %add3A_1585 = arith.addf %add3A_1545, %mul3A_1584 : vector<16xf32>
      %add3A_1586 = arith.constant 32 : i32
      %add3A_1587 = vector.broadcast %add3A_1586 : i32 to vector<16xi32>
      %add3A_1588 = arith.addi %broadcast_in_dim3A_69, %add3A_1587 : vector<16xi32>
      %gather3A_1589 = tpu.vector_load_idx %arg14[%add3A_1253, %add3A_1588] : memref<512x64xf32, #tpu.memory_space<vmem>>[vector<16xi32>, vector<16xi32>], vector<16xf32>,
      %add3A_1590 = arith.constant 32 : i32
      %add3A_1591 = vector.broadcast %add3A_1590 : i32 to vector<16xi32>
      %add3A_1592 = arith.addi %broadcast_in_dim3A_69, %add3A_1591 : vector<16xi32>
      %gather3A_1593 = tpu.vector_load_idx %arg16[%get3A_1257, %add3A_1592] : memref<100x64xf32, #tpu.memory_space<vmem>>[vector<16xi32>, vector<16xi32>], vector<16xf32>,
      %mul3A_1594 = arith.mulf %gather3A_1589, %gather3A_1593 : vector<16xf32>
      %add3A_1595 = arith.addf %add3A_1555, %mul3A_1594 : vector<16xf32>
      %add3A_1596 = arith.constant 33 : i32
      %add3A_1597 = vector.broadcast %add3A_1596 : i32 to vector<16xi32>
      %add3A_1598 = arith.addi %broadcast_in_dim3A_69, %add3A_1597 : vector<16xi32>
      %gather3A_1599 = tpu.vector_load_idx %arg14[%add3A_1253, %add3A_1598] : memref<512x64xf32, #tpu.memory_space<vmem>>[vector<16xi32>, vector<16xi32>], vector<16xf32>,
      %add3A_1600 = arith.constant 33 : i32
      %add3A_1601 = vector.broadcast %add3A_1600 : i32 to vector<16xi32>
      %add3A_1602 = arith.addi %broadcast_in_dim3A_69, %add3A_1601 : vector<16xi32>
      %gather3A_1603 = tpu.vector_load_idx %arg16[%get3A_1257, %add3A_1602] : memref<100x64xf32, #tpu.memory_space<vmem>>[vector<16xi32>, vector<16xi32>], vector<16xf32>,
      %mul3A_1604 = arith.mulf %gather3A_1599, %gather3A_1603 : vector<16xf32>
      %add3A_1605 = arith.addf %add3A_1565, %mul3A_1604 : vector<16xf32>
      %add3A_1606 = arith.constant 34 : i32
      %add3A_1607 = vector.broadcast %add3A_1606 : i32 to vector<16xi32>
      %add3A_1608 = arith.addi %broadcast_in_dim3A_69, %add3A_1607 : vector<16xi32>
      %gather3A_1609 = tpu.vector_load_idx %arg14[%add3A_1253, %add3A_1608] : memref<512x64xf32, #tpu.memory_space<vmem>>[vector<16xi32>, vector<16xi32>], vector<16xf32>,
      %add3A_1610 = arith.constant 34 : i32
      %add3A_1611 = vector.broadcast %add3A_1610 : i32 to vector<16xi32>
      %add3A_1612 = arith.addi %broadcast_in_dim3A_69, %add3A_1611 : vector<16xi32>
      %gather3A_1613 = tpu.vector_load_idx %arg16[%get3A_1257, %add3A_1612] : memref<100x64xf32, #tpu.memory_space<vmem>>[vector<16xi32>, vector<16xi32>], vector<16xf32>,
      %mul3A_1614 = arith.mulf %gather3A_1609, %gather3A_1613 : vector<16xf32>
      %add3A_1615 = arith.addf %add3A_1575, %mul3A_1614 : vector<16xf32>
      %add3A_1616 = arith.constant 35 : i32
      %add3A_1617 = vector.broadcast %add3A_1616 : i32 to vector<16xi32>
      %add3A_1618 = arith.addi %broadcast_in_dim3A_69, %add3A_1617 : vector<16xi32>
      %gather3A_1619 = tpu.vector_load_idx %arg14[%add3A_1253, %add3A_1618] : memref<512x64xf32, #tpu.memory_space<vmem>>[vector<16xi32>, vector<16xi32>], vector<16xf32>,
      %add3A_1620 = arith.constant 35 : i32
      %add3A_1621 = vector.broadcast %add3A_1620 : i32 to vector<16xi32>
      %add3A_1622 = arith.addi %broadcast_in_dim3A_69, %add3A_1621 : vector<16xi32>
      %gather3A_1623 = tpu.vector_load_idx %arg16[%get3A_1257, %add3A_1622] : memref<100x64xf32, #tpu.memory_space<vmem>>[vector<16xi32>, vector<16xi32>], vector<16xf32>,
      %mul3A_1624 = arith.mulf %gather3A_1619, %gather3A_1623 : vector<16xf32>
      %add3A_1625 = arith.addf %add3A_1585, %mul3A_1624 : vector<16xf32>
      %add3A_1626 = arith.constant 36 : i32
      %add3A_1627 = vector.broadcast %add3A_1626 : i32 to vector<16xi32>
      %add3A_1628 = arith.addi %broadcast_in_dim3A_69, %add3A_1627 : vector<16xi32>
      %gather3A_1629 = tpu.vector_load_idx %arg14[%add3A_1253, %add3A_1628] : memref<512x64xf32, #tpu.memory_space<vmem>>[vector<16xi32>, vector<16xi32>], vector<16xf32>,
      %add3A_1630 = arith.constant 36 : i32
      %add3A_1631 = vector.broadcast %add3A_1630 : i32 to vector<16xi32>
      %add3A_1632 = arith.addi %broadcast_in_dim3A_69, %add3A_1631 : vector<16xi32>
      %gather3A_1633 = tpu.vector_load_idx %arg16[%get3A_1257, %add3A_1632] : memref<100x64xf32, #tpu.memory_space<vmem>>[vector<16xi32>, vector<16xi32>], vector<16xf32>,
      %mul3A_1634 = arith.mulf %gather3A_1629, %gather3A_1633 : vector<16xf32>
      %add3A_1635 = arith.addf %add3A_1595, %mul3A_1634 : vector<16xf32>
      %add3A_1636 = arith.constant 37 : i32
      %add3A_1637 = vector.broadcast %add3A_1636 : i32 to vector<16xi32>
      %add3A_1638 = arith.addi %broadcast_in_dim3A_69, %add3A_1637 : vector<16xi32>
      %gather3A_1639 = tpu.vector_load_idx %arg14[%add3A_1253, %add3A_1638] : memref<512x64xf32, #tpu.memory_space<vmem>>[vector<16xi32>, vector<16xi32>], vector<16xf32>,
      %add3A_1640 = arith.constant 37 : i32
      %add3A_1641 = vector.broadcast %add3A_1640 : i32 to vector<16xi32>
      %add3A_1642 = arith.addi %broadcast_in_dim3A_69, %add3A_1641 : vector<16xi32>
      %gather3A_1643 = tpu.vector_load_idx %arg16[%get3A_1257, %add3A_1642] : memref<100x64xf32, #tpu.memory_space<vmem>>[vector<16xi32>, vector<16xi32>], vector<16xf32>,
      %mul3A_1644 = arith.mulf %gather3A_1639, %gather3A_1643 : vector<16xf32>
      %add3A_1645 = arith.addf %add3A_1605, %mul3A_1644 : vector<16xf32>
      %add3A_1646 = arith.constant 38 : i32
      %add3A_1647 = vector.broadcast %add3A_1646 : i32 to vector<16xi32>
      %add3A_1648 = arith.addi %broadcast_in_dim3A_69, %add3A_1647 : vector<16xi32>
      %gather3A_1649 = tpu.vector_load_idx %arg14[%add3A_1253, %add3A_1648] : memref<512x64xf32, #tpu.memory_space<vmem>>[vector<16xi32>, vector<16xi32>], vector<16xf32>,
      %add3A_1650 = arith.constant 38 : i32
      %add3A_1651 = vector.broadcast %add3A_1650 : i32 to vector<16xi32>
      %add3A_1652 = arith.addi %broadcast_in_dim3A_69, %add3A_1651 : vector<16xi32>
      %gather3A_1653 = tpu.vector_load_idx %arg16[%get3A_1257, %add3A_1652] : memref<100x64xf32, #tpu.memory_space<vmem>>[vector<16xi32>, vector<16xi32>], vector<16xf32>,
      %mul3A_1654 = arith.mulf %gather3A_1649, %gather3A_1653 : vector<16xf32>
      %add3A_1655 = arith.addf %add3A_1615, %mul3A_1654 : vector<16xf32>
      %add3A_1656 = arith.constant 39 : i32
      %add3A_1657 = vector.broadcast %add3A_1656 : i32 to vector<16xi32>
      %add3A_1658 = arith.addi %broadcast_in_dim3A_69, %add3A_1657 : vector<16xi32>
      %gather3A_1659 = tpu.vector_load_idx %arg14[%add3A_1253, %add3A_1658] : memref<512x64xf32, #tpu.memory_space<vmem>>[vector<16xi32>, vector<16xi32>], vector<16xf32>,
      %add3A_1660 = arith.constant 39 : i32
      %add3A_1661 = vector.broadcast %add3A_1660 : i32 to vector<16xi32>
      %add3A_1662 = arith.addi %broadcast_in_dim3A_69, %add3A_1661 : vector<16xi32>
      %gather3A_1663 = tpu.vector_load_idx %arg16[%get3A_1257, %add3A_1662] : memref<100x64xf32, #tpu.memory_space<vmem>>[vector<16xi32>, vector<16xi32>], vector<16xf32>,
      %mul3A_1664 = arith.mulf %gather3A_1659, %gather3A_1663 : vector<16xf32>
      %add3A_1665 = arith.addf %add3A_1625, %mul3A_1664 : vector<16xf32>
      %add3A_1666 = arith.constant 40 : i32
      %add3A_1667 = vector.broadcast %add3A_1666 : i32 to vector<16xi32>
      %add3A_1668 = arith.addi %broadcast_in_dim3A_69, %add3A_1667 : vector<16xi32>
      %gather3A_1669 = tpu.vector_load_idx %arg14[%add3A_1253, %add3A_1668] : memref<512x64xf32, #tpu.memory_space<vmem>>[vector<16xi32>, vector<16xi32>], vector<16xf32>,
      %add3A_1670 = arith.constant 40 : i32
      %add3A_1671 = vector.broadcast %add3A_1670 : i32 to vector<16xi32>
      %add3A_1672 = arith.addi %broadcast_in_dim3A_69, %add3A_1671 : vector<16xi32>
      %gather3A_1673 = tpu.vector_load_idx %arg16[%get3A_1257, %add3A_1672] : memref<100x64xf32, #tpu.memory_space<vmem>>[vector<16xi32>, vector<16xi32>], vector<16xf32>,
      %mul3A_1674 = arith.mulf %gather3A_1669, %gather3A_1673 : vector<16xf32>
      %add3A_1675 = arith.addf %add3A_1635, %mul3A_1674 : vector<16xf32>
      %add3A_1676 = arith.constant 41 : i32
      %add3A_1677 = vector.broadcast %add3A_1676 : i32 to vector<16xi32>
      %add3A_1678 = arith.addi %broadcast_in_dim3A_69, %add3A_1677 : vector<16xi32>
      %gather3A_1679 = tpu.vector_load_idx %arg14[%add3A_1253, %add3A_1678] : memref<512x64xf32, #tpu.memory_space<vmem>>[vector<16xi32>, vector<16xi32>], vector<16xf32>,
      %add3A_1680 = arith.constant 41 : i32
      %add3A_1681 = vector.broadcast %add3A_1680 : i32 to vector<16xi32>
      %add3A_1682 = arith.addi %broadcast_in_dim3A_69, %add3A_1681 : vector<16xi32>
      %gather3A_1683 = tpu.vector_load_idx %arg16[%get3A_1257, %add3A_1682] : memref<100x64xf32, #tpu.memory_space<vmem>>[vector<16xi32>, vector<16xi32>], vector<16xf32>,
      %mul3A_1684 = arith.mulf %gather3A_1679, %gather3A_1683 : vector<16xf32>
      %add3A_1685 = arith.addf %add3A_1645, %mul3A_1684 : vector<16xf32>
      %add3A_1686 = arith.constant 42 : i32
      %add3A_1687 = vector.broadcast %add3A_1686 : i32 to vector<16xi32>
      %add3A_1688 = arith.addi %broadcast_in_dim3A_69, %add3A_1687 : vector<16xi32>
      %gather3A_1689 = tpu.vector_load_idx %arg14[%add3A_1253, %add3A_1688] : memref<512x64xf32, #tpu.memory_space<vmem>>[vector<16xi32>, vector<16xi32>], vector<16xf32>,
      %add3A_1690 = arith.constant 42 : i32
      %add3A_1691 = vector.broadcast %add3A_1690 : i32 to vector<16xi32>
      %add3A_1692 = arith.addi %broadcast_in_dim3A_69, %add3A_1691 : vector<16xi32>
      %gather3A_1693 = tpu.vector_load_idx %arg16[%get3A_1257, %add3A_1692] : memref<100x64xf32, #tpu.memory_space<vmem>>[vector<16xi32>, vector<16xi32>], vector<16xf32>,
      %mul3A_1694 = arith.mulf %gather3A_1689, %gather3A_1693 : vector<16xf32>
      %add3A_1695 = arith.addf %add3A_1655, %mul3A_1694 : vector<16xf32>
      %add3A_1696 = arith.constant 43 : i32
      %add3A_1697 = vector.broadcast %add3A_1696 : i32 to vector<16xi32>
      %add3A_1698 = arith.addi %broadcast_in_dim3A_69, %add3A_1697 : vector<16xi32>
      %gather3A_1699 = tpu.vector_load_idx %arg14[%add3A_1253, %add3A_1698] : memref<512x64xf32, #tpu.memory_space<vmem>>[vector<16xi32>, vector<16xi32>], vector<16xf32>,
      %add3A_1700 = arith.constant 43 : i32
      %add3A_1701 = vector.broadcast %add3A_1700 : i32 to vector<16xi32>
      %add3A_1702 = arith.addi %broadcast_in_dim3A_69, %add3A_1701 : vector<16xi32>
      %gather3A_1703 = tpu.vector_load_idx %arg16[%get3A_1257, %add3A_1702] : memref<100x64xf32, #tpu.memory_space<vmem>>[vector<16xi32>, vector<16xi32>], vector<16xf32>,
      %mul3A_1704 = arith.mulf %gather3A_1699, %gather3A_1703 : vector<16xf32>
      %add3A_1705 = arith.addf %add3A_1665, %mul3A_1704 : vector<16xf32>
      %add3A_1706 = arith.constant 44 : i32
      %add3A_1707 = vector.broadcast %add3A_1706 : i32 to vector<16xi32>
      %add3A_1708 = arith.addi %broadcast_in_dim3A_69, %add3A_1707 : vector<16xi32>
      %gather3A_1709 = tpu.vector_load_idx %arg14[%add3A_1253, %add3A_1708] : memref<512x64xf32, #tpu.memory_space<vmem>>[vector<16xi32>, vector<16xi32>], vector<16xf32>,
      %add3A_1710 = arith.constant 44 : i32
      %add3A_1711 = vector.broadcast %add3A_1710 : i32 to vector<16xi32>
      %add3A_1712 = arith.addi %broadcast_in_dim3A_69, %add3A_1711 : vector<16xi32>
      %gather3A_1713 = tpu.vector_load_idx %arg16[%get3A_1257, %add3A_1712] : memref<100x64xf32, #tpu.memory_space<vmem>>[vector<16xi32>, vector<16xi32>], vector<16xf32>,
      %mul3A_1714 = arith.mulf %gather3A_1709, %gather3A_1713 : vector<16xf32>
      %add3A_1715 = arith.addf %add3A_1675, %mul3A_1714 : vector<16xf32>
      %add3A_1716 = arith.constant 45 : i32
      %add3A_1717 = vector.broadcast %add3A_1716 : i32 to vector<16xi32>
      %add3A_1718 = arith.addi %broadcast_in_dim3A_69, %add3A_1717 : vector<16xi32>
      %gather3A_1719 = tpu.vector_load_idx %arg14[%add3A_1253, %add3A_1718] : memref<512x64xf32, #tpu.memory_space<vmem>>[vector<16xi32>, vector<16xi32>], vector<16xf32>,
      %add3A_1720 = arith.constant 45 : i32
      %add3A_1721 = vector.broadcast %add3A_1720 : i32 to vector<16xi32>
      %add3A_1722 = arith.addi %broadcast_in_dim3A_69, %add3A_1721 : vector<16xi32>
      %gather3A_1723 = tpu.vector_load_idx %arg16[%get3A_1257, %add3A_1722] : memref<100x64xf32, #tpu.memory_space<vmem>>[vector<16xi32>, vector<16xi32>], vector<16xf32>,
      %mul3A_1724 = arith.mulf %gather3A_1719, %gather3A_1723 : vector<16xf32>
      %add3A_1725 = arith.addf %add3A_1685, %mul3A_1724 : vector<16xf32>
      %add3A_1726 = arith.constant 46 : i32
      %add3A_1727 = vector.broadcast %add3A_1726 : i32 to vector<16xi32>
      %add3A_1728 = arith.addi %broadcast_in_dim3A_69, %add3A_1727 : vector<16xi32>
      %gather3A_1729 = tpu.vector_load_idx %arg14[%add3A_1253, %add3A_1728] : memref<512x64xf32, #tpu.memory_space<vmem>>[vector<16xi32>, vector<16xi32>], vector<16xf32>,
      %add3A_1730 = arith.constant 46 : i32
      %add3A_1731 = vector.broadcast %add3A_1730 : i32 to vector<16xi32>
      %add3A_1732 = arith.addi %broadcast_in_dim3A_69, %add3A_1731 : vector<16xi32>
      %gather3A_1733 = tpu.vector_load_idx %arg16[%get3A_1257, %add3A_1732] : memref<100x64xf32, #tpu.memory_space<vmem>>[vector<16xi32>, vector<16xi32>], vector<16xf32>,
      %mul3A_1734 = arith.mulf %gather3A_1729, %gather3A_1733 : vector<16xf32>
      %add3A_1735 = arith.addf %add3A_1695, %mul3A_1734 : vector<16xf32>
      %add3A_1736 = arith.constant 47 : i32
      %add3A_1737 = vector.broadcast %add3A_1736 : i32 to vector<16xi32>
      %add3A_1738 = arith.addi %broadcast_in_dim3A_69, %add3A_1737 : vector<16xi32>
      %gather3A_1739 = tpu.vector_load_idx %arg14[%add3A_1253, %add3A_1738] : memref<512x64xf32, #tpu.memory_space<vmem>>[vector<16xi32>, vector<16xi32>], vector<16xf32>,
      %add3A_1740 = arith.constant 47 : i32
      %add3A_1741 = vector.broadcast %add3A_1740 : i32 to vector<16xi32>
      %add3A_1742 = arith.addi %broadcast_in_dim3A_69, %add3A_1741 : vector<16xi32>
      %gather3A_1743 = tpu.vector_load_idx %arg16[%get3A_1257, %add3A_1742] : memref<100x64xf32, #tpu.memory_space<vmem>>[vector<16xi32>, vector<16xi32>], vector<16xf32>,
      %mul3A_1744 = arith.mulf %gather3A_1739, %gather3A_1743 : vector<16xf32>
      %add3A_1745 = arith.addf %add3A_1705, %mul3A_1744 : vector<16xf32>
      %add3A_1746 = arith.constant 48 : i32
      %add3A_1747 = vector.broadcast %add3A_1746 : i32 to vector<16xi32>
      %add3A_1748 = arith.addi %broadcast_in_dim3A_69, %add3A_1747 : vector<16xi32>
      %gather3A_1749 = tpu.vector_load_idx %arg14[%add3A_1253, %add3A_1748] : memref<512x64xf32, #tpu.memory_space<vmem>>[vector<16xi32>, vector<16xi32>], vector<16xf32>,
      %add3A_1750 = arith.constant 48 : i32
      %add3A_1751 = vector.broadcast %add3A_1750 : i32 to vector<16xi32>
      %add3A_1752 = arith.addi %broadcast_in_dim3A_69, %add3A_1751 : vector<16xi32>
      %gather3A_1753 = tpu.vector_load_idx %arg16[%get3A_1257, %add3A_1752] : memref<100x64xf32, #tpu.memory_space<vmem>>[vector<16xi32>, vector<16xi32>], vector<16xf32>,
      %mul3A_1754 = arith.mulf %gather3A_1749, %gather3A_1753 : vector<16xf32>
      %add3A_1755 = arith.addf %add3A_1715, %mul3A_1754 : vector<16xf32>
      %add3A_1756 = arith.constant 49 : i32
      %add3A_1757 = vector.broadcast %add3A_1756 : i32 to vector<16xi32>
      %add3A_1758 = arith.addi %broadcast_in_dim3A_69, %add3A_1757 : vector<16xi32>
      %gather3A_1759 = tpu.vector_load_idx %arg14[%add3A_1253, %add3A_1758] : memref<512x64xf32, #tpu.memory_space<vmem>>[vector<16xi32>, vector<16xi32>], vector<16xf32>,
      %add3A_1760 = arith.constant 49 : i32
      %add3A_1761 = vector.broadcast %add3A_1760 : i32 to vector<16xi32>
      %add3A_1762 = arith.addi %broadcast_in_dim3A_69, %add3A_1761 : vector<16xi32>
      %gather3A_1763 = tpu.vector_load_idx %arg16[%get3A_1257, %add3A_1762] : memref<100x64xf32, #tpu.memory_space<vmem>>[vector<16xi32>, vector<16xi32>], vector<16xf32>,
      %mul3A_1764 = arith.mulf %gather3A_1759, %gather3A_1763 : vector<16xf32>
      %add3A_1765 = arith.addf %add3A_1725, %mul3A_1764 : vector<16xf32>
      %add3A_1766 = arith.constant 50 : i32
      %add3A_1767 = vector.broadcast %add3A_1766 : i32 to vector<16xi32>
      %add3A_1768 = arith.addi %broadcast_in_dim3A_69, %add3A_1767 : vector<16xi32>
      %gather3A_1769 = tpu.vector_load_idx %arg14[%add3A_1253, %add3A_1768] : memref<512x64xf32, #tpu.memory_space<vmem>>[vector<16xi32>, vector<16xi32>], vector<16xf32>,
      %add3A_1770 = arith.constant 50 : i32
      %add3A_1771 = vector.broadcast %add3A_1770 : i32 to vector<16xi32>
      %add3A_1772 = arith.addi %broadcast_in_dim3A_69, %add3A_1771 : vector<16xi32>
      %gather3A_1773 = tpu.vector_load_idx %arg16[%get3A_1257, %add3A_1772] : memref<100x64xf32, #tpu.memory_space<vmem>>[vector<16xi32>, vector<16xi32>], vector<16xf32>,
      %mul3A_1774 = arith.mulf %gather3A_1769, %gather3A_1773 : vector<16xf32>
      %add3A_1775 = arith.addf %add3A_1735, %mul3A_1774 : vector<16xf32>
      %add3A_1776 = arith.constant 51 : i32
      %add3A_1777 = vector.broadcast %add3A_1776 : i32 to vector<16xi32>
      %add3A_1778 = arith.addi %broadcast_in_dim3A_69, %add3A_1777 : vector<16xi32>
      %gather3A_1779 = tpu.vector_load_idx %arg14[%add3A_1253, %add3A_1778] : memref<512x64xf32, #tpu.memory_space<vmem>>[vector<16xi32>, vector<16xi32>], vector<16xf32>,
      %add3A_1780 = arith.constant 51 : i32
      %add3A_1781 = vector.broadcast %add3A_1780 : i32 to vector<16xi32>
      %add3A_1782 = arith.addi %broadcast_in_dim3A_69, %add3A_1781 : vector<16xi32>
      %gather3A_1783 = tpu.vector_load_idx %arg16[%get3A_1257, %add3A_1782] : memref<100x64xf32, #tpu.memory_space<vmem>>[vector<16xi32>, vector<16xi32>], vector<16xf32>,
      %mul3A_1784 = arith.mulf %gather3A_1779, %gather3A_1783 : vector<16xf32>
      %add3A_1785 = arith.addf %add3A_1745, %mul3A_1784 : vector<16xf32>
      %add3A_1786 = arith.constant 52 : i32
      %add3A_1787 = vector.broadcast %add3A_1786 : i32 to vector<16xi32>
      %add3A_1788 = arith.addi %broadcast_in_dim3A_69, %add3A_1787 : vector<16xi32>
      %gather3A_1789 = tpu.vector_load_idx %arg14[%add3A_1253, %add3A_1788] : memref<512x64xf32, #tpu.memory_space<vmem>>[vector<16xi32>, vector<16xi32>], vector<16xf32>,
      %add3A_1790 = arith.constant 52 : i32
      %add3A_1791 = vector.broadcast %add3A_1790 : i32 to vector<16xi32>
      %add3A_1792 = arith.addi %broadcast_in_dim3A_69, %add3A_1791 : vector<16xi32>
      %gather3A_1793 = tpu.vector_load_idx %arg16[%get3A_1257, %add3A_1792] : memref<100x64xf32, #tpu.memory_space<vmem>>[vector<16xi32>, vector<16xi32>], vector<16xf32>,
      %mul3A_1794 = arith.mulf %gather3A_1789, %gather3A_1793 : vector<16xf32>
      %add3A_1795 = arith.addf %add3A_1755, %mul3A_1794 : vector<16xf32>
      %add3A_1796 = arith.constant 53 : i32
      %add3A_1797 = vector.broadcast %add3A_1796 : i32 to vector<16xi32>
      %add3A_1798 = arith.addi %broadcast_in_dim3A_69, %add3A_1797 : vector<16xi32>
      %gather3A_1799 = tpu.vector_load_idx %arg14[%add3A_1253, %add3A_1798] : memref<512x64xf32, #tpu.memory_space<vmem>>[vector<16xi32>, vector<16xi32>], vector<16xf32>,
      %add3A_1800 = arith.constant 53 : i32
      %add3A_1801 = vector.broadcast %add3A_1800 : i32 to vector<16xi32>
      %add3A_1802 = arith.addi %broadcast_in_dim3A_69, %add3A_1801 : vector<16xi32>
      %gather3A_1803 = tpu.vector_load_idx %arg16[%get3A_1257, %add3A_1802] : memref<100x64xf32, #tpu.memory_space<vmem>>[vector<16xi32>, vector<16xi32>], vector<16xf32>,
      %mul3A_1804 = arith.mulf %gather3A_1799, %gather3A_1803 : vector<16xf32>
      %add3A_1805 = arith.addf %add3A_1765, %mul3A_1804 : vector<16xf32>
      %add3A_1806 = arith.constant 54 : i32
      %add3A_1807 = vector.broadcast %add3A_1806 : i32 to vector<16xi32>
      %add3A_1808 = arith.addi %broadcast_in_dim3A_69, %add3A_1807 : vector<16xi32>
      %gather3A_1809 = tpu.vector_load_idx %arg14[%add3A_1253, %add3A_1808] : memref<512x64xf32, #tpu.memory_space<vmem>>[vector<16xi32>, vector<16xi32>], vector<16xf32>,
      %add3A_1810 = arith.constant 54 : i32
      %add3A_1811 = vector.broadcast %add3A_1810 : i32 to vector<16xi32>
      %add3A_1812 = arith.addi %broadcast_in_dim3A_69, %add3A_1811 : vector<16xi32>
      %gather3A_1813 = tpu.vector_load_idx %arg16[%get3A_1257, %add3A_1812] : memref<100x64xf32, #tpu.memory_space<vmem>>[vector<16xi32>, vector<16xi32>], vector<16xf32>,
      %mul3A_1814 = arith.mulf %gather3A_1809, %gather3A_1813 : vector<16xf32>
      %add3A_1815 = arith.addf %add3A_1775, %mul3A_1814 : vector<16xf32>
      %add3A_1816 = arith.constant 55 : i32
      %add3A_1817 = vector.broadcast %add3A_1816 : i32 to vector<16xi32>
      %add3A_1818 = arith.addi %broadcast_in_dim3A_69, %add3A_1817 : vector<16xi32>
      %gather3A_1819 = tpu.vector_load_idx %arg14[%add3A_1253, %add3A_1818] : memref<512x64xf32, #tpu.memory_space<vmem>>[vector<16xi32>, vector<16xi32>], vector<16xf32>,
      %add3A_1820 = arith.constant 55 : i32
      %add3A_1821 = vector.broadcast %add3A_1820 : i32 to vector<16xi32>
      %add3A_1822 = arith.addi %broadcast_in_dim3A_69, %add3A_1821 : vector<16xi32>
      %gather3A_1823 = tpu.vector_load_idx %arg16[%get3A_1257, %add3A_1822] : memref<100x64xf32, #tpu.memory_space<vmem>>[vector<16xi32>, vector<16xi32>], vector<16xf32>,
      %mul3A_1824 = arith.mulf %gather3A_1819, %gather3A_1823 : vector<16xf32>
      %add3A_1825 = arith.addf %add3A_1785, %mul3A_1824 : vector<16xf32>
      %add3A_1826 = arith.constant 56 : i32
      %add3A_1827 = vector.broadcast %add3A_1826 : i32 to vector<16xi32>
      %add3A_1828 = arith.addi %broadcast_in_dim3A_69, %add3A_1827 : vector<16xi32>
      %gather3A_1829 = tpu.vector_load_idx %arg14[%add3A_1253, %add3A_1828] : memref<512x64xf32, #tpu.memory_space<vmem>>[vector<16xi32>, vector<16xi32>], vector<16xf32>,
      %add3A_1830 = arith.constant 56 : i32
      %add3A_1831 = vector.broadcast %add3A_1830 : i32 to vector<16xi32>
      %add3A_1832 = arith.addi %broadcast_in_dim3A_69, %add3A_1831 : vector<16xi32>
      %gather3A_1833 = tpu.vector_load_idx %arg16[%get3A_1257, %add3A_1832] : memref<100x64xf32, #tpu.memory_space<vmem>>[vector<16xi32>, vector<16xi32>], vector<16xf32>,
      %mul3A_1834 = arith.mulf %gather3A_1829, %gather3A_1833 : vector<16xf32>
      %add3A_1835 = arith.addf %add3A_1795, %mul3A_1834 : vector<16xf32>
      %add3A_1836 = arith.constant 57 : i32
      %add3A_1837 = vector.broadcast %add3A_1836 : i32 to vector<16xi32>
      %add3A_1838 = arith.addi %broadcast_in_dim3A_69, %add3A_1837 : vector<16xi32>
      %gather3A_1839 = tpu.vector_load_idx %arg14[%add3A_1253, %add3A_1838] : memref<512x64xf32, #tpu.memory_space<vmem>>[vector<16xi32>, vector<16xi32>], vector<16xf32>,
      %add3A_1840 = arith.constant 57 : i32
      %add3A_1841 = vector.broadcast %add3A_1840 : i32 to vector<16xi32>
      %add3A_1842 = arith.addi %broadcast_in_dim3A_69, %add3A_1841 : vector<16xi32>
      %gather3A_1843 = tpu.vector_load_idx %arg16[%get3A_1257, %add3A_1842] : memref<100x64xf32, #tpu.memory_space<vmem>>[vector<16xi32>, vector<16xi32>], vector<16xf32>,
      %mul3A_1844 = arith.mulf %gather3A_1839, %gather3A_1843 : vector<16xf32>
      %add3A_1845 = arith.addf %add3A_1805, %mul3A_1844 : vector<16xf32>
      %add3A_1846 = arith.constant 58 : i32
      %add3A_1847 = vector.broadcast %add3A_1846 : i32 to vector<16xi32>
      %add3A_1848 = arith.addi %broadcast_in_dim3A_69, %add3A_1847 : vector<16xi32>
      %gather3A_1849 = tpu.vector_load_idx %arg14[%add3A_1253, %add3A_1848] : memref<512x64xf32, #tpu.memory_space<vmem>>[vector<16xi32>, vector<16xi32>], vector<16xf32>,
      %add3A_1850 = arith.constant 58 : i32
      %add3A_1851 = vector.broadcast %add3A_1850 : i32 to vector<16xi32>
      %add3A_1852 = arith.addi %broadcast_in_dim3A_69, %add3A_1851 : vector<16xi32>
      %gather3A_1853 = tpu.vector_load_idx %arg16[%get3A_1257, %add3A_1852] : memref<100x64xf32, #tpu.memory_space<vmem>>[vector<16xi32>, vector<16xi32>], vector<16xf32>,
      %mul3A_1854 = arith.mulf %gather3A_1849, %gather3A_1853 : vector<16xf32>
      %add3A_1855 = arith.addf %add3A_1815, %mul3A_1854 : vector<16xf32>
      %add3A_1856 = arith.constant 59 : i32
      %add3A_1857 = vector.broadcast %add3A_1856 : i32 to vector<16xi32>
      %add3A_1858 = arith.addi %broadcast_in_dim3A_69, %add3A_1857 : vector<16xi32>
      %gather3A_1859 = tpu.vector_load_idx %arg14[%add3A_1253, %add3A_1858] : memref<512x64xf32, #tpu.memory_space<vmem>>[vector<16xi32>, vector<16xi32>], vector<16xf32>,
      %add3A_1860 = arith.constant 59 : i32
      %add3A_1861 = vector.broadcast %add3A_1860 : i32 to vector<16xi32>
      %add3A_1862 = arith.addi %broadcast_in_dim3A_69, %add3A_1861 : vector<16xi32>
      %gather3A_1863 = tpu.vector_load_idx %arg16[%get3A_1257, %add3A_1862] : memref<100x64xf32, #tpu.memory_space<vmem>>[vector<16xi32>, vector<16xi32>], vector<16xf32>,
      %mul3A_1864 = arith.mulf %gather3A_1859, %gather3A_1863 : vector<16xf32>
      %add3A_1865 = arith.addf %add3A_1825, %mul3A_1864 : vector<16xf32>
      %add3A_1866 = arith.constant 60 : i32
      %add3A_1867 = vector.broadcast %add3A_1866 : i32 to vector<16xi32>
      %add3A_1868 = arith.addi %broadcast_in_dim3A_69, %add3A_1867 : vector<16xi32>
      %gather3A_1869 = tpu.vector_load_idx %arg14[%add3A_1253, %add3A_1868] : memref<512x64xf32, #tpu.memory_space<vmem>>[vector<16xi32>, vector<16xi32>], vector<16xf32>,
      %add3A_1870 = arith.constant 60 : i32
      %add3A_1871 = vector.broadcast %add3A_1870 : i32 to vector<16xi32>
      %add3A_1872 = arith.addi %broadcast_in_dim3A_69, %add3A_1871 : vector<16xi32>
      %gather3A_1873 = tpu.vector_load_idx %arg16[%get3A_1257, %add3A_1872] : memref<100x64xf32, #tpu.memory_space<vmem>>[vector<16xi32>, vector<16xi32>], vector<16xf32>,
      %mul3A_1874 = arith.mulf %gather3A_1869, %gather3A_1873 : vector<16xf32>
      %add3A_1875 = arith.addf %add3A_1835, %mul3A_1874 : vector<16xf32>
      %add3A_1876 = arith.constant 61 : i32
      %add3A_1877 = vector.broadcast %add3A_1876 : i32 to vector<16xi32>
      %add3A_1878 = arith.addi %broadcast_in_dim3A_69, %add3A_1877 : vector<16xi32>
      %gather3A_1879 = tpu.vector_load_idx %arg14[%add3A_1253, %add3A_1878] : memref<512x64xf32, #tpu.memory_space<vmem>>[vector<16xi32>, vector<16xi32>], vector<16xf32>,
      %add3A_1880 = arith.constant 61 : i32
      %add3A_1881 = vector.broadcast %add3A_1880 : i32 to vector<16xi32>
      %add3A_1882 = arith.addi %broadcast_in_dim3A_69, %add3A_1881 : vector<16xi32>
      %gather3A_1883 = tpu.vector_load_idx %arg16[%get3A_1257, %add3A_1882] : memref<100x64xf32, #tpu.memory_space<vmem>>[vector<16xi32>, vector<16xi32>], vector<16xf32>,
      %mul3A_1884 = arith.mulf %gather3A_1879, %gather3A_1883 : vector<16xf32>
      %add3A_1885 = arith.addf %add3A_1845, %mul3A_1884 : vector<16xf32>
      %add3A_1886 = arith.constant 62 : i32
      %add3A_1887 = vector.broadcast %add3A_1886 : i32 to vector<16xi32>
      %add3A_1888 = arith.addi %broadcast_in_dim3A_69, %add3A_1887 : vector<16xi32>
      %gather3A_1889 = tpu.vector_load_idx %arg14[%add3A_1253, %add3A_1888] : memref<512x64xf32, #tpu.memory_space<vmem>>[vector<16xi32>, vector<16xi32>], vector<16xf32>,
      %add3A_1890 = arith.constant 62 : i32
      %add3A_1891 = vector.broadcast %add3A_1890 : i32 to vector<16xi32>
      %add3A_1892 = arith.addi %broadcast_in_dim3A_69, %add3A_1891 : vector<16xi32>
      %gather3A_1893 = tpu.vector_load_idx %arg16[%get3A_1257, %add3A_1892] : memref<100x64xf32, #tpu.memory_space<vmem>>[vector<16xi32>, vector<16xi32>], vector<16xf32>,
      %mul3A_1894 = arith.mulf %gather3A_1889, %gather3A_1893 : vector<16xf32>
      %add3A_1895 = arith.addf %add3A_1855, %mul3A_1894 : vector<16xf32>
      %add3A_1896 = arith.constant 63 : i32
      %add3A_1897 = vector.broadcast %add3A_1896 : i32 to vector<16xi32>
      %add3A_1898 = arith.addi %broadcast_in_dim3A_69, %add3A_1897 : vector<16xi32>
      %gather3A_1899 = tpu.vector_load_idx %arg14[%add3A_1253, %add3A_1898] : memref<512x64xf32, #tpu.memory_space<vmem>>[vector<16xi32>, vector<16xi32>], vector<16xf32>,
      %add3A_1900 = arith.constant 63 : i32
      %add3A_1901 = vector.broadcast %add3A_1900 : i32 to vector<16xi32>
      %add3A_1902 = arith.addi %broadcast_in_dim3A_69, %add3A_1901 : vector<16xi32>
      %gather3A_1903 = tpu.vector_load_idx %arg16[%get3A_1257, %add3A_1902] : memref<100x64xf32, #tpu.memory_space<vmem>>[vector<16xi32>, vector<16xi32>], vector<16xf32>,
      %mul3A_1904 = arith.mulf %gather3A_1899, %gather3A_1903 : vector<16xf32>
      %add3A_1905 = arith.addf %add3A_1865, %mul3A_1904 : vector<16xf32>
      %add3A_1906 = arith.addf %add3A_1875, %add3A_1885 : vector<16xf32>
      %add3A_1907 = arith.addf %add3A_1895, %add3A_1905 : vector<16xf32>
      %add3A_1908 = arith.addf %add3A_1906, %add3A_1907 : vector<16xf32>
      %gather3A_1909 = tpu.vector_load_idx %arg21[%get3A_1257] : memref<128xf32, #tpu.memory_space<vmem>>[vector<16xi32>], vector<16xf32>,
      %mul3A_1910 = arith.constant 16 : i32
      %mul3A_1911 = arith.muli %scan3A_1249, %mul3A_1910 : i32
      %get3A_1912 = arith.index_cast %mul3A_1911 : i32 to index
      %get3A_1913 = tpu.vector_load %arg15[%get3A_1912] {strides = array<i32>} : memref<512xf32, #tpu.memory_space<vmem>>, vector<16xf32>,
      %mul3A_1914 = vector.broadcast %squeeze3A : f32 to vector<16xf32>
      %mul3A_1915 = arith.mulf %mul3A_1914, %add3A_1908 : vector<16xf32>
      %add3A_1916 = arith.addf %mul3A_1915, %gather3A_1909 : vector<16xf32>
      %add3A_1917 = arith.addf %add3A_1916, %get3A_1913 : vector<16xf32>
      %mul3A_1918 = arith.constant 16 : i32
      %mul3A_1919 = arith.muli %scan3A_1249, %mul3A_1918 : i32
      %swap3A_1920 = arith.index_cast %mul3A_1919 : i32 to index
      %swap3A_1921 = tpu.vector_load %arg22[%swap3A_1920] {strides = array<i32>} : memref<512xf32, #tpu.memory_space<vmem>>, vector<16xf32>,
      tpu.vector_store %arg22[%swap3A_1920], %add3A_1917 {strides = array<i32>} : memref<512xf32, #tpu.memory_space<vmem>>, vector<16xf32>,
    }
    %scan3A_1246 = arith.constant 32 : i32
    %mul3A_1247 = arith.constant 512 : i32
    %mul3A_1248 = arith.muli %add3A, %mul3A_1247 : i32
    "tpu.region"() ({
      %run_scoped3A = tpu.sem_alloc : memref<!tpu.dma_semaphore, #tpu.memory_space<semaphore_mem>>
      %dma_start3A_1249 = tpu.memref_slice %arg11[%mul3A_1248] : memref<16384xf32, #tpu.memory_space<hbm>> -> memref<512xf32, #tpu.memory_space<hbm>>
      %dma_start3A_1250 = tpu.memref_slice %arg11[%mul3A_1248] : memref<16384xf32, #tpu.memory_space<hbm>> -> memref<512xf32, #tpu.memory_space<hbm>>
      tpu.enqueue_dma source(%arg22 : memref<512xf32, #tpu.memory_space<vmem>>) target(%dma_start3A_1250 : memref<512xf32, #tpu.memory_space<hbm>>) target_semaphore(%run_scoped3A : memref<!tpu.dma_semaphore, #tpu.memory_space<semaphore_mem>>)
      %dma_wait3A_1251 = tpu.memref_slice %arg11[%mul3A_1248] : memref<16384xf32, #tpu.memory_space<hbm>> -> memref<512xf32, #tpu.memory_space<hbm>>
      %dma_wait3A_1252 = tpu.memref_slice %arg11[%mul3A_1248] : memref<16384xf32, #tpu.memory_space<hbm>> -> memref<512xf32, #tpu.memory_space<hbm>>
      tpu.wait_dma2 semaphore(%run_scoped3A : memref<!tpu.dma_semaphore, #tpu.memory_space<semaphore_mem>>) src(%arg22 : memref<512xf32, #tpu.memory_space<vmem>>) dst(%dma_wait3A_1252 : memref<512xf32, #tpu.memory_space<hbm>>)
      tpu.yield
    }) : () -> ()
    return
  }
}

</mosaic_0001>

<sc_bundles>
// kernel: _run.3.cloned.1.call-start
scs
__scs_entry_jumppad:
0x0: {  	(pc) =	sbr.rel $0x88, $3  }
0x1: {  	(tag) =	ssettag $0x0;
	lr =	simm.s32 $0x1  }
0x2: {  	[smem:$0x3F98] =	sst lr;
	_ =	strace $0xD0000000  }
0x3: {  	_ = 	snop  }
0x4: {  	_ = 	snop  }
0x5: {  	_ = 	snop  }
0x6: {  	_ = 	snop  }
0x7: {  	_ = 	snop  }
__scs_overlays_trampoline_lowered:
0x8: {  	[smem:$0x3FA7] =	sst s0  }
0x9: {  	[smem:$0x3FA8] =	sst s1  }
0xa: {  	[smem:$0x3FA9] =	sst s2  }
0xb: {  	[smem:$0x3FAA] =	sst s3  }
0xc: {  	[smem:$0x3FAB] =	sst s4  }
0xd: {  	[smem:$0x3FAC] =	sst s5  }
0xe: {  	[smem:$0x3FAD] =	sst s6  }
0xf: {  	[smem:$0x3FAE] =	sst s7  }
0x10: {  	[smem:$0x3FAF] =	sst s8  }
0x11: {  	[smem:$0x3FB0] =	sst s9;
	s0 =	simm.s32 @!p0 $0x0  }
0x12: {  	s1 =	sld [smem:$0x3F96];
	s0 =	simm.s32 @p0 $0x1  }
0x13: {  	[smem:$0x3FB1] =	sst s0;
	s0 =	simm.s32 @!p1 $0x0  }
0x14: {  	s2 =	sld [smem:$0x3F95];
	s0 =	simm.s32 @p1 $0x1  }
0x15: {  	[smem:$0x3FB2] =	sst s0;
	s0 =	simm.s32 @!p2 $0x0  }
0x16: {  	s3 =	sld [smem:$0x3FDB];
	s0 =	simm.s32 @p2 $0x1  }
0x17: {  	s4 =	simm.s32 $0x1BF5;
	[smem:$0x3FB4] =	sst s0  }
0x18: {  	s0 =	sld [smem:$0x3F97];
	_ =	swait.ge [sflag:s4], $0x0  }
0x19: {  	s7 =	sld [smem:$0x3F98]  }
0x1a: {  	s8 =	sadd.s32 $0xFFFFE003, lr  }
0x1b: {  	s9 =	sadd.s32 $0xFFFFFEF7, lr;
	s5 =	simm.s32 $0xFFFFFFFF;
	p2 =	slt.u32 s8, $0xFFFFF086  }
0x1c: {  	p1 =	slt.u32 s9, $0xF7A;
	s5 =	simm.s32 @!p2 $0x0  }
0x1d: {  	s5 =	simm.s32 @p1 $0x1;
	p0 =	seq.s32 s7, s2  }
0x1e: {  	s7 =	smul.u32 @!p0 $0xF7A, s2;
	p2 =	seq.s32 @!p0 s5, $0x0  }
0x1f: {  	s9 =	smul.u32 $0xF7A, s1;
	s8 =	simm.s32 @!p0 $0x1BF5;
	p2 =	por !p2, p0  }
0x20: {  	[sflag:s8] =	ssyncset.s32 @!p0 $0xFFFFF086;
	s6 =	sadd.s32 @!p0 s3, s7;
	s7 =	simm.s32 @!p0 $0x108  }
0x21: {  	s3 =	sadd.s32 s3, s9;
	s6 =	sadd.s32 @!p0 $0x88, s6;
	s7 =	simm.s32 @p2 $0x1082  }
0x22: {  	[simem:s7], [sflag:s8] =	dma.local @!p0 [hbm:s6], $0xF7A  }
0x23: {  	s9 =	sor.u32 $0xD0000000, s2;
	s6 =	simm.s32 $0x108;
	_ =	swait.ge @!p0 [sflag:s8], $0x0  }
0x24: {  	s3 =	sadd.s32 $0x88, s3;
	s6 =	simm.s32 @!p1 $0x1082;
	[sflag:s4] =	ssyncset.s32 $0xFFFFF086  }
0x25: {  	[simem:s6], [sflag:s4] =	dma.local [hbm:s3], $0xF7A  }
0x26: {  	[smem:$0x3F98] =	sst s1;
	(tag) =	ssettag s2;
	_ =	strace s9  }
0x27: {  	s1 =	sld [smem:$0x3FA8]  }
0x28: {  	s2 =	sld [smem:$0x3FA9]  }
0x29: {  	s4 =	sld [smem:$0x3FAB]  }
0x2a: {  	p0 =	seq.s32 s5, $0x0;
	s5 =	sld [smem:$0x3FAC]  }
0x2b: {  	s6 =	sld [smem:$0x3FAD]  }
0x2c: {  	s7 =	sld [smem:$0x3FAE]  }
0x2d: {  	s3 =	simm.s32 $0x108;
	s8 =	sld [smem:$0x3FAF]  }
0x2e: {  	s3 =	simm.s32 @!p0 $0x1082;
	s9 =	sld [smem:$0x3FB0]  }
0x2f: {  	lr =	sadd.s32 s0, s3;
	s0 =	sld [smem:$0x3FA7]  }
0x30: {  	s3 =	sld [smem:$0x3FAA]  }
0x31: {  	[smem:$0x3FB3] =	sst s10  }
0x32: {  	s10 =	sld [smem:$0x3FB1];
	_ =	sdelay $0x3  }
0x33: {  	p0 =	seq.s32 s10, $0x1;
	s10 =	sld [smem:$0x3FB3];
	_ =	sdelay $0x3  }
0x34: {  	[smem:$0x3FB3] =	sst s10  }
0x35: {  	s10 =	sld [smem:$0x3FB2];
	_ =	sdelay $0x3  }
0x36: {  	p1 =	seq.s32 s10, $0x1;
	s10 =	sld [smem:$0x3FB3];
	_ =	sdelay $0x3  }
0x37: {  	[smem:$0x3FB3] =	sst s10  }
0x38: {  	s10 =	sld [smem:$0x3FB4]  }
0x39: {  	_ = 	snop;
	(pc) =	sbr.ind lr, $3  }
0x3a: {  	_ = 	snop  }
0x3b: {  	_ = 	snop  }
0x3c: {  	p2 =	seq.s32 s10, $0x1;
	s10 =	sld [smem:$0x3FB3]  }
0x3d: {  	_ =	shalt  }
0x3e: {  	_ =	shalt  }
0x3f: {  	_ =	shalt  }
0x40: {  	_ =	shalt  }
0x41: {  	_ =	shalt  }
0x42: {  	_ =	shalt  }
0x43: {  	_ =	shalt  }
0x44: {  	_ =	shalt  }
0x45: {  	_ =	shalt  }
0x46: {  	_ =	shalt  }
0x47: {  	_ =	shalt  }
0x48: {  	_ =	shalt  }
0x49: {  	_ =	shalt  }
0x4a: {  	_ =	shalt  }
0x4b: {  	_ =	shalt  }
0x4c: {  	_ =	shalt  }
0x4d: {  	_ =	shalt  }
0x4e: {  	_ =	shalt  }
0x4f: {  	_ =	shalt  }
0x50: {  	_ =	shalt  }
0x51: {  	_ =	shalt  }
0x52: {  	_ =	shalt  }
0x53: {  	_ =	shalt  }
0x54: {  	_ =	shalt  }
0x55: {  	_ =	shalt  }
0x56: {  	_ =	shalt  }
0x57: {  	_ =	shalt  }
0x58: {  	_ =	shalt  }
0x59: {  	_ =	shalt  }
0x5a: {  	_ =	shalt  }
0x5b: {  	_ =	shalt  }
0x5c: {  	_ =	shalt  }
0x5d: {  	_ =	shalt  }
0x5e: {  	_ =	shalt  }
0x5f: {  	_ =	shalt  }
0x60: {  	_ =	shalt  }
0x61: {  	_ =	shalt  }
0x62: {  	_ =	shalt  }
0x63: {  	_ =	shalt  }
0x64: {  	_ =	shalt  }
0x65: {  	_ =	shalt  }
0x66: {  	_ =	shalt  }
0x67: {  	_ =	shalt  }
0x68: {  	_ =	shalt  }
0x69: {  	_ =	shalt  }
0x6a: {  	_ =	shalt  }
0x6b: {  	_ =	shalt  }
0x6c: {  	_ =	shalt  }
0x6d: {  	_ =	shalt  }
0x6e: {  	_ =	shalt  }
0x6f: {  	_ =	shalt  }
0x70: {  	_ =	shalt  }
0x71: {  	_ =	shalt  }
0x72: {  	_ =	shalt  }
0x73: {  	_ =	shalt  }
0x74: {  	_ =	shalt  }
0x75: {  	_ =	shalt  }
0x76: {  	_ =	shalt  }
0x77: {  	_ =	shalt  }
0x78: {  	_ =	shalt  }
0x79: {  	_ =	shalt  }
0x7a: {  	_ =	shalt  }
0x7b: {  	_ =	shalt  }
0x7c: {  	_ =	shalt  }
0x7d: {  	_ =	shalt  }
0x7e: {  	_ =	shalt  }
0x7f: {  	_ =	shalt  }
0x80: {  	_ =	shalt  }
0x81: {  	_ =	shalt  }
0x82: {  	_ =	shalt  }
0x83: {  	_ =	shalt  }
0x84: {  	_ =	shalt  }
0x85: {  	_ =	shalt  }
0x86: {  	_ =	shalt  }
0x87: {  	_ =	shalt  }
.Lfunc_end0:
.L_simem_size_0:
called_computation_lowered:
.L_overlay_start_0:
0x88: {  	s2 =	sld [smem:$0x3FD9]  }
0x89: {  	s3 =	sld [smem:$0x3FFE];
	_ =	sdelay $0x1  }
0x8a: {  	s1 =	srdreg.scid  }
0x8b: {  	s0 =	sand.u32 $0x1, s1  }
0x8c: {  	s17 =	sshll.u32 s0, $0xA;
	s2 =	sadd.s32 s3, s2  }
0x8d: {  	s2 =	sadd.s32 s2, s17  }
0x8e: {  	[smem:$0x3FBF] =	sst s2  }
0x8f: {  	_ = 	snop  }
0x90: {  	s2 =	sld [smem:$0x3FC9]  }
0x91: {  	s18 =	sld [smem:$0x3FC8]  }
0x92: {  	s4 =	sld [smem:$0x3FC5]  }
0x93: {  	s5 =	sld [smem:$0x3FC4]  }
0x94: {  	s6 =	sld [smem:$0x3FC2]  }
0x95: {  	s7 =	sld [smem:$0x3FC1]  }
0x96: {  	s8 =	sld [smem:$0x3FD0];
	(tm) =	ssettm $0x1  }
0x97: {  	s9 =	sld [smem:$0x3FFB];
	_ =	sdelay $0x3  }
0x98: {  	_ =	strace s9  }
0x99: {  	s9 =	sld [smem:$0x3FFC];
	_ =	sdelay $0x3  }
0x9a: {  	_ =	strace s9  }
0x9b: {  	s9 =	sld [smem:$0x3FFD];
	_ =	sdelay $0x3  }
0x9c: {  	_ =	strace s9  }
0x9d: {  	_ =	strace $0x8FFFFFFF  }
0x9e: {  	s19 =	sld [smem:$0x3FDB];
	_ =	sdelay $0x1  }
0x9f: {  	s10 =	simm.s32 $_scs_section_size  }
0xa0: {  	s11 =	simm.s32 $_size__tile_overlayer_lowered;
	s12 =	simm.s32 $_tile_overlayer_lowered  }
0xa1: {  	s22 =	simm.s32 $0x1BFF;
	s21 =	sshll.u32 s12, $0x1;
	s9 =	sadd.s32 s10, s19  }
0xa2: {  	s13 =	simm.s32 $0x0;
	s20 =	sshll.u32 s11, $0x1;
	s11 =	sadd.s32 s21, s9  }
0xa3: {  	[timem:s13], [sflag:s22] =	dma.local [hbm:s11], s20  }
0xa4: {  	_ =	swait.ge [sflag:s22], s20  }
0xa5: {  	s10 =	ssub.s32 $0x0, s20;
	[sflag:s22] =	ssyncset.done $0x0  }
0xa6: {  	[sflag:s22] =	ssyncadd.s32 s10;
	_ =	sdelay $0x1  }
0xa7: {  	s23 =	simm.s32 $0x1B8B  }
0xa8: {  	_ =	swait.ge [sflag:s23], $0x1  }
0xa9: {  	[sflag:s23] =	ssyncset.done $0x0  }
0xaa: {  	s25 =	simm.s32 $0x1B8E;
	s24 =	sld [smem:$0x3FFE];
	[sflag:s23] =	ssyncadd.s32 $0xFFFFFFFF  }
0xab: {  	s26 =	simm.s32 $execute0_lowered;
	[smem:$0x3FD2] =	sst s25  }
0xac: {  	s11 =	sshll.u32 s26, $0x1;
	_ =	strace $0x80000046;
	[dreg:$0x1] =	wrdreg $0xFFFFFFFF  }
0xad: {  	s28 =	simm.s32 $_size_execute0_lowered;
	s9 =	sadd.s32 s9, s11;
	[dreg:$0x0] =	wrdreg $0x0  }
0xae: {  	s11 =	sshll.u32 s28, $0x1;
	[dreg:$0x2] =	wrdreg s9  }
0xaf: {  	[dreg:$0x3] =	wrdreg s11  }
0xb0: {  	[dreg:$0x4] =	wrdreg $0xC0  }
0xb1: {  	_ =	task [dreg:s13], $0x5FFFF  }
0xb2: {  	[dreg:$0x1] =	wrdreg $0xFFFFFFFF  }
0xb3: {  	[dreg:$0x0] =	wrdreg $0x60  }
0xb4: {  	[dreg:$0x2] =	wrdreg s2  }
0xb5: {  	[dreg:$0x3] =	wrdreg s18  }
0xb6: {  	[dreg:$0x4] =	wrdreg s24  }
0xb7: {  	[dreg:$0x5] =	wrdreg s4  }
0xb8: {  	[dreg:$0x6] =	wrdreg s5  }
0xb9: {  	[dreg:$0x7] =	wrdreg s6  }
0xba: {  	[dreg:$0x8] =	wrdreg s7  }
0xbb: {  	[dreg:$0x9] =	wrdreg s8  }
0xbc: {  	[dreg:$0xa] =	wrdreg $0x9  }
0xbd: {  	_ =	task.clear_ibuf [dreg:s13], $0xBFFFF;
	_ =	strace $0x90000046  }
0xbe: {  	s29 =	simm.s32 $0x9;
	_ =	strace $0x80000048  }
0xbf: {  	_ =	swait.ge [sflag:s29], $0x1  }
0xc0: {  	[sflag:s29] =	ssyncadd.s32 $0xFFFFFFFF  }
0xc1: {  	_ =	strace $0x90000048  }
0xc2: {  	_ =	sfence  }
0xc3: {  	s30 =	sld [smem:$0x0];
	_ =	sdelay $0x2  }
0xc4: {  	s31 =	sshll.u32 s1, $0xD;
	s1 =	sshrl.u32 s1, $0x2  }
0xc5: {  	s3 =	sand.u32 $0x4000, s31;
	s1 =	sadd.s32 s1, s30  }
0xc6: {  	s0 =	sor.u32 s3, s0;
	s1 =	sshll.u32 s1, $0x11  }
0xc7: {  	s0 =	sor.u32 s1, s0  }
0xc8: {  	s0 =	sadd.s32 $0x8F2B, s0  }
0xc9: {  	[sflag:s0] =	ssyncadd.remote.s32 $0x1  }
0xca: {  	_ =	sfence.sel $0xFFFF  }
0xcb: {  	[dreg:$0x0] =	wrdreg $0xFFFFFFFF;
	(pc) =	sbr.abs _section_cstart, $3  }
0xcc: {  	[dreg:$0x1] =	wrdreg $0xFFFFFFFF  }
0xcd: {  	_ =	task.clear_ibuf [dreg:s13], $0x2FFFF;
	_ =	strace $0x9FFFFFFF  }
0xce: {  	(tm) =	ssettm $0x7FFFFFFF  }
0xcf: {  	_ =	shalt  }
tec
execute0_lowered:
.L_overlay_start_1:
0x0: {  	(tag) =	ssettag $0x1  }
0x1: {  	v0 =	vlaneseq.u32  }
0x2: {  	v0 =	vmul.u32 $0x10, v0;
	_ =	sdelay $0x1  }
0x3: {  	v1 =	vor.u32 $0x1, v0  }
0x4: {  	v63 =	vor.u32 $0x2, v0;
	[tilespmem:$0x1FC00] =	vst v1  }
0x5: {  	v4 =	vor.u32 $0x3, v0;
	[tilespmem:$0x1FC10] =	vst v63  }
0x6: {  	v5 =	vor.u32 $0x4, v0;
	[tilespmem:$0x1FC20] =	vst v4  }
0x7: {  	v6 =	vor.u32 $0x5, v0;
	[tilespmem:$0x1FC30] =	vst v5  }
0x8: {  	v7 =	vor.u32 $0x6, v0;
	[tilespmem:$0x1FC40] =	vst v6  }
0x9: {  	v8 =	vor.u32 $0x7, v0;
	[tilespmem:$0x1FC50] =	vst v7  }
0xa: {  	v9 =	vor.u32 $0x8, v0;
	[tilespmem:$0x1FC60] =	vst v8  }
0xb: {  	v10 =	vor.u32 $0x9, v0;
	[tilespmem:$0x1FC70] =	vst v9  }
0xc: {  	v11 =	vor.u32 $0xA, v0;
	[tilespmem:$0x1FC80] =	vst v10  }
0xd: {  	v12 =	vor.u32 $0xB, v0;
	[tilespmem:$0x1FC90] =	vst v11  }
0xe: {  	v13 =	vor.u32 $0xC, v0;
	[tilespmem:$0x1FCA0] =	vst v12  }
0xf: {  	v14 =	vor.u32 $0xD, v0;
	[tilespmem:$0x1FCB0] =	vst v13  }
0x10: {  	v15 =	vor.u32 $0xE, v0;
	[tilespmem:$0x1FCC0] =	vst v14  }
0x11: {  	v16 =	vor.u32 $0xF, v0;
	[tilespmem:$0x1FCD0] =	vst v15  }
0x12: {  	v17 =	vor.u32 $0x100, v0;
	[tilespmem:$0x1FCE0] =	vst v16  }
0x13: {  	v18 =	vor.u32 $0x101, v0;
	[tilespmem:$0x1FCF0] =	vst v17  }
0x14: {  	v19 =	vor.u32 $0x102, v0;
	[tilespmem:$0x1FD00] =	vst v18  }
0x15: {  	v20 =	vor.u32 $0x103, v0;
	[tilespmem:$0x1FD10] =	vst v19  }
0x16: {  	v21 =	vor.u32 $0x104, v0;
	[tilespmem:$0x1FD20] =	vst v20  }
0x17: {  	s1 =	rddreg [dreg:$0x0];
	v22 =	vor.u32 $0x105, v0;
	[tilespmem:$0x1FD30] =	vst v21  }
0x18: {  	s2 =	rddreg [dreg:$0x1];
	v23 =	vor.u32 $0x106, v0;
	[tilespmem:$0x1FD40] =	vst v22  }
0x19: {  	s3 =	rddreg [dreg:$0x2];
	v24 =	vor.u32 $0x107, v0;
	[tilespmem:$0x1FD50] =	vst v23  }
0x1a: {  	s0 =	rddreg [dreg:$0x3];
	s5 =	simm.s32 $0x0;
	v25 =	vor.u32 $0x108, v0;
	[tilespmem:$0x1FD60] =	vst v24  }
0x1b: {  	[smem:$0x7FF] =	sst s5;
	v26 =	vor.u32 $0x109, v0;
	[tilespmem:$0x1FD70] =	vst v25  }
0x1c: {  	s4 =	rddreg [dreg:$0x7];
	v27 =	vor.u32 $0x10A, v0;
	_ =	strace $0x80000047;
	[tilespmem:$0x1FD80] =	vst v26  }
0x1d: {  	v28 =	vor.u32 $0x10B, v0;
	[tilespmem:$0x1FD90] =	vst v27  }
0x1e: {  	v29 =	vor.u32 $0x10C, v0;
	[tilespmem:$0x1FDA0] =	vst v28  }
0x1f: {  	v30 =	vor.u32 $0x10D, v0;
	[tilespmem:$0x1FDB0] =	vst v29  }
0x20: {  	v31 =	vor.u32 $0x10E, v0;
	[tilespmem:$0x1FDC0] =	vst v30  }
0x21: {  	v32 =	vor.u32 $0x10F, v0;
	[tilespmem:$0x1FDD0] =	vst v31  }
0x22: {  	v33 =	vor.u32 $0x200, v0;
	[tilespmem:$0x1FDE0] =	vst v32  }
0x23: {  	v34 =	vor.u32 $0x201, v0;
	[tilespmem:$0x1FDF0] =	vst v33  }
0x24: {  	v35 =	vor.u32 $0x202, v0;
	[tilespmem:$0x1FE00] =	vst v34  }
0x25: {  	v36 =	vor.u32 $0x203, v0;
	[tilespmem:$0x1FE10] =	vst v35  }
0x26: {  	v37 =	vor.u32 $0x204, v0;
	[tilespmem:$0x1FE20] =	vst v36  }
0x27: {  	v38 =	vor.u32 $0x205, v0;
	[tilespmem:$0x1FE30] =	vst v37  }
0x28: {  	v39 =	vor.u32 $0x206, v0;
	[tilespmem:$0x1FE40] =	vst v38  }
0x29: {  	v40 =	vor.u32 $0x207, v0;
	[tilespmem:$0x1FE50] =	vst v39  }
0x2a: {  	v41 =	vor.u32 $0x208, v0;
	[tilespmem:$0x1FE60] =	vst v40  }
0x2b: {  	v42 =	vor.u32 $0x209, v0;
	[tilespmem:$0x1FE70] =	vst v41  }
0x2c: {  	v43 =	vor.u32 $0x20A, v0;
	[tilespmem:$0x1FE80] =	vst v42  }
0x2d: {  	v44 =	vor.u32 $0x20B, v0;
	[tilespmem:$0x1FE90] =	vst v43  }
0x2e: {  	v45 =	vor.u32 $0x20C, v0;
	[tilespmem:$0x1FEA0] =	vst v44  }
0x2f: {  	v46 =	vor.u32 $0x20D, v0;
	[tilespmem:$0x1FEB0] =	vst v45  }
0x30: {  	v47 =	vor.u32 $0x20E, v0;
	[tilespmem:$0x1FEC0] =	vst v46  }
0x31: {  	v48 =	vor.u32 $0x20F, v0;
	[tilespmem:$0x1FED0] =	vst v47  }
0x32: {  	v49 =	vor.u32 $0x300, v0;
	[tilespmem:$0x1FEE0] =	vst v48  }
0x33: {  	v50 =	vor.u32 $0x301, v0;
	[tilespmem:$0x1FEF0] =	vst v49  }
0x34: {  	v51 =	vor.u32 $0x302, v0;
	[tilespmem:$0x1FF00] =	vst v50  }
0x35: {  	v52 =	vor.u32 $0x303, v0;
	[tilespmem:$0x1FF10] =	vst v51  }
0x36: {  	v53 =	vor.u32 $0x304, v0;
	[tilespmem:$0x1FF20] =	vst v52  }
0x37: {  	v54 =	vor.u32 $0x305, v0;
	[tilespmem:$0x1FF30] =	vst v53  }
0x38: {  	s7 =	srdreg.scid;
	v55 =	vor.u32 $0x306, v0;
	[tilespmem:$0x1FF40] =	vst v54  }
0x39: {  	s9 =	stileid.u32;
	s14 =	simm.s32 $0x2;
	s15 =	simm.s32 $0x80;
	v56 =	vor.u32 $0x307, v0;
	[tilespmem:$0x1FF50] =	vst v55  }
0x3a: {  	s16 =	simm.s32 $0x400;
	s18 =	simm.s32 $0x100;
	s20 =	simm.s32 $0x180;
	v57 =	vor.u32 $0x308, v0;
	[tilespmem:$0x1FF60] =	vst v56  }
0x3b: {  	s21 =	simm.s32 $0x6400;
	s22 =	simm.s32 $0x8480;
	s23 =	simm.s32 $0x8500;
	v58 =	vor.u32 $0x309, v0;
	[tilespmem:$0x1FF70] =	vst v57  }
0x3c: {  	s24 =	simm.s32 $0x8580;
	s25 =	simm.s32 $0x8600;
	s28 =	simm.s32 $0xA600;
	v59 =	vor.u32 $0x30A, v0;
	[tilespmem:$0x1FF80] =	vst v58  }
0x3d: {  	s29 =	simm.s32 $0xA670;
	s30 =	simm.s32 $0xA680;
	s31 =	simm.s32 $0x1;
	v60 =	vor.u32 $0x30B, v0;
	[tilespmem:$0x1FF90] =	vst v59  }
0x3e: {  	s6 =	sadd.s32 $0xF42C00, s3;
	s7 =	sand.u32 $0x1, s7;
	s8 =	sadd.s32 $0x800, s3;
	v61 =	vor.u32 $0x30C, v0;
	[tilespmem:$0x1FFA0] =	vst v60  }
0x3f: {  	s12 =	sshll.u32 s9, $0x7;
	s10 =	ssub.s32 $0x2, s7;
	s7 =	sshll.u32 s7, $0x6;
	v62 =	vor.u32 $0x30D, v0;
	[tilespmem:$0x1FFB0] =	vst v61  }
0x40: {  	s9 =	sadd.s32 $0xC00, s3;
	s11 =	sshrl.u32 s10, $0x1;
	s7 =	sor.u32 s7, s12;
	v63 =	vor.u32 $0x30E, v0;
	[tilespmem:$0x1FFC0] =	vst v62  }
0x41: {  	s26 =	ssub.s32 s10, s11;
	s10 =	sadd.s32 s1, s7;
	s11 =	sadd.s32 s2, s7;
	[tilespmem:$0x1FFD0] =	vst v63  }
0x42: {  	s12 =	sadd.s32 s4, s7;
	s4 =	simm.s32 $0xA690;
	s7 =	simm.s32 $0xA710;
	[tilespmem:$0x1FFE0] =	vst v0;
	v0 =	vor.u32 $0x30F, v0  }
0x43: {  	s1 =	simm.s32 $0x0;
	s13 =	smax.u32 s26, $0x1;
	s26 =	simm.s32 $0x9F00;
	[tilespmem:$0x1FFF0] =	vst v0  }
.LBB2_1:
0x44: {  	[tilespmem:s5], [sflag:$0x2] =	stream.linear.gather [hbm4b:s10+s5], $0x200, $0x38;
	[tilespmem:$0xA910] =	vst v63  }
0x45: {  	_ =	swait.ge [sflag:s14], $0x200  }
0x46: {  	[sflag:s14] =	ssyncset.done $0x0  }
0x47: {  	s3 =	simm.s32 $0x200;
	[sflag:s14] =	ssyncadd.s32 $0xFFFFFE00  }
0x48: {  	[tilespmem:s3], [sflag:$0x2] =	stream.linear.gather [hbm4b:s11+s5], $0x200, $0x38;
	[tilespmem:$0xA910] =	vst v63  }
0x49: {  	_ =	swait.ge [sflag:s14], $0x200  }
0x4a: {  	[sflag:s14] =	ssyncset.done $0x0  }
0x4b: {  	[sflag:s14] =	ssyncadd.s32 $0xFFFFFE00  }
0x4c: {  	[tilespmem:s16], [sflag:$0x1] =	stream.indirect.gather [hbm4b:s6+s15], $0x40, s5, s15, $0xb8;
	[tilespmem:$0xA910] =	vst v63  }
0x4d: {  	s2 =	simm.s32 $0x2400  }
0x4e: {  	[tilespmem:s2], [sflag:$0x1] =	stream.indirect.gather [hbm4b:s6+s15], $0x40, s15, s15, $0xb8;
	[tilespmem:$0xA910] =	vst v63  }
0x4f: {  	s17 =	simm.s32 $0x4400  }
0x50: {  	[tilespmem:s17], [sflag:$0x1] =	stream.indirect.gather [hbm4b:s6+s15], $0x40, s18, s15, $0xb8;
	[tilespmem:$0xA910] =	vst v63  }
0x51: {  	_ = 	snop  }
0x52: {  	[tilespmem:s21], [sflag:$0x1] =	stream.indirect.gather [hbm4b:s6+s15], $0x40, s20, s15, $0xb8;
	[tilespmem:$0xA910] =	vst v63  }
0x53: {  	s2 =	simm.s32 $0x8400  }
0x54: {  	[tilespmem:s2], [sflag:$0x1] =	stream.indirect.gather [hbm4b:s0+s15], $0x1, s5, s15, $0xb8;
	[tilespmem:$0xA910] =	vst v63  }
0x55: {  	_ = 	snop  }
0x56: {  	[tilespmem:s22], [sflag:$0x1] =	stream.indirect.gather [hbm4b:s0+s15], $0x1, s15, s15, $0xb8;
	[tilespmem:$0xA910] =	vst v63  }
0x57: {  	_ = 	snop  }
0x58: {  	[tilespmem:s23], [sflag:$0x1] =	stream.indirect.gather [hbm4b:s0+s15], $0x1, s18, s15, $0xb8;
	[tilespmem:$0xA910] =	vst v63  }
0x59: {  	_ = 	snop  }
0x5a: {  	[tilespmem:s24], [sflag:$0x1] =	stream.indirect.gather [hbm4b:s0+s15], $0x1, s20, s15, $0xb8;
	[tilespmem:$0xA910] =	vst v63  }
0x5b: {  	_ = 	snop  }
0x5c: {  	[tilespmem:s25], [sflag:$0x2] =	stream.linear.gather [hbm4b:s8+s5], $0x1900, $0x38;
	[tilespmem:$0xA910] =	vst v63  }
0x5d: {  	_ =	swait.ge [sflag:s14], $0x1900  }
0x5e: {  	[sflag:s14] =	ssyncset.done $0x0  }
0x5f: {  	[sflag:s14] =	ssyncadd.s32 $0xFFFFE700  }
0x60: {  	[tilespmem:s26], [sflag:$0x2] =	stream.linear.gather [hbm4b:s9+s5], $0x700, $0x38;
	[tilespmem:$0xA910] =	vst v63  }
0x61: {  	_ =	swait.ge [sflag:s14], $0x700  }
0x62: {  	[sflag:s14] =	ssyncset.done $0x0  }
0x63: {  	[sflag:s14] =	ssyncadd.s32 $0xFFFFF900  }
0x64: {  	s17 =	rddreg [dreg:$0x4]  }
0x65: {  	[tilespmem:s28], [sflag:$0x2] =	stream.linear.gather [hbm4b:s17+s5], $0x70, $0x38;
	[tilespmem:$0xA910] =	vst v63  }
0x66: {  	_ =	swait.ge [sflag:s14], $0x70  }
0x67: {  	[sflag:s14] =	ssyncset.done $0x0  }
0x68: {  	[sflag:s14] =	ssyncadd.s32 $0xFFFFFF90  }
0x69: {  	s19 =	rddreg [dreg:$0x5]  }
0x6a: {  	[tilespmem:s29], [sflag:$0x2] =	stream.linear.gather [hbm4b:s19+s5], $0x10, $0x38;
	[tilespmem:$0xA910] =	vst v63  }
0x6b: {  	_ =	swait.ge [sflag:s14], $0x10  }
0x6c: {  	[sflag:s14] =	ssyncset.done $0x0  }
0x6d: {  	[sflag:s14] =	ssyncadd.s32 $0xFFFFFFF0  }
0x6e: {  	s19 =	rddreg [dreg:$0x6]  }
0x6f: {  	[tilespmem:s30], [sflag:$0x2] =	stream.linear.gather [hbm4b:s19+s5], $0x10, $0x38;
	[tilespmem:$0xA910] =	vst v63  }
0x70: {  	_ =	swait.ge [sflag:s14], $0x10  }
0x71: {  	v2 =	vld [tilespmem:$0x1FC00];
	_ =	sdelay $0x4  }
0x72: {  	v27 =	vld [tilespmem:$0x1FFE0]  }
0x73: {  	[sflag:s14] =	ssyncset.done $0x0;
	v4 =	vld [tilespmem:$0x1FC20]  }
0x74: {  	v7 =	vld [tilespmem:$0x1FC30];
	[sflag:s14] =	ssyncadd.s32 $0xFFFFFFF0  }
0x75: {  	v3 =	vld.idx.msk [tilespmem:v2+s26+$0x0], $0xffff  }
0x76: {  	v2 =	vld [tilespmem:$0x1FC10]  }
0x77: {  	v8 =	vld [tilespmem:$0x1FC40]  }
0x78: {  	v0 =	vld [tilespmem:$0xA670]  }
0x79: {  	v9 =	vld [tilespmem:$0x1FC50]  }
0x7a: {  	v1 =	vld.idx.msk [tilespmem:v27+s26+$0x0], $0xffff  }
0x7b: {  	v10 =	vld [tilespmem:$0x1FC60]  }
0x7c: {  	v11 =	vld [tilespmem:$0x1FC70]  }
0x7d: {  	v12 =	vld [tilespmem:$0x1FC80];
	v14 =	vbroadcast v0, $0x0  }
0x7e: {  	v5 =	vld.idx.msk [tilespmem:v2+s26+$0x0], $0xffff  }
0x7f: {  	v13 =	vld [tilespmem:$0x1FC90];
	v1 =	vmul.f32 v14, v1;
	v2 =	vbroadcast v0, $0x1  }
0x80: {  	v6 =	vld.idx.msk [tilespmem:v4+s26+$0x0], $0xffff  }
0x81: {  	v15 =	vld [tilespmem:$0x1FCA0];
	v4 =	vbroadcast v0, $0x2;
	v1 =	vadd.f32 $0.0e+00, v1;
	v3 =	vmul.f32 v3, v2  }
0x82: {  	v7 =	vld.idx.msk [tilespmem:v7+s26+$0x0], $0xffff  }
0x83: {  	v8 =	vld.idx.msk [tilespmem:v8+s26+$0x0], $0xffff;
	v1 =	vadd.f32 v3, v1;
	v3 =	vmul.f32 v5, v4;
	v5 =	vbroadcast v0, $0x3  }
0x84: {  	v9 =	vld.idx.msk [tilespmem:v9+s26+$0x0], $0xffff  }
0x85: {  	v10 =	vld.idx.msk [tilespmem:v10+s26+$0x0], $0xffff;
	v1 =	vadd.f32 v3, v1;
	v3 =	vmul.f32 v6, v5;
	v6 =	vbroadcast v0, $0x4  }
0x86: {  	v11 =	vld.idx.msk [tilespmem:v11+s26+$0x0], $0xffff  }
0x87: {  	v12 =	vld.idx.msk [tilespmem:v12+s26+$0x0], $0xffff;
	v1 =	vadd.f32 v3, v1;
	v3 =	vmul.f32 v7, v6;
	v7 =	vbroadcast v0, $0x5  }
0x88: {  	v13 =	vld.idx.msk [tilespmem:v13+s26+$0x0], $0xffff  }
0x89: {  	v15 =	vld.idx.msk [tilespmem:v15+s26+$0x0], $0xffff;
	v1 =	vadd.f32 v3, v1;
	v3 =	vmul.f32 v8, v7;
	v8 =	vbroadcast v0, $0x6  }
0x8a: {  	v16 =	vld [tilespmem:$0x1FCB0]  }
0x8b: {  	v1 =	vadd.f32 v3, v1;
	v3 =	vmul.f32 v9, v8;
	v9 =	vbroadcast v0, $0x7  }
0x8c: {  	v17 =	vld [tilespmem:$0x1FCC0]  }
0x8d: {  	v1 =	vadd.f32 v3, v1;
	v3 =	vmul.f32 v10, v9;
	v10 =	vbroadcast v0, $0x8  }
0x8e: {  	v18 =	vld [tilespmem:$0x1FCD0]  }
0x8f: {  	v1 =	vadd.f32 v3, v1;
	v3 =	vmul.f32 v11, v10;
	v11 =	vbroadcast v0, $0x9  }
0x90: {  	v19 =	vld [tilespmem:$0x1FCE0]  }
0x91: {  	v1 =	vadd.f32 v3, v1;
	v3 =	vmul.f32 v12, v11;
	v12 =	vbroadcast v0, $0xA  }
0x92: {  	v16 =	vld.idx.msk [tilespmem:v16+s26+$0x0], $0xffff  }
0x93: {  	v1 =	vadd.f32 v3, v1;
	v3 =	vmul.f32 v13, v12;
	v13 =	vbroadcast v0, $0xB  }
0x94: {  	v17 =	vld.idx.msk [tilespmem:v17+s26+$0x0], $0xffff  }
0x95: {  	v1 =	vadd.f32 v3, v1;
	v3 =	vmul.f32 v15, v13;
	v15 =	vbroadcast v0, $0xC  }
0x96: {  	v18 =	vld.idx.msk [tilespmem:v18+s26+$0x0], $0xffff  }
0x97: {  	v1 =	vadd.f32 v3, v1;
	v3 =	vmul.f32 v16, v15;
	v16 =	vbroadcast v0, $0xD  }
0x98: {  	v19 =	vld.idx.msk [tilespmem:v19+s26+$0x0], $0xffff  }
0x99: {  	v1 =	vadd.f32 v3, v1;
	v20 =	vmul.f32 v17, v16;
	v17 =	vbroadcast v0, $0xE  }
0x9a: {  	v3 =	vld [tilespmem:$0xA680]  }
0x9b: {  	v1 =	vadd.f32 v20, v1;
	v20 =	vmul.f32 v18, v17;
	v18 =	vbroadcast v0, $0xF;
	_ =	sdelay $0x1  }
0x9c: {  	v0 =	vadd.f32 v20, v1;
	v1 =	vmul.f32 v19, v18;
	_ =	sdelay $0x1  }
0x9d: {  	v19 =	vbroadcast v3, $0x2;
	v0 =	vadd.f32 v1, v0  }
0x9e: {  	v1 =	vld [tilespmem:$0xA600]  }
0x9f: {  	v20 =	vbroadcast v3, $0x1;
	v0 =	vadd.f32 v0, v19  }
0xa0: {  	[tilespmem:$0x1F8B0] =	vst v3;
	v21 =	vbroadcast v3, $0x3;
	v3 =	vld [tilespmem:$0x1FD10]  }
0xa1: {  	v0 =	vmul.f32 v0, v20;
	_ =	sdelay $0x1  }
0xa2: {  	v0 =	vadd.f32 v0, v1;
	_ =	sdelay $0x1  }
0xa3: {  	v0 =	vadd.f32 v0, v21;
	_ =	sdelay $0x1  }
0xa4: {  	[tilespmem:$0xA690] =	vst v0  }
0xa5: {  	v22 =	vld.idx.msk [tilespmem:v3+s26+$0x0], $0xffff  }
0xa6: {  	v3 =	vld [tilespmem:$0x1FD20];
	_ =	sdelay $0x6  }
0xa7: {  	v0 =	vld [tilespmem:$0x1FCF0]  }
0xa8: {  	v23 =	vld.idx.msk [tilespmem:v3+s26+$0x0], $0xffff  }
0xa9: {  	v3 =	vld [tilespmem:$0x1FD30];
	_ =	sdelay $0x1  }
0xaa: {  	v1 =	vld [tilespmem:$0x1FD00];
	_ =	sdelay $0x4  }
0xab: {  	v0 =	vld.idx.msk [tilespmem:v0+s26+$0x0], $0xffff  }
0xac: {  	v24 =	vld.idx.msk [tilespmem:v3+s26+$0x0], $0xffff  }
0xad: {  	v3 =	vld [tilespmem:$0x1FD40]  }
0xae: {  	v1 =	vld.idx.msk [tilespmem:v1+s26+$0x0], $0xffff;
	_ =	sdelay $0x2  }
0xaf: {  	v0 =	vmul.f32 v0, v14;
	_ =	sdelay $0x1  }
0xb0: {  	v1 =	vmul.f32 v1, v2;
	v0 =	vadd.f32 $0.0e+00, v0;
	_ =	sdelay $0x1  }
0xb1: {  	v0 =	vadd.f32 v1, v0;
	v1 =	vmul.f32 v22, v4;
	v22 =	vld.idx.msk [tilespmem:v3+s26+$0x0], $0xffff  }
0xb2: {  	v3 =	vld [tilespmem:$0x1FD50];
	_ =	sdelay $0x7  }
0xb3: {  	v0 =	vadd.f32 v1, v0;
	v1 =	vmul.f32 v23, v5;
	v23 =	vld.idx.msk [tilespmem:v3+s26+$0x0], $0xffff  }
0xb4: {  	v3 =	vld [tilespmem:$0x1FD60];
	_ =	sdelay $0x7  }
0xb5: {  	v0 =	vadd.f32 v1, v0;
	v1 =	vmul.f32 v24, v6;
	v24 =	vld.idx.msk [tilespmem:v3+s26+$0x0], $0xffff  }
0xb6: {  	v3 =	vld [tilespmem:$0x1FD70];
	_ =	sdelay $0x7  }
0xb7: {  	v0 =	vadd.f32 v1, v0;
	v1 =	vmul.f32 v22, v7;
	v22 =	vld.idx.msk [tilespmem:v3+s26+$0x0], $0xffff  }
0xb8: {  	v3 =	vld [tilespmem:$0x1FD80];
	_ =	sdelay $0x7  }
0xb9: {  	v0 =	vadd.f32 v1, v0;
	v1 =	vmul.f32 v23, v8;
	v23 =	vld.idx.msk [tilespmem:v3+s26+$0x0], $0xffff  }
0xba: {  	v3 =	vld [tilespmem:$0x1FD90];
	_ =	sdelay $0x7  }
0xbb: {  	v0 =	vadd.f32 v1, v0;
	v1 =	vmul.f32 v24, v9;
	v24 =	vld.idx.msk [tilespmem:v3+s26+$0x0], $0xffff  }
0xbc: {  	v3 =	vld [tilespmem:$0x1FDA0];
	_ =	sdelay $0x7  }
0xbd: {  	v0 =	vadd.f32 v1, v0;
	v1 =	vmul.f32 v22, v10;
	v22 =	vld.idx.msk [tilespmem:v3+s26+$0x0], $0xffff  }
0xbe: {  	v3 =	vld [tilespmem:$0x1FDB0];
	_ =	sdelay $0x7  }
0xbf: {  	v0 =	vadd.f32 v1, v0;
	v1 =	vmul.f32 v23, v11;
	v23 =	vld.idx.msk [tilespmem:v3+s26+$0x0], $0xffff  }
0xc0: {  	v3 =	vld [tilespmem:$0x1FDC0];
	_ =	sdelay $0x7  }
0xc1: {  	v0 =	vadd.f32 v1, v0;
	v1 =	vmul.f32 v24, v12;
	v24 =	vld.idx.msk [tilespmem:v3+s26+$0x0], $0xffff  }
0xc2: {  	v3 =	vld [tilespmem:$0x1FDD0];
	_ =	sdelay $0x7  }
0xc3: {  	v0 =	vadd.f32 v1, v0;
	v1 =	vmul.f32 v22, v13;
	v22 =	vld.idx.msk [tilespmem:v3+s26+$0x0], $0xffff  }
0xc4: {  	v3 =	vld [tilespmem:$0x1FDE0];
	_ =	sdelay $0x6  }
0xc5: {  	v0 =	vadd.f32 v1, v0;
	v1 =	vmul.f32 v23, v15  }
0xc6: {  	v23 =	vld.idx.msk [tilespmem:v3+s26+$0x0], $0xffff  }
0xc7: {  	v0 =	vadd.f32 v1, v0;
	v1 =	vmul.f32 v24, v16;
	_ =	sdelay $0x1  }
0xc8: {  	v0 =	vadd.f32 v1, v0;
	v1 =	vmul.f32 v22, v17;
	_ =	sdelay $0x1  }
0xc9: {  	v0 =	vadd.f32 v1, v0;
	v1 =	vmul.f32 v23, v18;
	_ =	sdelay $0x1  }
0xca: {  	v0 =	vadd.f32 v1, v0  }
0xcb: {  	v1 =	vld [tilespmem:$0xA610]  }
0xcc: {  	v0 =	vadd.f32 v0, v19  }
0xcd: {  	v3 =	vld [tilespmem:$0x1FE10]  }
0xce: {  	v0 =	vmul.f32 v0, v20;
	_ =	sdelay $0x1  }
0xcf: {  	v0 =	vadd.f32 v0, v1;
	_ =	sdelay $0x1  }
0xd0: {  	v0 =	vadd.f32 v0, v21;
	_ =	sdelay $0x1  }
0xd1: {  	[tilespmem:$0xA6A0] =	vst v0  }
0xd2: {  	v22 =	vld.idx.msk [tilespmem:v3+s26+$0x0], $0xffff  }
0xd3: {  	v3 =	vld [tilespmem:$0x1FE20];
	_ =	sdelay $0x6  }
0xd4: {  	v0 =	vld [tilespmem:$0x1FDF0]  }
0xd5: {  	v23 =	vld.idx.msk [tilespmem:v3+s26+$0x0], $0xffff  }
0xd6: {  	v3 =	vld [tilespmem:$0x1FE30];
	_ =	sdelay $0x1  }
0xd7: {  	v1 =	vld [tilespmem:$0x1FE00];
	_ =	sdelay $0x4  }
0xd8: {  	v0 =	vld.idx.msk [tilespmem:v0+s26+$0x0], $0xffff  }
0xd9: {  	v24 =	vld.idx.msk [tilespmem:v3+s26+$0x0], $0xffff  }
0xda: {  	v3 =	vld [tilespmem:$0x1FE40]  }
0xdb: {  	v1 =	vld.idx.msk [tilespmem:v1+s26+$0x0], $0xffff;
	_ =	sdelay $0x2  }
0xdc: {  	v0 =	vmul.f32 v0, v14;
	_ =	sdelay $0x1  }
0xdd: {  	v1 =	vmul.f32 v1, v2;
	v0 =	vadd.f32 $0.0e+00, v0;
	_ =	sdelay $0x1  }
0xde: {  	v0 =	vadd.f32 v1, v0;
	v1 =	vmul.f32 v22, v4;
	v22 =	vld.idx.msk [tilespmem:v3+s26+$0x0], $0xffff  }
0xdf: {  	v3 =	vld [tilespmem:$0x1FE50];
	_ =	sdelay $0x7  }
0xe0: {  	v0 =	vadd.f32 v1, v0;
	v1 =	vmul.f32 v23, v5;
	v23 =	vld.idx.msk [tilespmem:v3+s26+$0x0], $0xffff  }
0xe1: {  	v3 =	vld [tilespmem:$0x1FE60];
	_ =	sdelay $0x7  }
0xe2: {  	v0 =	vadd.f32 v1, v0;
	v1 =	vmul.f32 v24, v6;
	v24 =	vld.idx.msk [tilespmem:v3+s26+$0x0], $0xffff  }
0xe3: {  	v3 =	vld [tilespmem:$0x1FE70];
	_ =	sdelay $0x7  }
0xe4: {  	v0 =	vadd.f32 v1, v0;
	v1 =	vmul.f32 v22, v7;
	v22 =	vld.idx.msk [tilespmem:v3+s26+$0x0], $0xffff  }
0xe5: {  	v3 =	vld [tilespmem:$0x1FE80];
	_ =	sdelay $0x7  }
0xe6: {  	v0 =	vadd.f32 v1, v0;
	v1 =	vmul.f32 v23, v8;
	v23 =	vld.idx.msk [tilespmem:v3+s26+$0x0], $0xffff  }
0xe7: {  	v3 =	vld [tilespmem:$0x1FE90];
	_ =	sdelay $0x7  }
0xe8: {  	v0 =	vadd.f32 v1, v0;
	v1 =	vmul.f32 v24, v9;
	v24 =	vld.idx.msk [tilespmem:v3+s26+$0x0], $0xffff  }
0xe9: {  	v3 =	vld [tilespmem:$0x1FEA0];
	_ =	sdelay $0x7  }
0xea: {  	v0 =	vadd.f32 v1, v0;
	v1 =	vmul.f32 v22, v10;
	v22 =	vld.idx.msk [tilespmem:v3+s26+$0x0], $0xffff  }
0xeb: {  	v3 =	vld [tilespmem:$0x1FEB0];
	_ =	sdelay $0x7  }
0xec: {  	v0 =	vadd.f32 v1, v0;
	v1 =	vmul.f32 v23, v11;
	v23 =	vld.idx.msk [tilespmem:v3+s26+$0x0], $0xffff  }
0xed: {  	v3 =	vld [tilespmem:$0x1FEC0];
	_ =	sdelay $0x7  }
0xee: {  	v0 =	vadd.f32 v1, v0;
	v1 =	vmul.f32 v24, v12;
	v24 =	vld.idx.msk [tilespmem:v3+s26+$0x0], $0xffff  }
0xef: {  	v3 =	vld [tilespmem:$0x1FED0];
	_ =	sdelay $0x7  }
0xf0: {  	v0 =	vadd.f32 v1, v0;
	v1 =	vmul.f32 v22, v13;
	v22 =	vld.idx.msk [tilespmem:v3+s26+$0x0], $0xffff  }
0xf1: {  	v3 =	vld [tilespmem:$0x1FEE0];
	_ =	sdelay $0x6  }
0xf2: {  	v0 =	vadd.f32 v1, v0;
	v1 =	vmul.f32 v23, v15  }
0xf3: {  	v23 =	vld.idx.msk [tilespmem:v3+s26+$0x0], $0xffff  }
0xf4: {  	v0 =	vadd.f32 v1, v0;
	v1 =	vmul.f32 v24, v16;
	_ =	sdelay $0x1  }
0xf5: {  	v0 =	vadd.f32 v1, v0;
	v1 =	vmul.f32 v22, v17;
	_ =	sdelay $0x1  }
0xf6: {  	v0 =	vadd.f32 v1, v0;
	v1 =	vmul.f32 v23, v18;
	_ =	sdelay $0x1  }
0xf7: {  	v0 =	vadd.f32 v1, v0  }
0xf8: {  	v1 =	vld [tilespmem:$0xA620]  }
0xf9: {  	v0 =	vadd.f32 v0, v19  }
0xfa: {  	v3 =	vld [tilespmem:$0x1FF10]  }
0xfb: {  	v0 =	vmul.f32 v0, v20;
	_ =	sdelay $0x1  }
0xfc: {  	v0 =	vadd.f32 v0, v1;
	_ =	sdelay $0x1  }
0xfd: {  	v0 =	vadd.f32 v0, v21;
	_ =	sdelay $0x1  }
0xfe: {  	[tilespmem:$0xA6B0] =	vst v0  }
0xff: {  	v22 =	vld.idx.msk [tilespmem:v3+s26+$0x0], $0xffff  }
0x100: {  	v3 =	vld [tilespmem:$0x1FF20];
	_ =	sdelay $0x6  }
0x101: {  	v0 =	vld [tilespmem:$0x1FEF0]  }
0x102: {  	v23 =	vld.idx.msk [tilespmem:v3+s26+$0x0], $0xffff  }
0x103: {  	v3 =	vld [tilespmem:$0x1FF30];
	_ =	sdelay $0x1  }
0x104: {  	v1 =	vld [tilespmem:$0x1FF00];
	_ =	sdelay $0x4  }
0x105: {  	v0 =	vld.idx.msk [tilespmem:v0+s26+$0x0], $0xffff  }
0x106: {  	v24 =	vld.idx.msk [tilespmem:v3+s26+$0x0], $0xffff  }
0x107: {  	v3 =	vld [tilespmem:$0x1FF40]  }
0x108: {  	v1 =	vld.idx.msk [tilespmem:v1+s26+$0x0], $0xffff;
	_ =	sdelay $0x2  }
0x109: {  	v0 =	vmul.f32 v0, v14;
	_ =	sdelay $0x1  }
0x10a: {  	v1 =	vmul.f32 v1, v2;
	v0 =	vadd.f32 $0.0e+00, v0;
	_ =	sdelay $0x1  }
0x10b: {  	v0 =	vadd.f32 v1, v0;
	v1 =	vmul.f32 v22, v4;
	v22 =	vld.idx.msk [tilespmem:v3+s26+$0x0], $0xffff  }
0x10c: {  	v3 =	vld [tilespmem:$0x1FF50];
	_ =	sdelay $0x7  }
0x10d: {  	v0 =	vadd.f32 v1, v0;
	v1 =	vmul.f32 v23, v5;
	v23 =	vld.idx.msk [tilespmem:v3+s26+$0x0], $0xffff  }
0x10e: {  	v3 =	vld [tilespmem:$0x1FF60];
	_ =	sdelay $0x7  }
0x10f: {  	v0 =	vadd.f32 v1, v0;
	v1 =	vmul.f32 v24, v6;
	v24 =	vld.idx.msk [tilespmem:v3+s26+$0x0], $0xffff  }
0x110: {  	v3 =	vld [tilespmem:$0x1FF70];
	_ =	sdelay $0x7  }
0x111: {  	v0 =	vadd.f32 v1, v0;
	v1 =	vmul.f32 v22, v7;
	v22 =	vld.idx.msk [tilespmem:v3+s26+$0x0], $0xffff  }
0x112: {  	v3 =	vld [tilespmem:$0x1FF80];
	_ =	sdelay $0x7  }
0x113: {  	v0 =	vadd.f32 v1, v0;
	v1 =	vmul.f32 v23, v8;
	v23 =	vld.idx.msk [tilespmem:v3+s26+$0x0], $0xffff  }
0x114: {  	v3 =	vld [tilespmem:$0x1FF90];
	_ =	sdelay $0x7  }
0x115: {  	v0 =	vadd.f32 v1, v0;
	v1 =	vmul.f32 v24, v9;
	v24 =	vld.idx.msk [tilespmem:v3+s26+$0x0], $0xffff  }
0x116: {  	v3 =	vld [tilespmem:$0x1FFA0];
	_ =	sdelay $0x7  }
0x117: {  	v0 =	vadd.f32 v1, v0;
	v1 =	vmul.f32 v22, v10;
	v22 =	vld.idx.msk [tilespmem:v3+s26+$0x0], $0xffff  }
0x118: {  	v3 =	vld [tilespmem:$0x1FFB0];
	_ =	sdelay $0x7  }
0x119: {  	v0 =	vadd.f32 v1, v0;
	v1 =	vmul.f32 v23, v11;
	v23 =	vld.idx.msk [tilespmem:v3+s26+$0x0], $0xffff  }
0x11a: {  	v3 =	vld [tilespmem:$0x1FFC0];
	_ =	sdelay $0x7  }
0x11b: {  	v0 =	vadd.f32 v1, v0;
	v1 =	vmul.f32 v24, v12;
	v24 =	vld.idx.msk [tilespmem:v3+s26+$0x0], $0xffff  }
0x11c: {  	v3 =	vld [tilespmem:$0x1FFD0];
	_ =	sdelay $0x7  }
0x11d: {  	v0 =	vadd.f32 v1, v0;
	v1 =	vmul.f32 v22, v13;
	v22 =	vld.idx.msk [tilespmem:v3+s26+$0x0], $0xffff  }
0x11e: {  	v3 =	vld [tilespmem:$0x1FFF0];
	_ =	sdelay $0x6  }
0x11f: {  	v0 =	vadd.f32 v1, v0;
	v1 =	vmul.f32 v23, v15  }
0x120: {  	v23 =	vld.idx.msk [tilespmem:v3+s26+$0x0], $0xffff  }
0x121: {  	v0 =	vadd.f32 v1, v0;
	v1 =	vmul.f32 v24, v16;
	_ =	sdelay $0x1  }
0x122: {  	v0 =	vadd.f32 v1, v0;
	v1 =	vmul.f32 v22, v17;
	_ =	sdelay $0x1  }
0x123: {  	v0 =	vadd.f32 v1, v0;
	v1 =	vmul.f32 v23, v18;
	_ =	sdelay $0x1  }
0x124: {  	v0 =	vadd.f32 v1, v0  }
0x125: {  	v1 =	vld [tilespmem:$0xA630]  }
0x126: {  	v0 =	vadd.f32 v0, v19;
	_ =	sdelay $0x1  }
0x127: {  	v0 =	vmul.f32 v0, v20;
	_ =	sdelay $0x1  }
0x128: {  	v0 =	vadd.f32 v0, v1;
	v1 =	vor.u32 $0x400, v27;
	_ =	sdelay $0x1  }
0x129: {  	v22 =	vor.u32 $0x401, v27;
	v0 =	vadd.f32 v0, v21;
	_ =	sdelay $0x1  }
0x12a: {  	[tilespmem:$0xA6C0] =	vst v0;
	v0 =	vor.u32 $0x402, v27  }
0x12b: {  	v1 =	vld.idx.msk [tilespmem:v1+s26+$0x0], $0xffff  }
0x12c: {  	v23 =	vor.u32 $0x403, v27  }
0x12d: {  	v22 =	vld.idx.msk [tilespmem:v22+s26+$0x0], $0xffff  }
0x12e: {  	v24 =	vor.u32 $0x404, v27  }
0x12f: {  	v0 =	vld.idx.msk [tilespmem:v0+s26+$0x0], $0xffff  }
0x130: {  	v25 =	vor.u32 $0x405, v27;
	v1 =	vmul.f32 v1, v14  }
0x131: {  	v23 =	vld.idx.msk [tilespmem:v23+s26+$0x0], $0xffff  }
0x132: {  	v26 =	vor.u32 $0x406, v27;
	v22 =	vmul.f32 v22, v2;
	v1 =	vadd.f32 $0.0e+00, v1  }
0x133: {  	v24 =	vld.idx.msk [tilespmem:v24+s26+$0x0], $0xffff  }
0x134: {  	v1 =	vadd.f32 v22, v1;
	v0 =	vmul.f32 v0, v4;
	v22 =	vor.u32 $0x407, v27  }
0x135: {  	v25 =	vld.idx.msk [tilespmem:v25+s26+$0x0], $0xffff  }
0x136: {  	v0 =	vadd.f32 v0, v1;
	v1 =	vmul.f32 v23, v5;
	v23 =	vor.u32 $0x408, v27  }
0x137: {  	v26 =	vld.idx.msk [tilespmem:v26+s26+$0x0], $0xffff  }
0x138: {  	v0 =	vadd.f32 v1, v0;
	v1 =	vmul.f32 v24, v6;
	v24 =	vor.u32 $0x409, v27  }
0x139: {  	v22 =	vld.idx.msk [tilespmem:v22+s26+$0x0], $0xffff  }
0x13a: {  	v0 =	vadd.f32 v1, v0;
	v1 =	vmul.f32 v25, v7;
	v25 =	vor.u32 $0x40A, v27  }
0x13b: {  	v23 =	vld.idx.msk [tilespmem:v23+s26+$0x0], $0xffff  }
0x13c: {  	v0 =	vadd.f32 v1, v0;
	v1 =	vmul.f32 v26, v8;
	v26 =	vor.u32 $0x40B, v27  }
0x13d: {  	v24 =	vld.idx.msk [tilespmem:v24+s26+$0x0], $0xffff  }
0x13e: {  	v0 =	vadd.f32 v1, v0;
	v1 =	vmul.f32 v22, v9;
	v22 =	vor.u32 $0x40C, v27  }
0x13f: {  	v25 =	vld.idx.msk [tilespmem:v25+s26+$0x0], $0xffff  }
0x140: {  	v0 =	vadd.f32 v1, v0;
	v1 =	vmul.f32 v23, v10;
	v23 =	vor.u32 $0x40D, v27  }
0x141: {  	v26 =	vld.idx.msk [tilespmem:v26+s26+$0x0], $0xffff  }
0x142: {  	v0 =	vadd.f32 v1, v0;
	v1 =	vmul.f32 v24, v11;
	v24 =	vor.u32 $0x40E, v27  }
0x143: {  	v22 =	vld.idx.msk [tilespmem:v22+s26+$0x0], $0xffff  }
0x144: {  	v0 =	vadd.f32 v1, v0;
	v1 =	vmul.f32 v25, v12;
	v25 =	vor.u32 $0x40F, v27  }
0x145: {  	v23 =	vld.idx.msk [tilespmem:v23+s26+$0x0], $0xffff  }
0x146: {  	v0 =	vadd.f32 v1, v0;
	v1 =	vmul.f32 v26, v13  }
0x147: {  	v24 =	vld.idx.msk [tilespmem:v24+s26+$0x0], $0xffff  }
0x148: {  	v0 =	vadd.f32 v1, v0;
	v1 =	vmul.f32 v22, v15  }
0x149: {  	v22 =	vld.idx.msk [tilespmem:v25+s26+$0x0], $0xffff  }
0x14a: {  	v0 =	vadd.f32 v1, v0;
	v1 =	vmul.f32 v23, v16;
	_ =	sdelay $0x1  }
0x14b: {  	v0 =	vadd.f32 v1, v0;
	v1 =	vmul.f32 v24, v17;
	_ =	sdelay $0x1  }
0x14c: {  	v0 =	vadd.f32 v1, v0;
	v1 =	vmul.f32 v22, v18;
	_ =	sdelay $0x1  }
0x14d: {  	v0 =	vadd.f32 v1, v0  }
0x14e: {  	v1 =	vld [tilespmem:$0xA640]  }
0x14f: {  	v0 =	vadd.f32 v0, v19;
	_ =	sdelay $0x1  }
0x150: {  	v0 =	vmul.f32 v0, v20;
	_ =	sdelay $0x1  }
0x151: {  	v0 =	vadd.f32 v0, v1;
	v1 =	vor.u32 $0x500, v27;
	_ =	sdelay $0x1  }
0x152: {  	v22 =	vor.u32 $0x501, v27;
	v0 =	vadd.f32 v0, v21;
	_ =	sdelay $0x1  }
0x153: {  	[tilespmem:$0xA6D0] =	vst v0;
	v0 =	vor.u32 $0x502, v27  }
0x154: {  	v1 =	vld.idx.msk [tilespmem:v1+s26+$0x0], $0xffff  }
0x155: {  	v23 =	vor.u32 $0x503, v27  }
0x156: {  	v22 =	vld.idx.msk [tilespmem:v22+s26+$0x0], $0xffff  }
0x157: {  	v24 =	vor.u32 $0x504, v27  }
0x158: {  	v0 =	vld.idx.msk [tilespmem:v0+s26+$0x0], $0xffff  }
0x159: {  	v25 =	vor.u32 $0x505, v27;
	v1 =	vmul.f32 v1, v14  }
0x15a: {  	v23 =	vld.idx.msk [tilespmem:v23+s26+$0x0], $0xffff  }
0x15b: {  	v26 =	vor.u32 $0x506, v27;
	v22 =	vmul.f32 v22, v2;
	v1 =	vadd.f32 $0.0e+00, v1  }
0x15c: {  	v24 =	vld.idx.msk [tilespmem:v24+s26+$0x0], $0xffff  }
0x15d: {  	v1 =	vadd.f32 v22, v1;
	v0 =	vmul.f32 v0, v4;
	v22 =	vor.u32 $0x507, v27  }
0x15e: {  	v25 =	vld.idx.msk [tilespmem:v25+s26+$0x0], $0xffff  }
0x15f: {  	v0 =	vadd.f32 v0, v1;
	v1 =	vmul.f32 v23, v5;
	v23 =	vor.u32 $0x508, v27  }
0x160: {  	v26 =	vld.idx.msk [tilespmem:v26+s26+$0x0], $0xffff  }
0x161: {  	v0 =	vadd.f32 v1, v0;
	v1 =	vmul.f32 v24, v6;
	v24 =	vor.u32 $0x509, v27  }
0x162: {  	v22 =	vld.idx.msk [tilespmem:v22+s26+$0x0], $0xffff  }
0x163: {  	v0 =	vadd.f32 v1, v0;
	v1 =	vmul.f32 v25, v7;
	v25 =	vor.u32 $0x50A, v27  }
0x164: {  	v23 =	vld.idx.msk [tilespmem:v23+s26+$0x0], $0xffff  }
0x165: {  	v0 =	vadd.f32 v1, v0;
	v1 =	vmul.f32 v26, v8;
	v26 =	vor.u32 $0x50B, v27  }
0x166: {  	v24 =	vld.idx.msk [tilespmem:v24+s26+$0x0], $0xffff  }
0x167: {  	v0 =	vadd.f32 v1, v0;
	v1 =	vmul.f32 v22, v9;
	v22 =	vor.u32 $0x50C, v27  }
0x168: {  	v25 =	vld.idx.msk [tilespmem:v25+s26+$0x0], $0xffff  }
0x169: {  	v0 =	vadd.f32 v1, v0;
	v1 =	vmul.f32 v23, v10;
	v23 =	vor.u32 $0x50D, v27  }
0x16a: {  	v26 =	vld.idx.msk [tilespmem:v26+s26+$0x0], $0xffff  }
0x16b: {  	v0 =	vadd.f32 v1, v0;
	v1 =	vmul.f32 v24, v11;
	v24 =	vor.u32 $0x50E, v27  }
0x16c: {  	v22 =	vld.idx.msk [tilespmem:v22+s26+$0x0], $0xffff  }
0x16d: {  	v0 =	vadd.f32 v1, v0;
	v1 =	vmul.f32 v25, v12;
	v25 =	vor.u32 $0x50F, v27  }
0x16e: {  	v23 =	vld.idx.msk [tilespmem:v23+s26+$0x0], $0xffff  }
0x16f: {  	v0 =	vadd.f32 v1, v0;
	v1 =	vmul.f32 v26, v13  }
0x170: {  	v24 =	vld.idx.msk [tilespmem:v24+s26+$0x0], $0xffff  }
0x171: {  	v0 =	vadd.f32 v1, v0;
	v1 =	vmul.f32 v22, v15  }
0x172: {  	v22 =	vld.idx.msk [tilespmem:v25+s26+$0x0], $0xffff  }
0x173: {  	v0 =	vadd.f32 v1, v0;
	v1 =	vmul.f32 v23, v16;
	_ =	sdelay $0x1  }
0x174: {  	v0 =	vadd.f32 v1, v0;
	v1 =	vmul.f32 v24, v17;
	_ =	sdelay $0x1  }
0x175: {  	v0 =	vadd.f32 v1, v0;
	v1 =	vmul.f32 v22, v18;
	_ =	sdelay $0x1  }
0x176: {  	v0 =	vadd.f32 v1, v0  }
0x177: {  	v1 =	vld [tilespmem:$0xA650]  }
0x178: {  	v0 =	vadd.f32 v0, v19;
	_ =	sdelay $0x1  }
0x179: {  	v0 =	vmul.f32 v0, v20;
	_ =	sdelay $0x1  }
0x17a: {  	v0 =	vadd.f32 v0, v1;
	v1 =	vor.u32 $0x600, v27;
	_ =	sdelay $0x1  }
0x17b: {  	v22 =	vor.u32 $0x601, v27;
	v0 =	vadd.f32 v0, v21;
	_ =	sdelay $0x1  }
0x17c: {  	[tilespmem:$0xA6E0] =	vst v0;
	v0 =	vor.u32 $0x602, v27  }
0x17d: {  	v1 =	vld.idx.msk [tilespmem:v1+s26+$0x0], $0xffff  }
0x17e: {  	v23 =	vor.u32 $0x603, v27  }
0x17f: {  	v22 =	vld.idx.msk [tilespmem:v22+s26+$0x0], $0xffff  }
0x180: {  	v24 =	vor.u32 $0x604, v27  }
0x181: {  	v0 =	vld.idx.msk [tilespmem:v0+s26+$0x0], $0xffff  }
0x182: {  	v1 =	vmul.f32 v1, v14;
	v14 =	vor.u32 $0x605, v27  }
0x183: {  	v23 =	vld.idx.msk [tilespmem:v23+s26+$0x0], $0xffff  }
0x184: {  	v2 =	vmul.f32 v22, v2;
	v22 =	vor.u32 $0x606, v27;
	v1 =	vadd.f32 $0.0e+00, v1  }
0x185: {  	v24 =	vld.idx.msk [tilespmem:v24+s26+$0x0], $0xffff  }
0x186: {  	v1 =	vadd.f32 v2, v1;
	v0 =	vmul.f32 v0, v4;
	v2 =	vor.u32 $0x607, v27  }
0x187: {  	v4 =	vld.idx.msk [tilespmem:v14+s26+$0x0], $0xffff  }
0x188: {  	v0 =	vadd.f32 v0, v1;
	v1 =	vmul.f32 v23, v5;
	v5 =	vor.u32 $0x608, v27  }
0x189: {  	v14 =	vld.idx.msk [tilespmem:v22+s26+$0x0], $0xffff  }
0x18a: {  	v0 =	vadd.f32 v1, v0;
	v1 =	vmul.f32 v24, v6;
	v6 =	vor.u32 $0x609, v27  }
0x18b: {  	v2 =	vld.idx.msk [tilespmem:v2+s26+$0x0], $0xffff  }
0x18c: {  	v0 =	vadd.f32 v1, v0;
	v1 =	vmul.f32 v4, v7;
	v4 =	vor.u32 $0x60A, v27  }
0x18d: {  	v5 =	vld.idx.msk [tilespmem:v5+s26+$0x0], $0xffff  }
0x18e: {  	v7 =	vor.u32 $0x60B, v27;
	v0 =	vadd.f32 v1, v0;
	v1 =	vmul.f32 v14, v8  }
0x18f: {  	v6 =	vld.idx.msk [tilespmem:v6+s26+$0x0], $0xffff  }
0x190: {  	v0 =	vadd.f32 v1, v0;
	v1 =	vmul.f32 v2, v9;
	v2 =	vor.u32 $0x60C, v27  }
0x191: {  	v4 =	vld.idx.msk [tilespmem:v4+s26+$0x0], $0xffff  }
0x192: {  	v0 =	vadd.f32 v1, v0;
	v1 =	vmul.f32 v5, v10;
	v5 =	vor.u32 $0x60D, v27  }
0x193: {  	v7 =	vld.idx.msk [tilespmem:v7+s26+$0x0], $0xffff  }
0x194: {  	v0 =	vadd.f32 v1, v0;
	v1 =	vmul.f32 v6, v11;
	v6 =	vor.u32 $0x60E, v27  }
0x195: {  	v2 =	vld.idx.msk [tilespmem:v2+s26+$0x0], $0xffff  }
0x196: {  	v0 =	vadd.f32 v1, v0;
	v1 =	vmul.f32 v4, v12;
	v4 =	vor.u32 $0x60F, v27  }
0x197: {  	v5 =	vld.idx.msk [tilespmem:v5+s26+$0x0], $0xffff  }
0x198: {  	v0 =	vadd.f32 v1, v0;
	v1 =	vmul.f32 v7, v13  }
0x199: {  	v6 =	vld.idx.msk [tilespmem:v6+s26+$0x0], $0xffff  }
0x19a: {  	v0 =	vadd.f32 v1, v0;
	v1 =	vmul.f32 v2, v15  }
0x19b: {  	v2 =	vld.idx.msk [tilespmem:v4+s26+$0x0], $0xffff  }
0x19c: {  	v0 =	vadd.f32 v1, v0;
	v1 =	vmul.f32 v5, v16;
	_ =	sdelay $0x1  }
0x19d: {  	v0 =	vadd.f32 v1, v0;
	v1 =	vmul.f32 v6, v17;
	_ =	sdelay $0x1  }
0x19e: {  	v0 =	vadd.f32 v1, v0;
	v1 =	vmul.f32 v2, v18;
	_ =	sdelay $0x1  }
0x19f: {  	v0 =	vadd.f32 v1, v0  }
0x1a0: {  	v1 =	vld [tilespmem:$0xA660]  }
0x1a1: {  	v0 =	vadd.f32 v0, v19;
	_ =	sdelay $0x1  }
0x1a2: {  	v0 =	vmul.f32 v0, v20;
	_ =	sdelay $0x1  }
0x1a3: {  	v0 =	vadd.f32 v0, v1;
	_ =	sdelay $0x1  }
0x1a4: {  	v0 =	vadd.f32 v0, v21;
	_ =	sdelay $0x1  }
0x1a5: {  	[tilespmem:$0xA6F0] =	vst v0  }
0x1a6: {  	_ =	swait.ge [sflag:s31], $0x2000  }
0x1a7: {  	[sflag:s31] =	ssyncset.done $0x0  }
0x1a8: {  	[sflag:s31] =	ssyncadd.s32 $0xFFFFE000  }
0x1a9: {  	_ =	swait.ge [sflag:s31], $0x2000  }
0x1aa: {  	[sflag:s31] =	ssyncset.done $0x0  }
0x1ab: {  	[sflag:s31] =	ssyncadd.s32 $0xFFFFE000  }
0x1ac: {  	_ =	swait.ge [sflag:s31], $0x2000  }
0x1ad: {  	[sflag:s31] =	ssyncset.done $0x0  }
0x1ae: {  	[sflag:s31] =	ssyncadd.s32 $0xFFFFE000  }
0x1af: {  	_ =	swait.ge [sflag:s31], $0x2000  }
0x1b0: {  	[sflag:s31] =	ssyncset.done $0x0  }
0x1b1: {  	[sflag:s31] =	ssyncadd.s32 $0xFFFFE000  }
0x1b2: {  	_ =	swait.ge [sflag:s31], $0x80  }
0x1b3: {  	[sflag:s31] =	ssyncset.done $0x0  }
0x1b4: {  	v1 =	vlaneseq.u32;
	[sflag:s31] =	ssyncadd.s32 $0xFFFFFF80  }
0x1b5: {  	v1 =	vmul.u32 $0x40, v1;
	_ =	swait.ge [sflag:s31], $0x80  }
0x1b6: {  	v0 =	vmov s5;
	[sflag:s31] =	ssyncset.done $0x0  }
0x1b7: {  	v0 =	vshll.u32 v0, $0x6;
	[tilespmem:$0x1F8D0] =	vst v1;
	[sflag:s31] =	ssyncadd.s32 $0xFFFFFF80  }
0x1b8: {  	v16 =	vor.u32 v1, v0;
	_ =	swait.ge [sflag:s31], $0x80  }
0x1b9: {  	v0 =	vor.u32 $0x3C, v16;
	[sflag:s31] =	ssyncset.done $0x0  }
0x1ba: {  	[sflag:s31] =	ssyncadd.s32 $0xFFFFFF80  }
0x1bb: {  	_ =	swait.ge [sflag:s31], $0x80  }
0x1bc: {  	[sflag:s31] =	ssyncset.done $0x0  }
0x1bd: {  	[sflag:s31] =	ssyncadd.s32 $0xFFFFFF80  }
0x1be: {  	v0 =	vld.idx.msk [tilespmem:v0+s16+$0x0], $0xffff;
	_ =	sdelay $0x4  }
0x1bf: {  	[tilespmem:$0x1F760] =	vst v0;
	v0 =	vor.u32 $0x3A, v16;
	_ =	sdelay $0x3  }
0x1c0: {  	v6 =	vor.u32 $0x38, v16  }
0x1c1: {  	v8 =	vor.u32 $0x3B, v16;
	v0 =	vld.idx.msk [tilespmem:v0+s16+$0x0], $0xffff;
	_ =	sdelay $0x3  }
0x1c2: {  	v7 =	vor.u32 $0x39, v16;
	v22 =	vld.idx.msk [tilespmem:v6+s16+$0x0], $0xffff  }
0x1c3: {  	v6 =	vor.u32 $0x36, v16;
	[tilespmem:$0x1F850] =	vst v0;
	v0 =	vld.idx.msk [tilespmem:v8+s16+$0x0], $0xffff;
	_ =	sdelay $0x3  }
0x1c4: {  	v24 =	vld.idx.msk [tilespmem:v7+s16+$0x0], $0xffff  }
0x1c5: {  	v7 =	vor.u32 $0x37, v16;
	[tilespmem:$0x1F860] =	vst v0;
	v0 =	vld.idx.msk [tilespmem:v6+s16+$0x0], $0xffff;
	_ =	sdelay $0x3  }
0x1c6: {  	v9 =	vor.u32 $0x35, v16  }
0x1c7: {  	v11 =	vor.u32 $0x32, v16;
	[tilespmem:$0x1F830] =	vst v0;
	v0 =	vld.idx.msk [tilespmem:v7+s16+$0x0], $0xffff;
	_ =	sdelay $0x3  }
0x1c8: {  	v10 =	vor.u32 $0x30, v16;
	v26 =	vld.idx.msk [tilespmem:v9+s16+$0x0], $0xffff  }
0x1c9: {  	v9 =	vor.u32 $0x33, v16;
	[tilespmem:$0x1F840] =	vst v0;
	v0 =	vld.idx.msk [tilespmem:v11+s16+$0x0], $0xffff;
	_ =	sdelay $0x3  }
0x1ca: {  	v27 =	vld.idx.msk [tilespmem:v10+s16+$0x0], $0xffff  }
0x1cb: {  	v10 =	vor.u32 $0x2E, v16;
	[tilespmem:$0x1F810] =	vst v0;
	v0 =	vld.idx.msk [tilespmem:v9+s16+$0x0], $0xffff;
	_ =	sdelay $0x3  }
0x1cc: {  	v12 =	vor.u32 $0x2C, v16  }
0x1cd: {  	v14 =	vor.u32 $0x2F, v16;
	[tilespmem:$0x1F820] =	vst v0;
	v0 =	vld.idx.msk [tilespmem:v10+s16+$0x0], $0xffff;
	_ =	sdelay $0x3  }
0x1ce: {  	v29 =	vld.idx.msk [tilespmem:v12+s16+$0x0], $0xffff  }
0x1cf: {  	v12 =	vor.u32 $0x2A, v16;
	[tilespmem:$0x1F7F0] =	vst v0;
	v0 =	vld.idx.msk [tilespmem:v14+s16+$0x0], $0xffff;
	_ =	sdelay $0x3  }
0x1d0: {  	v11 =	vor.u32 $0x28, v16  }
0x1d1: {  	v17 =	vor.u32 $0x2B, v16;
	[tilespmem:$0x1F800] =	vst v0;
	v0 =	vld.idx.msk [tilespmem:v12+s16+$0x0], $0xffff;
	_ =	sdelay $0x3  }
0x1d2: {  	v31 =	vld.idx.msk [tilespmem:v11+s16+$0x0], $0xffff  }
0x1d3: {  	v11 =	vor.u32 $0x26, v16;
	[tilespmem:$0x1F7D0] =	vst v0;
	v0 =	vld.idx.msk [tilespmem:v17+s16+$0x0], $0xffff  }
0x1d4: {  	v1 =	vor.u32 $0x3D, v16  }
0x1d5: {  	v13 =	vor.u32 $0x2D, v16  }
0x1d6: {  	v15 =	vor.u32 $0x29, v16  }
0x1d7: {  	v18 =	vor.u32 $0x24, v16  }
0x1d8: {  	v19 =	vor.u32 $0x27, v16;
	[tilespmem:$0x1F7E0] =	vst v0;
	v0 =	vld.idx.msk [tilespmem:v11+s16+$0x0], $0xffff  }
0x1d9: {  	v23 =	vor.u32 $0x20, v16;
	v1 =	vld.idx.msk [tilespmem:v1+s16+$0x0], $0xffff  }
0x1da: {  	v38 =	vor.u32 $0x18, v16;
	v30 =	vld.idx.msk [tilespmem:v13+s16+$0x0], $0xffff  }
0x1db: {  	v57 =	vor.u32 $0x19, v16;
	v32 =	vld.idx.msk [tilespmem:v15+s16+$0x0], $0xffff  }
0x1dc: {  	v41 =	vor.u32 $0x15, v16;
	v34 =	vld.idx.msk [tilespmem:v18+s16+$0x0], $0xffff  }
0x1dd: {  	v18 =	vor.u32 $0x22, v16;
	[tilespmem:$0x1F7B0] =	vst v0;
	v0 =	vld.idx.msk [tilespmem:v19+s16+$0x0], $0xffff  }
0x1de: {  	v58 =	vor.u32 $0x11, v16;
	v36 =	vld.idx.msk [tilespmem:v23+s16+$0x0], $0xffff  }
0x1df: {  	v59 =	vor.u32 $0xC, v16;
	v42 =	vld.idx.msk [tilespmem:v38+s16+$0x0], $0xffff  }
0x1e0: {  	v60 =	vor.u32 $0x8, v16;
	v43 =	vld.idx.msk [tilespmem:v57+s16+$0x0], $0xffff  }
0x1e1: {  	v47 =	vor.u32 $0x9, v16;
	v41 =	vld.idx.msk [tilespmem:v41+s16+$0x0], $0xffff  }
0x1e2: {  	v33 =	vor.u32 $0x23, v16;
	[tilespmem:$0x1F7C0] =	vst v0;
	v0 =	vld.idx.msk [tilespmem:v18+s16+$0x0], $0xffff  }
0x1e3: {  	v50 =	vor.u32 $0x4, v16;
	v46 =	vld.idx.msk [tilespmem:v58+s16+$0x0], $0xffff  }
0x1e4: {  	v51 =	vor.u32 $0x5, v16;
	v48 =	vld.idx.msk [tilespmem:v59+s16+$0x0], $0xffff  }
0x1e5: {  	v52 =	vor.u32 $0x6, v16;
	v53 =	vld.idx.msk [tilespmem:v60+s16+$0x0], $0xffff  }
0x1e6: {  	v61 =	vor.u32 $0x7, v16;
	v47 =	vld.idx.msk [tilespmem:v47+s16+$0x0], $0xffff  }
0x1e7: {  	v23 =	vor.u32 $0x1E, v16;
	[tilespmem:$0x1F790] =	vst v0;
	v0 =	vld.idx.msk [tilespmem:v33+s16+$0x0], $0xffff  }
0x1e8: {  	v54 =	vor.u32 $0x1, v16;
	v50 =	vld.idx.msk [tilespmem:v50+s16+$0x0], $0xffff  }
0x1e9: {  	v55 =	vor.u32 $0x2, v16;
	v51 =	vld.idx.msk [tilespmem:v51+s16+$0x0], $0xffff  }
0x1ea: {  	v2 =	vor.u32 $0x3E, v16;
	v52 =	vld.idx.msk [tilespmem:v52+s16+$0x0], $0xffff  }
0x1eb: {  	v58 =	vld.idx.msk [tilespmem:v61+s16+$0x0], $0xffff;
	v11 =	vor.u32 $0x1C, v16  }
0x1ec: {  	[tilespmem:$0x1F7A0] =	vst v0;
	v0 =	vld.idx.msk [tilespmem:v23+s16+$0x0], $0xffff;
	v23 =	vor.u32 $0x10, v16  }
0x1ed: {  	v54 =	vld.idx.msk [tilespmem:v54+s16+$0x0], $0xffff  }
0x1ee: {  	v56 =	vor.u32 $0x3, v16;
	v55 =	vld.idx.msk [tilespmem:v55+s16+$0x0], $0xffff  }
0x1ef: {  	v4 =	vor.u32 $0x3F, v16;
	[tilespmem:$0x1F770] =	vst v1;
	v1 =	vld.idx.msk [tilespmem:v2+s16+$0x0], $0xffff  }
0x1f0: {  	v2 =	vor.u32 $0x34, v16;
	v39 =	vld.idx.msk [tilespmem:v11+s16+$0x0], $0xffff  }
0x1f1: {  	v11 =	vor.u32 $0x14, v16;
	v45 =	vld.idx.msk [tilespmem:v23+s16+$0x0], $0xffff  }
0x1f2: {  	[tilespmem:$0x1F780] =	vst v0;
	v23 =	vor.u32 $0xE, v16;
	v0 =	vld [tilespmem:s3+$0x0]  }
0x1f3: {  	v56 =	vld.idx.msk [tilespmem:v56+s16+$0x0], $0xffff;
	v8 =	vor.u32 $0x31, v16  }
0x1f4: {  	[tilespmem:$0x1F870] =	vst v1;
	v1 =	vld.idx.msk [tilespmem:v4+s16+$0x0], $0xffff;
	v14 =	vor.u32 $0x25, v16  }
0x1f5: {  	v25 =	vld.idx.msk [tilespmem:v2+s16+$0x0], $0xffff;
	v17 =	vor.u32 $0x21, v16  }
0x1f6: {  	v19 =	vor.u32 $0x1D, v16;
	v44 =	vld.idx.msk [tilespmem:v11+s16+$0x0], $0xffff  }
0x1f7: {  	v11 =	vor.u32 $0xD, v16;
	v33 =	vld.idx.msk [tilespmem:v23+s16+$0x0], $0xffff;
	v23 =	vshll.u32 v0, $0x6  }
0x1f8: {  	v28 =	vld.idx.msk [tilespmem:v8+s16+$0x0], $0xffff;
	v57 =	vor.u32 $0x3C, v23  }
0x1f9: {  	v35 =	vld.idx.msk [tilespmem:v14+s16+$0x0], $0xffff;
	v38 =	vor.u32 $0x3D, v23  }
0x1fa: {  	v37 =	vld.idx.msk [tilespmem:v17+s16+$0x0], $0xffff;
	v59 =	vor.u32 $0x38, v23  }
0x1fb: {  	v40 =	vld.idx.msk [tilespmem:v19+s16+$0x0], $0xffff;
	v60 =	vor.u32 $0x39, v23  }
0x1fc: {  	v49 =	vld.idx.msk [tilespmem:v11+s16+$0x0], $0xffff;
	v62 =	vor.u32 $0x35, v23  }
0x1fd: {  	v63 =	vor.u32 $0x30, v23;
	v57 =	vld.idx.msk [tilespmem:v57+s25+$0x0], $0xffff  }
0x1fe: {  	[tilespmem:$0x1F8A0] =	vst v0;
	v0 =	vor.u32 $0x31, v23;
	v38 =	vld.idx.msk [tilespmem:v38+s25+$0x0], $0xffff  }
0x1ff: {  	[tilespmem:$0x1F880] =	vst v1;
	v1 =	vor.u32 $0x2C, v23;
	v59 =	vld.idx.msk [tilespmem:v59+s25+$0x0], $0xffff  }
0x200: {  	v6 =	vor.u32 $0x2D, v23;
	v60 =	vld.idx.msk [tilespmem:v60+s25+$0x0], $0xffff  }
0x201: {  	v2 =	vor.u32 $0x28, v23;
	v62 =	vld.idx.msk [tilespmem:v62+s25+$0x0], $0xffff  }
0x202: {  	v4 =	vor.u32 $0x29, v23;
	v63 =	vld.idx.msk [tilespmem:v63+s25+$0x0], $0xffff  }
0x203: {  	v5 =	vor.u32 $0x24, v23;
	v18 =	vld.idx.msk [tilespmem:v0+s25+$0x0], $0xffff  }
0x204: {  	v10 =	vld.idx.msk [tilespmem:v1+s25+$0x0], $0xffff  }
0x205: {  	v19 =	vld.idx.msk [tilespmem:v6+s25+$0x0], $0xffff  }
0x206: {  	v3 =	vor.u32 $0x25, v23;
	v9 =	vld.idx.msk [tilespmem:v2+s25+$0x0], $0xffff  }
0x207: {  	v0 =	vor.u32 $0x20, v23;
	v17 =	vld.idx.msk [tilespmem:v4+s25+$0x0], $0xffff  }
0x208: {  	v1 =	vor.u32 $0x21, v23;
	v11 =	vld.idx.msk [tilespmem:v5+s25+$0x0], $0xffff  }
0x209: {  	v2 =	vor.u32 $0x1C, v23;
	v6 =	vld.idx.msk [tilespmem:v16+s16+$0x0], $0xffff  }
0x20a: {  	v4 =	vld.idx.msk [tilespmem:v23+s25+$0x0], $0xffff  }
0x20b: {  	v20 =	vld.idx.msk [tilespmem:v3+s25+$0x0], $0xffff;
	v3 =	vor.u32 $0x14, v23  }
0x20c: {  	v14 =	vld.idx.msk [tilespmem:v0+s25+$0x0], $0xffff;
	v0 =	vor.u32 $0x1D, v23  }
0x20d: {  	v21 =	vld.idx.msk [tilespmem:v1+s25+$0x0], $0xffff;
	v1 =	vor.u32 $0x18, v23  }
0x20e: {  	v15 =	vld.idx.msk [tilespmem:v2+s25+$0x0], $0xffff;
	v2 =	vor.u32 $0x19, v23  }
0x20f: {  	v5 =	vor.u32 $0x15, v23;
	v6 =	vmul.f32 v4, v6;
	v4 =	vld [tilespmem:$0x1F760]  }
0x210: {  	v8 =	vld.idx.msk [tilespmem:v3+s25+$0x0], $0xffff  }
0x211: {  	v3 =	vor.u32 $0xD, v23;
	v13 =	vld.idx.msk [tilespmem:v0+s25+$0x0], $0xffff  }
0x212: {  	v22 =	vmul.f32 v59, v22;
	v59 =	vor.u32 $0x4, v23;
	v7 =	vld.idx.msk [tilespmem:v1+s25+$0x0], $0xffff  }
0x213: {  	v29 =	vmul.f32 v10, v29;
	v10 =	vor.u32 $0x1, v23;
	v12 =	vld.idx.msk [tilespmem:v2+s25+$0x0], $0xffff  }
0x214: {  	v31 =	vmul.f32 v9, v31;
	v9 =	vor.u32 $0x2, v23;
	v4 =	vmul.f32 v57, v4;
	v57 =	vld.idx.msk [tilespmem:v5+s25+$0x0], $0xffff  }
0x215: {  	v32 =	vmul.f32 v17, v32;
	v17 =	vor.u32 $0x3, v23;
	v5 =	vld [tilespmem:$0x1F770]  }
0x216: {  	v28 =	vmul.f32 v18, v28;
	v18 =	vor.u32 $0x6, v23;
	v3 =	vld.idx.msk [tilespmem:v3+s25+$0x0], $0xffff  }
0x217: {  	v30 =	vmul.f32 v19, v30;
	v19 =	vor.u32 $0x7, v23;
	v36 =	vmul.f32 v14, v36;
	v14 =	vld.idx.msk [tilespmem:v59+s25+$0x0], $0xffff  }
0x218: {  	v24 =	vmul.f32 v60, v24;
	v27 =	vmul.f32 v63, v27;
	v2 =	vor.u32 $0xC, v23;
	v10 =	vld.idx.msk [tilespmem:v10+s25+$0x0], $0xffff  }
0x219: {  	v26 =	vmul.f32 v62, v26;
	v60 =	vor.u32 $0x5, v23;
	v9 =	vld.idx.msk [tilespmem:v9+s25+$0x0], $0xffff;
	[tilespmem:$0x1F890] =	vst v4;
	v4 =	vor.u32 $0x8, v23  }
0x21a: {  	v34 =	vmul.f32 v11, v34;
	v17 =	vld.idx.msk [tilespmem:v17+s25+$0x0], $0xffff;
	v5 =	vmul.f32 v38, v5;
	v38 =	vor.u32 $0x9, v23  }
0x21b: {  	v35 =	vmul.f32 v20, v35;
	v20 =	vor.u32 $0xB, v16;
	v62 =	vor.u32 $0xA, v23;
	v18 =	vld.idx.msk [tilespmem:v18+s25+$0x0], $0xffff  }
0x21c: {  	v63 =	vor.u32 $0xB, v23;
	v6 =	vadd.f32 $0.0e+00, v6;
	v37 =	vmul.f32 v21, v37;
	v19 =	vld.idx.msk [tilespmem:v19+s25+$0x0], $0xffff  }
0x21d: {  	v0 =	vor.u32 $0x10, v23;
	v2 =	vld.idx.msk [tilespmem:v2+s25+$0x0], $0xffff;
	v7 =	vmul.f32 v7, v42;
	v21 =	vmul.f32 v57, v41  }
0x21e: {  	v59 =	vor.u32 $0x1A, v16;
	v3 =	vmul.f32 v3, v49;
	v14 =	vmul.f32 v14, v50;
	v4 =	vld.idx.msk [tilespmem:v4+s25+$0x0], $0xffff  }
0x21f: {  	v49 =	vor.u32 $0xE, v23;
	v10 =	vmul.f32 v10, v54;
	v9 =	vmul.f32 v9, v55;
	v11 =	vld.idx.msk [tilespmem:v38+s25+$0x0], $0xffff  }
0x220: {  	v38 =	vmul.f32 v15, v39;
	v15 =	vld.idx.msk [tilespmem:v60+s25+$0x0], $0xffff;
	v39 =	vmul.f32 v13, v40;
	v13 =	vor.u32 $0xA, v16  }
0x221: {  	v20 =	vld.idx.msk [tilespmem:v20+s16+$0x0], $0xffff;
	v50 =	vor.u32 $0xF, v23;
	v17 =	vmul.f32 v17, v56;
	v18 =	vmul.f32 v18, v52  }
0x222: {  	v0 =	vld.idx.msk [tilespmem:v0+s25+$0x0], $0xffff;
	v19 =	vmul.f32 v19, v58;
	v2 =	vmul.f32 v2, v48;
	v48 =	vor.u32 $0xF, v16  }
0x223: {  	v41 =	vld.idx.msk [tilespmem:v63+s25+$0x0], $0xffff;
	v54 =	vor.u32 $0x13, v16;
	v55 =	vor.u32 $0x13, v23;
	v56 =	vor.u32 $0x16, v16  }
0x224: {  	v58 =	vor.u32 $0x17, v16;
	v40 =	vld.idx.msk [tilespmem:v62+s25+$0x0], $0xffff;
	v4 =	vmul.f32 v4, v53;
	v53 =	vor.u32 $0x12, v23  }
0x225: {  	v10 =	vadd.f32 $0.0e+00, v10;
	v6 =	vadd.f32 v14, v6;
	v13 =	vld.idx.msk [tilespmem:v13+s16+$0x0], $0xffff;
	v15 =	vmul.f32 v15, v51  }
0x226: {  	v9 =	vadd.f32 $0.0e+00, v9;
	v17 =	vadd.f32 $0.0e+00, v17;
	v14 =	vld.idx.msk [tilespmem:v49+s25+$0x0], $0xffff;
	v51 =	vor.u32 $0x12, v16  }
0x227: {  	v4 =	vadd.f32 v4, v6;
	v11 =	vmul.f32 v11, v47;
	v42 =	vld.idx.msk [tilespmem:v48+s16+$0x0], $0xffff;
	v10 =	vadd.f32 v15, v10  }
0x228: {  	v9 =	vadd.f32 v18, v9;
	v17 =	vadd.f32 v19, v17;
	v19 =	vmul.f32 v41, v20;
	v15 =	vld.idx.msk [tilespmem:v50+s25+$0x0], $0xffff  }
0x229: {  	v2 =	vadd.f32 v2, v4;
	v20 =	vld.idx.msk [tilespmem:v53+s25+$0x0], $0xffff;
	v6 =	vadd.f32 v11, v10;
	v11 =	vor.u32 $0x17, v23  }
0x22a: {  	v4 =	vor.u32 $0x1F, v16;
	v16 =	vor.u32 $0x1B, v16;
	v10 =	vld.idx.msk [tilespmem:v54+s16+$0x0], $0xffff;
	v13 =	vmul.f32 v40, v13  }
0x22b: {  	v0 =	vmul.f32 v0, v45;
	v18 =	vld.idx.msk [tilespmem:v51+s16+$0x0], $0xffff;
	v3 =	vadd.f32 v3, v6;
	v6 =	vor.u32 $0x1B, v23  }
0x22c: {  	v9 =	vadd.f32 v13, v9;
	v13 =	vld.idx.msk [tilespmem:v55+s25+$0x0], $0xffff  }
0x22d: {  	v41 =	vld.idx.msk [tilespmem:v58+s16+$0x0], $0xffff;
	v0 =	vadd.f32 v0, v2;
	v2 =	vor.u32 $0x1F, v23  }
0x22e: {  	v14 =	vmul.f32 v14, v33;
	v11 =	vld.idx.msk [tilespmem:v11+s25+$0x0], $0xffff  }
0x22f: {  	v17 =	vadd.f32 v19, v17;
	v16 =	vld.idx.msk [tilespmem:v16+s16+$0x0], $0xffff;
	v15 =	vmul.f32 v15, v42  }
0x230: {  	v9 =	vadd.f32 v14, v9;
	v18 =	vmul.f32 v20, v18;
	v6 =	vld.idx.msk [tilespmem:v6+s25+$0x0], $0xffff  }
0x231: {  	v4 =	vld.idx.msk [tilespmem:v4+s16+$0x0], $0xffff;
	v15 =	vadd.f32 v15, v17;
	v10 =	vmul.f32 v13, v10  }
0x232: {  	v2 =	vld.idx.msk [tilespmem:v2+s25+$0x0], $0xffff;
	v9 =	vadd.f32 v18, v9  }
0x233: {  	v18 =	vor.u32 $0x23, v23;
	v10 =	vadd.f32 v10, v15;
	v11 =	vmul.f32 v11, v41;
	_ =	sdelay $0x1  }
0x234: {  	v57 =	vor.u32 $0x16, v23;
	v10 =	vadd.f32 v11, v10;
	v6 =	vmul.f32 v6, v16;
	_ =	sdelay $0x1  }
0x235: {  	v19 =	vld.idx.msk [tilespmem:v56+s16+$0x0], $0xffff;
	v2 =	vmul.f32 v2, v4;
	v6 =	vadd.f32 v6, v10  }
0x236: {  	v8 =	vmul.f32 v8, v44;
	v18 =	vld.idx.msk [tilespmem:v18+s25+$0x0], $0xffff  }
0x237: {  	v1 =	vor.u32 $0x11, v23;
	v2 =	vadd.f32 v2, v6;
	v6 =	vld [tilespmem:$0x1F7A0]  }
0x238: {  	v40 =	vld.idx.msk [tilespmem:v57+s25+$0x0], $0xffff;
	v0 =	vadd.f32 v8, v0;
	v8 =	vor.u32 $0x27, v23;
	_ =	sdelay $0x3  }
0x239: {  	v1 =	vld.idx.msk [tilespmem:v1+s25+$0x0], $0xffff;
	v6 =	vmul.f32 v18, v6  }
0x23a: {  	v19 =	vmul.f32 v40, v19;
	v8 =	vld.idx.msk [tilespmem:v8+s25+$0x0], $0xffff  }
0x23b: {  	v61 =	vor.u32 $0x34, v23;
	v2 =	vadd.f32 v6, v2;
	v6 =	vld [tilespmem:$0x1F7C0]  }
0x23c: {  	v9 =	vadd.f32 v19, v9;
	v19 =	vor.u32 $0x2B, v23;
	_ =	sdelay $0x2  }
0x23d: {  	v1 =	vmul.f32 v1, v46;
	v60 =	vor.u32 $0x1A, v23  }
0x23e: {  	v61 =	vld.idx.msk [tilespmem:v61+s25+$0x0], $0xffff;
	v6 =	vmul.f32 v8, v6  }
0x23f: {  	v0 =	vadd.f32 v7, v0;
	v7 =	vor.u32 $0x2F, v23;
	v1 =	vadd.f32 v1, v3;
	v4 =	vld.idx.msk [tilespmem:v19+s25+$0x0], $0xffff  }
0x240: {  	v3 =	vor.u32 $0x22, v23;
	v2 =	vadd.f32 v6, v2;
	v6 =	vld [tilespmem:$0x1F7E0]  }
0x241: {  	v12 =	vmul.f32 v12, v43;
	v33 =	vld.idx.msk [tilespmem:v59+s16+$0x0], $0xffff;
	v1 =	vadd.f32 v21, v1  }
0x242: {  	v42 =	vld.idx.msk [tilespmem:v60+s25+$0x0], $0xffff  }
0x243: {  	v17 =	vor.u32 $0x1E, v23;
	v1 =	vadd.f32 v12, v1;
	v12 =	vld [tilespmem:$0x1F780]  }
0x244: {  	v25 =	vmul.f32 v61, v25;
	v61 =	vor.u32 $0x36, v23;
	v7 =	vld.idx.msk [tilespmem:v7+s25+$0x0], $0xffff  }
0x245: {  	v63 =	vor.u32 $0x32, v23;
	v3 =	vld.idx.msk [tilespmem:v3+s25+$0x0], $0xffff;
	v15 =	vor.u32 $0x26, v23;
	v4 =	vmul.f32 v4, v6  }
0x246: {  	v62 =	vor.u32 $0x3B, v23;
	v14 =	vor.u32 $0x3A, v23;
	v11 =	vor.u32 $0x2E, v23;
	v10 =	vld [tilespmem:$0x1F790]  }
0x247: {  	v20 =	vor.u32 $0x3E, v23;
	v21 =	vor.u32 $0x2A, v23;
	v2 =	vadd.f32 v4, v2;
	v4 =	vld [tilespmem:$0x1F800]  }
0x248: {  	v13 =	vor.u32 $0x3F, v23;
	v17 =	vld.idx.msk [tilespmem:v17+s25+$0x0], $0xffff;
	v16 =	vor.u32 $0x37, v23;
	v23 =	vor.u32 $0x33, v23;
	_ =	sdelay $0x1  }
0x249: {  	v15 =	vld.idx.msk [tilespmem:v15+s25+$0x0], $0xffff  }
0x24a: {  	v33 =	vmul.f32 v42, v33;
	v3 =	vmul.f32 v3, v10;
	v10 =	vld.idx.msk [tilespmem:v11+s25+$0x0], $0xffff  }
0x24b: {  	v11 =	vld [tilespmem:$0x1F7B0];
	v4 =	vmul.f32 v7, v4  }
0x24c: {  	v9 =	vadd.f32 v33, v9;
	v12 =	vmul.f32 v17, v12;
	v8 =	vld.idx.msk [tilespmem:v23+s25+$0x0], $0xffff  }
0x24d: {  	v2 =	vadd.f32 v4, v2;
	v4 =	vld [tilespmem:$0x1F820]  }
0x24e: {  	v9 =	vadd.f32 v12, v9  }
0x24f: {  	v17 =	vld.idx.msk [tilespmem:v21+s25+$0x0], $0xffff  }
0x250: {  	v3 =	vadd.f32 v3, v9;
	v9 =	vld [tilespmem:$0x1F7D0];
	v11 =	vmul.f32 v15, v11;
	_ =	sdelay $0x1  }
0x251: {  	v3 =	vadd.f32 v11, v3;
	v11 =	vld [tilespmem:$0x1F7F0];
	v4 =	vmul.f32 v8, v4  }
0x252: {  	v6 =	vld.idx.msk [tilespmem:v16+s25+$0x0], $0xffff  }
0x253: {  	v2 =	vadd.f32 v4, v2;
	v4 =	vld [tilespmem:$0x1F840]  }
0x254: {  	v12 =	vld.idx.msk [tilespmem:v63+s25+$0x0], $0xffff;
	v9 =	vmul.f32 v17, v9  }
0x255: {  	v15 =	vld.idx.msk [tilespmem:v61+s25+$0x0], $0xffff  }
0x256: {  	v0 =	vadd.f32 v38, v0;
	v3 =	vadd.f32 v9, v3;
	v9 =	vld [tilespmem:$0x1F810];
	v10 =	vmul.f32 v10, v11  }
0x257: {  	v1 =	vadd.f32 v39, v1;
	v11 =	vld.idx.msk [tilespmem:v14+s25+$0x0], $0xffff  }
0x258: {  	v0 =	vadd.f32 v36, v0;
	v3 =	vadd.f32 v10, v3;
	v10 =	vld [tilespmem:$0x1F830];
	v4 =	vmul.f32 v6, v4  }
0x259: {  	v1 =	vadd.f32 v37, v1;
	v7 =	vld.idx.msk [tilespmem:v62+s25+$0x0], $0xffff  }
0x25a: {  	v0 =	vadd.f32 v34, v0;
	v2 =	vadd.f32 v4, v2;
	v4 =	vld [tilespmem:$0x1F860]  }
0x25b: {  	v1 =	vadd.f32 v35, v1;
	v6 =	vld [tilespmem:$0x1F850]  }
0x25c: {  	v0 =	vadd.f32 v31, v0;
	v9 =	vmul.f32 v12, v9  }
0x25d: {  	v1 =	vadd.f32 v32, v1  }
0x25e: {  	v0 =	vadd.f32 v29, v0;
	v12 =	vld.idx.msk [tilespmem:v20+s25+$0x0], $0xffff;
	v3 =	vadd.f32 v9, v3;
	v10 =	vmul.f32 v15, v10  }
0x25f: {  	v1 =	vadd.f32 v30, v1;
	v8 =	vld.idx.msk [tilespmem:v13+s25+$0x0], $0xffff;
	v4 =	vmul.f32 v7, v4  }
0x260: {  	v0 =	vadd.f32 v27, v0;
	v3 =	vadd.f32 v10, v3;
	v6 =	vmul.f32 v11, v6;
	v7 =	vld [tilespmem:$0x1F870]  }
0x261: {  	v1 =	vadd.f32 v28, v1;
	v2 =	vadd.f32 v4, v2;
	v4 =	vld [tilespmem:$0x1F880]  }
0x262: {  	v3 =	vadd.f32 v6, v3;
	v6 =	vld [tilespmem:$0x1F890]  }
0x263: {  	v0 =	vadd.f32 v25, v0;
	v1 =	vadd.f32 v26, v1;
	_ =	sdelay $0x1  }
0x264: {  	v0 =	vadd.f32 v22, v0;
	v1 =	vadd.f32 v24, v1  }
0x265: {  	v7 =	vmul.f32 v12, v7;
	v4 =	vmul.f32 v8, v4  }
0x266: {  	v1 =	vadd.f32 v5, v1;
	v0 =	vadd.f32 v6, v0  }
0x267: {  	v3 =	vadd.f32 v7, v3;
	v2 =	vadd.f32 v4, v2;
	_ =	sdelay $0x1  }
0x268: {  	v0 =	vadd.f32 v1, v0;
	v1 =	vadd.f32 v2, v3;
	v2 =	vld [tilespmem:$0x1F8A0]  }
0x269: {  	v3 =	vld [tilespmem:$0x1F8B0];
	_ =	sdelay $0x4  }
0x26a: {  	v0 =	vadd.f32 v1, v0;
	v3 =	vbroadcast v3, $0x0;
	_ =	sdelay $0x1  }
0x26b: {  	[tilespmem:$0x1F8C0] =	vst v3;
	v0 =	vmul.f32 v0, v3;
	v3 =	vld [tilespmem:$0x1F8D0]  }
0x26c: {  	v2 =	vld.idx.msk [tilespmem:v2+s4+$0x0], $0xffff  }
0x26d: {  	s19 =	simm.s32 $0x10  }
0x26e: {  	v4 =	vld [tilespmem:s2+$0x0];
	v1 =	vmov s19  }
0x26f: {  	v1 =	vshll.u32 v1, $0x6  }
0x270: {  	v3 =	vor.u32 v3, v1  }
0x271: {  	v1 =	vor.u32 $0x3C, v3;
	v0 =	vadd.f32 v0, v2;
	_ =	sdelay $0x1  }
0x272: {  	v0 =	vadd.f32 v0, v4  }
0x273: {  	v2 =	vor.u32 $0x3D, v3  }
0x274: {  	[tilespmem:s7+$0x0] =	vst v0;
	v0 =	vor.u32 $0x39, v3  }
0x275: {  	v56 =	vld.idx.msk [tilespmem:v1+s16+$0x0], $0xffff;
	v1 =	vor.u32 $0x3A, v3;
	_ =	sdelay $0x2  }
0x276: {  	v5 =	vor.u32 $0x3E, v3;
	v55 =	vld.idx.msk [tilespmem:v2+s16+$0x0], $0xffff  }
0x277: {  	v2 =	vor.u32 $0x3B, v3;
	v57 =	vld.idx.msk [tilespmem:v0+s16+$0x0], $0xffff  }
0x278: {  	v0 =	vor.u32 $0x37, v3;
	v1 =	vld.idx.msk [tilespmem:v1+s16+$0x0], $0xffff  }
0x279: {  	v6 =	vor.u32 $0x38, v3;
	_ =	sdelay $0x1  }
0x27a: {  	v5 =	vld.idx.msk [tilespmem:v5+s16+$0x0], $0xffff  }
0x27b: {  	v2 =	vld.idx.msk [tilespmem:v2+s16+$0x0], $0xffff  }
0x27c: {  	v0 =	vld.idx.msk [tilespmem:v0+s16+$0x0], $0xffff;
	[tilespmem:$0x1F8F0] =	vst v1;
	v1 =	vor.u32 $0x30, v3  }
0x27d: {  	v58 =	vld.idx.msk [tilespmem:v6+s16+$0x0], $0xffff;
	v6 =	vor.u32 $0x36, v3  }
0x27e: {  	v4 =	vor.u32 $0x3F, v3  }
0x27f: {  	[tilespmem:$0x1F8E0] =	vst v5;
	v5 =	vor.u32 $0x34, v3  }
0x280: {  	[tilespmem:$0x1F900] =	vst v2;
	v2 =	vor.u32 $0x31, v3  }
0x281: {  	[tilespmem:$0x1F920] =	vst v0;
	v0 =	vor.u32 $0x2D, v3;
	v1 =	vld.idx.msk [tilespmem:v1+s16+$0x0], $0xffff  }
0x282: {  	v6 =	vld.idx.msk [tilespmem:v6+s16+$0x0], $0xffff  }
0x283: {  	v60 =	vld.idx.msk [tilespmem:v4+s16+$0x0], $0xffff  }
0x284: {  	v4 =	vor.u32 $0x35, v3;
	v54 =	vld.idx.msk [tilespmem:v5+s16+$0x0], $0xffff  }
0x285: {  	v5 =	vor.u32 $0x32, v3;
	v2 =	vld.idx.msk [tilespmem:v2+s16+$0x0], $0xffff  }
0x286: {  	v0 =	vld.idx.msk [tilespmem:v0+s16+$0x0], $0xffff;
	[tilespmem:$0x1F930] =	vst v1;
	v1 =	vor.u32 $0x2E, v3  }
0x287: {  	[tilespmem:$0x1F910] =	vst v6;
	v6 =	vor.u32 $0x2C, v3;
	_ =	sdelay $0x1  }
0x288: {  	v59 =	vld.idx.msk [tilespmem:v4+s16+$0x0], $0xffff;
	v4 =	vor.u32 $0x33, v3  }
0x289: {  	v5 =	vld.idx.msk [tilespmem:v5+s16+$0x0], $0xffff;
	[tilespmem:$0x1F940] =	vst v2;
	v2 =	vor.u32 $0x2F, v3  }
0x28a: {  	[tilespmem:$0x1F980] =	vst v0;
	v0 =	vor.u32 $0x2B, v3;
	v1 =	vld.idx.msk [tilespmem:v1+s16+$0x0], $0xffff  }
0x28b: {  	v6 =	vld.idx.msk [tilespmem:v6+s16+$0x0], $0xffff;
	_ =	sdelay $0x1  }
0x28c: {  	v4 =	vld.idx.msk [tilespmem:v4+s16+$0x0], $0xffff  }
0x28d: {  	[tilespmem:$0x1F950] =	vst v5;
	v5 =	vor.u32 $0x28, v3;
	v2 =	vld.idx.msk [tilespmem:v2+s16+$0x0], $0xffff  }
0x28e: {  	v0 =	vld.idx.msk [tilespmem:v0+s16+$0x0], $0xffff;
	[tilespmem:$0x1F990] =	vst v1;
	v1 =	vor.u32 $0x24, v3  }
0x28f: {  	[tilespmem:$0x1F970] =	vst v6;
	v6 =	vor.u32 $0x2A, v3;
	_ =	sdelay $0x1  }
0x290: {  	[tilespmem:$0x1F960] =	vst v4;
	v4 =	vor.u32 $0x29, v3  }
0x291: {  	v5 =	vld.idx.msk [tilespmem:v5+s16+$0x0], $0xffff;
	[tilespmem:$0x1F9A0] =	vst v2;
	v2 =	vor.u32 $0x25, v3  }
0x292: {  	[tilespmem:$0x1F9E0] =	vst v0;
	v0 =	vor.u32 $0x21, v3;
	v1 =	vld.idx.msk [tilespmem:v1+s16+$0x0], $0xffff  }
0x293: {  	v6 =	vld.idx.msk [tilespmem:v6+s16+$0x0], $0xffff;
	_ =	sdelay $0x1  }
0x294: {  	v4 =	vld.idx.msk [tilespmem:v4+s16+$0x0], $0xffff  }
0x295: {  	[tilespmem:$0x1F9B0] =	vst v5;
	v5 =	vor.u32 $0x26, v3;
	v2 =	vld.idx.msk [tilespmem:v2+s16+$0x0], $0xffff  }
0x296: {  	v0 =	vld.idx.msk [tilespmem:v0+s16+$0x0], $0xffff;
	[tilespmem:$0x1F9F0] =	vst v1;
	v1 =	vor.u32 $0x22, v3  }
0x297: {  	[tilespmem:$0x1F9D0] =	vst v6;
	v6 =	vor.u32 $0x20, v3;
	_ =	sdelay $0x1  }
0x298: {  	[tilespmem:$0x1F9C0] =	vst v4;
	v4 =	vor.u32 $0x27, v3  }
0x299: {  	v5 =	vld.idx.msk [tilespmem:v5+s16+$0x0], $0xffff;
	[tilespmem:$0x1FA00] =	vst v2;
	v2 =	vor.u32 $0x23, v3  }
0x29a: {  	[tilespmem:$0x1FA40] =	vst v0;
	v0 =	vor.u32 $0x1F, v3;
	v1 =	vld.idx.msk [tilespmem:v1+s16+$0x0], $0xffff  }
0x29b: {  	v6 =	vld.idx.msk [tilespmem:v6+s16+$0x0], $0xffff;
	_ =	sdelay $0x1  }
0x29c: {  	v4 =	vld.idx.msk [tilespmem:v4+s16+$0x0], $0xffff  }
0x29d: {  	[tilespmem:$0x1FA10] =	vst v5;
	v5 =	vor.u32 $0x1C, v3;
	v2 =	vld.idx.msk [tilespmem:v2+s16+$0x0], $0xffff  }
0x29e: {  	v0 =	vld.idx.msk [tilespmem:v0+s16+$0x0], $0xffff;
	[tilespmem:$0x1FA50] =	vst v1;
	v1 =	vor.u32 $0x18, v3  }
0x29f: {  	[tilespmem:$0x1FA30] =	vst v6;
	v6 =	vor.u32 $0x1E, v3;
	_ =	sdelay $0x1  }
0x2a0: {  	[tilespmem:$0x1FA20] =	vst v4;
	v4 =	vor.u32 $0x1D, v3  }
0x2a1: {  	v5 =	vld.idx.msk [tilespmem:v5+s16+$0x0], $0xffff;
	[tilespmem:$0x1FA60] =	vst v2;
	v2 =	vor.u32 $0x19, v3  }
0x2a2: {  	[tilespmem:$0x1FAA0] =	vst v0;
	v0 =	vor.u32 $0x15, v3;
	v1 =	vld.idx.msk [tilespmem:v1+s16+$0x0], $0xffff  }
0x2a3: {  	v6 =	vld.idx.msk [tilespmem:v6+s16+$0x0], $0xffff;
	_ =	sdelay $0x1  }
0x2a4: {  	v4 =	vld.idx.msk [tilespmem:v4+s16+$0x0], $0xffff  }
0x2a5: {  	[tilespmem:$0x1FA70] =	vst v5;
	v5 =	vor.u32 $0x1A, v3;
	v2 =	vld.idx.msk [tilespmem:v2+s16+$0x0], $0xffff  }
0x2a6: {  	v0 =	vld.idx.msk [tilespmem:v0+s16+$0x0], $0xffff;
	[tilespmem:$0x1FAB0] =	vst v1;
	v1 =	vor.u32 $0x16, v3  }
0x2a7: {  	[tilespmem:$0x1FA90] =	vst v6;
	v6 =	vor.u32 $0x14, v3;
	_ =	sdelay $0x1  }
0x2a8: {  	[tilespmem:$0x1FA80] =	vst v4  }
0x2a9: {  	v4 =	vor.u32 $0x1B, v3;
	v5 =	vld.idx.msk [tilespmem:v5+s16+$0x0], $0xffff;
	[tilespmem:$0x1FAC0] =	vst v2  }
0x2aa: {  	v2 =	vor.u32 $0x17, v3;
	[tilespmem:$0x1FAF0] =	vst v0;
	v0 =	vld.idx.msk [tilespmem:v1+s16+$0x0], $0xffff  }
0x2ab: {  	v61 =	vld.idx.msk [tilespmem:v6+s16+$0x0], $0xffff;
	v6 =	vor.u32 $0x12, v3;
	_ =	sdelay $0x2  }
0x2ac: {  	v4 =	vld.idx.msk [tilespmem:v4+s16+$0x0], $0xffff;
	[tilespmem:$0x1FAD0] =	vst v5  }
0x2ad: {  	v5 =	vor.u32 $0x10, v3;
	[tilespmem:$0x1FB00] =	vst v0;
	v0 =	vld.idx.msk [tilespmem:v2+s16+$0x0], $0xffff  }
0x2ae: {  	v7 =	vor.u32 $0x13, v3;
	v2 =	vld.idx.msk [tilespmem:v6+s16+$0x0], $0xffff;
	_ =	sdelay $0x2  }
0x2af: {  	[tilespmem:$0x1FAE0] =	vst v4;
	v4 =	vor.u32 $0x11, v3  }
0x2b0: {  	[tilespmem:$0x1FB10] =	vst v0;
	v0 =	vld.idx.msk [tilespmem:v5+s16+$0x0], $0xffff;
	v5 =	vor.u32 $0xE, v3  }
0x2b1: {  	v1 =	vor.u32 $0xC, v3;
	[tilespmem:$0x1FB20] =	vst v2;
	v2 =	vld.idx.msk [tilespmem:v7+s16+$0x0], $0xffff  }
0x2b2: {  	v8 =	vor.u32 $0xD, v3;
	_ =	sdelay $0x1  }
0x2b3: {  	v63 =	vld.idx.msk [tilespmem:v4+s16+$0x0], $0xffff  }
0x2b4: {  	v4 =	vor.u32 $0xF, v3;
	v5 =	vld.idx.msk [tilespmem:v5+s16+$0x0], $0xffff  }
0x2b5: {  	v6 =	vor.u32 $0x8, v3;
	[tilespmem:$0x1FB30] =	vst v2;
	v2 =	vld.idx.msk [tilespmem:v1+s16+$0x0], $0xffff  }
0x2b6: {  	v1 =	vld.idx.msk [tilespmem:v8+s16+$0x0], $0xffff;
	v8 =	vor.u32 $0xA, v3  }
0x2b7: {  	s17 =	simm.s32 $0x210;
	v10 =	vor.u32 $0x4, v3  }
0x2b8: {  	v14 =	vld [tilespmem:s17+$0x0]  }
0x2b9: {  	v4 =	vld.idx.msk [tilespmem:v4+s16+$0x0], $0xffff;
	[tilespmem:$0x1FB40] =	vst v5;
	v5 =	vor.u32 $0xB, v3  }
0x2ba: {  	v7 =	vor.u32 $0x9, v3;
	v9 =	vld.idx.msk [tilespmem:v6+s16+$0x0], $0xffff  }
0x2bb: {  	v6 =	vor.u32 $0x5, v3;
	v8 =	vld.idx.msk [tilespmem:v8+s16+$0x0], $0xffff  }
0x2bc: {  	v12 =	vor.u32 $0x7, v3;
	v11 =	vld.idx.msk [tilespmem:v10+s16+$0x0], $0xffff  }
0x2bd: {  	v13 =	vor.u32 $0x2, v3;
	v25 =	vld.idx.msk [tilespmem:v3+s16+$0x0], $0xffff  }
0x2be: {  	v15 =	vor.u32 $0x3, v3;
	v5 =	vld.idx.msk [tilespmem:v5+s16+$0x0], $0xffff  }
0x2bf: {  	[tilespmem:$0x1FB50] =	vst v4;
	v4 =	vld.idx.msk [tilespmem:v7+s16+$0x0], $0xffff;
	v7 =	vor.u32 $0x6, v3  }
0x2c0: {  	v10 =	vld.idx.msk [tilespmem:v6+s16+$0x0], $0xffff;
	[tilespmem:$0x1FB60] =	vst v8;
	v8 =	vshll.u32 v14, $0x6  }
0x2c1: {  	v6 =	vld.idx.msk [tilespmem:v12+s16+$0x0], $0xffff;
	v12 =	vor.u32 $0x3C, v8  }
0x2c2: {  	[tilespmem:$0x1FB80] =	vst v14;
	v14 =	vld.idx.msk [tilespmem:v13+s16+$0x0], $0xffff;
	v13 =	vor.u32 $0x39, v8  }
0x2c3: {  	v15 =	vld.idx.msk [tilespmem:v15+s16+$0x0], $0xffff;
	[tilespmem:$0x1FB70] =	vst v5;
	v5 =	vor.u32 $0x1, v3  }
0x2c4: {  	v7 =	vld.idx.msk [tilespmem:v7+s16+$0x0], $0xffff;
	v17 =	vor.u32 $0x34, v8  }
0x2c5: {  	v3 =	vor.u32 $0x3D, v8;
	v38 =	vld.idx.msk [tilespmem:v8+s25+$0x0], $0xffff  }
0x2c6: {  	v19 =	vor.u32 $0x14, v8;
	v29 =	vld.idx.msk [tilespmem:v12+s25+$0x0], $0xffff  }
0x2c7: {  	v12 =	vor.u32 $0x35, v8;
	v26 =	vld.idx.msk [tilespmem:v13+s25+$0x0], $0xffff  }
0x2c8: {  	v16 =	vld.idx.msk [tilespmem:v5+s16+$0x0], $0xffff;
	v5 =	vor.u32 $0x38, v8  }
0x2c9: {  	v34 =	vld.idx.msk [tilespmem:v17+s25+$0x0], $0xffff;
	v17 =	vor.u32 $0x2D, v8  }
0x2ca: {  	v18 =	vld.idx.msk [tilespmem:v3+s25+$0x0], $0xffff;
	v3 =	vor.u32 $0x30, v8  }
0x2cb: {  	v13 =	vor.u32 $0x2C, v8;
	v48 =	vld.idx.msk [tilespmem:v19+s25+$0x0], $0xffff  }
0x2cc: {  	v28 =	vld.idx.msk [tilespmem:v12+s25+$0x0], $0xffff;
	v12 =	vor.u32 $0x28, v8  }
0x2cd: {  	v31 =	vld.idx.msk [tilespmem:v5+s25+$0x0], $0xffff;
	v5 =	vor.u32 $0x31, v8  }
0x2ce: {  	v32 =	vld.idx.msk [tilespmem:v17+s25+$0x0], $0xffff;
	v17 =	vor.u32 $0x20, v8  }
0x2cf: {  	v35 =	vld.idx.msk [tilespmem:v3+s25+$0x0], $0xffff;
	v3 =	vor.u32 $0x29, v8  }
0x2d0: {  	v36 =	vld.idx.msk [tilespmem:v13+s25+$0x0], $0xffff;
	v13 =	vor.u32 $0x25, v8  }
0x2d1: {  	v37 =	vld.idx.msk [tilespmem:v12+s25+$0x0], $0xffff;
	v12 =	vor.u32 $0x21, v8  }
0x2d2: {  	v27 =	vld.idx.msk [tilespmem:v5+s25+$0x0], $0xffff;
	v5 =	vor.u32 $0x24, v8  }
0x2d3: {  	v21 =	vor.u32 $0x15, v8;
	v62 =	vor.u32 $0x33, v8;
	v42 =	vld.idx.msk [tilespmem:v17+s25+$0x0], $0xffff  }
0x2d4: {  	v39 =	vor.u32 $0x10, v8;
	v17 =	vor.u32 $0x3E, v8;
	v33 =	vld.idx.msk [tilespmem:v3+s25+$0x0], $0xffff;
	v3 =	vor.u32 $0x1C, v8  }
0x2d5: {  	v49 =	vor.u32 $0x11, v8;
	v30 =	vld.idx.msk [tilespmem:v13+s25+$0x0], $0xffff;
	v13 =	vor.u32 $0x18, v8;
	[tilespmem:$0x1FB90] =	vst v17;
	v17 =	vor.u32 $0x3A, v8  }
0x2d6: {  	v50 =	vor.u32 $0xC, v8;
	v20 =	vor.u32 $0x22, v8;
	[tilespmem:$0x1FBA0] =	vst v17;
	v17 =	vor.u32 $0x19, v8;
	v41 =	vld.idx.msk [tilespmem:v12+s25+$0x0], $0xffff  }
0x2d7: {  	v51 =	vor.u32 $0xD, v8;
	v12 =	vor.u32 $0x3F, v8;
	v40 =	vld.idx.msk [tilespmem:v5+s25+$0x0], $0xffff;
	v5 =	vor.u32 $0x1D, v8  }
0x2d8: {  	v22 =	vor.u32 $0x1E, v8;
	v52 =	vor.u32 $0x8, v8;
	v47 =	vld.idx.msk [tilespmem:v21+s25+$0x0], $0xffff;
	[tilespmem:$0x1FBB0] =	vst v12;
	v12 =	vor.u32 $0x36, v8  }
0x2d9: {  	v24 =	vor.u32 $0x1A, v8;
	v23 =	vor.u32 $0x1F, v8;
	[tilespmem:$0x1FBC0] =	vst v12;
	v44 =	vld.idx.msk [tilespmem:v3+s25+$0x0], $0xffff;
	v3 =	vor.u32 $0x3B, v8  }
0x2da: {  	v19 =	vor.u32 $0x27, v8;
	v21 =	vor.u32 $0x23, v8;
	v46 =	vld.idx.msk [tilespmem:v13+s25+$0x0], $0xffff;
	[tilespmem:$0x1FBD0] =	vst v3;
	v3 =	vor.u32 $0x32, v8  }
0x2db: {  	v13 =	vor.u32 $0x2B, v8;
	v12 =	vor.u32 $0x2A, v8;
	v45 =	vld.idx.msk [tilespmem:v17+s25+$0x0], $0xffff;
	[tilespmem:$0x1FBE0] =	vst v3;
	v3 =	vor.u32 $0x37, v8  }
0x2dc: {  	s3 =	simm.s32 $0xA710;
	s19 =	simm.s32 $0x20;
	v17 =	vor.u32 $0x26, v8;
	[tilespmem:$0x1FBF0] =	vst v3;
	v3 =	vor.u32 $0x2E, v8;
	v43 =	vld.idx.msk [tilespmem:v5+s25+$0x0], $0xffff;
	v5 =	vor.u32 $0x2F, v8  }
.LBB2_2:
0x2dd: {  	v18 =	vmul.f32 v18, v55;
	_ =	sdelay $0x1  }
0x2de: {  	[tilespmem:$0x1F750] =	vst v18;
	v18 =	vld [tilespmem:$0x1F930];
	_ =	sdelay $0x3  }
0x2df: {  	v31 =	vmul.f32 v31, v58;
	v58 =	vld.idx.msk [tilespmem:v51+s25+$0x0], $0xffff  }
0x2e0: {  	v51 =	vmul.f32 v35, v18;
	v18 =	vld [tilespmem:$0x1F970];
	_ =	sdelay $0x3  }
0x2e1: {  	v38 =	vmul.f32 v38, v25;
	v25 =	vmov v54  }
0x2e2: {  	v34 =	vmul.f32 v34, v25;
	v25 =	vmul.f32 v36, v18;
	v18 =	vld [tilespmem:$0x1F940];
	_ =	sdelay $0x4  }
0x2e3: {  	v36 =	vmul.f32 v27, v18;
	v18 =	vld [tilespmem:$0x1F9B0];
	_ =	sdelay $0x3  }
0x2e4: {  	v29 =	vmul.f32 v29, v56;
	v56 =	vld.idx.msk [tilespmem:v50+s25+$0x0], $0xffff  }
0x2e5: {  	v50 =	vmul.f32 v26, v57;
	v26 =	vmul.f32 v37, v18;
	v18 =	vld [tilespmem:$0x1F980];
	_ =	sdelay $0x3  }
0x2e6: {  	v54 =	vld.idx.msk [tilespmem:v39+s25+$0x0], $0xffff  }
0x2e7: {  	v39 =	vmul.f32 v32, v18;
	v18 =	vld [tilespmem:$0x1F9F0];
	_ =	sdelay $0x4  }
0x2e8: {  	[tilespmem:$0x1F730] =	vst v31;
	v31 =	vmul.f32 v28, v59;
	v28 =	vmul.f32 v40, v18;
	v18 =	vld [tilespmem:$0x1F9C0];
	_ =	sdelay $0x4  }
0x2e9: {  	v27 =	vmul.f32 v33, v18;
	v18 =	vld [tilespmem:$0x1FA30];
	_ =	sdelay $0x4  }
0x2ea: {  	v40 =	vmul.f32 v42, v18;
	v18 =	vld [tilespmem:$0x1FA00];
	_ =	sdelay $0x4  }
0x2eb: {  	v30 =	vmul.f32 v30, v18;
	v18 =	vld [tilespmem:$0x1FA70];
	_ =	sdelay $0x2  }
0x2ec: {  	v53 =	vor.u32 $0x9, v8  }
0x2ed: {  	v49 =	vld.idx.msk [tilespmem:v49+s25+$0x0], $0xffff;
	v35 =	vor.u32 $0x2, v8  }
0x2ee: {  	v44 =	vmul.f32 v44, v18;
	v18 =	vld [tilespmem:$0x1FA40]  }
0x2ef: {  	v52 =	vld.idx.msk [tilespmem:v52+s25+$0x0], $0xffff;
	v59 =	vor.u32 $0x3, v8  }
0x2f0: {  	v48 =	vmul.f32 v48, v61;
	v61 =	vld [tilespmem:$0x1FAC0];
	v32 =	vor.u32 $0x6, v8  }
0x2f1: {  	v57 =	vor.u32 $0x1, v8;
	v53 =	vld.idx.msk [tilespmem:v53+s25+$0x0], $0xffff  }
0x2f2: {  	v55 =	vor.u32 $0x5, v8;
	v35 =	vld.idx.msk [tilespmem:v35+s25+$0x0], $0xffff  }
0x2f3: {  	v41 =	vmul.f32 v41, v18;
	v18 =	vld [tilespmem:$0x1FAB0]  }
0x2f4: {  	[tilespmem:$0x1F740] =	vst v29;
	v29 =	vor.u32 $0x4, v8;
	v59 =	vld.idx.msk [tilespmem:v59+s25+$0x0], $0xffff  }
0x2f5: {  	v32 =	vld.idx.msk [tilespmem:v32+s25+$0x0], $0xffff  }
0x2f6: {  	v45 =	vmul.f32 v45, v61;
	v61 =	vor.u32 $0xF, v8;
	v42 =	vld.idx.msk [tilespmem:v57+s25+$0x0], $0xffff  }
0x2f7: {  	v37 =	vor.u32 $0x7, v8;
	v33 =	vld.idx.msk [tilespmem:v55+s25+$0x0], $0xffff  }
0x2f8: {  	v14 =	vmul.f32 v35, v14;
	v46 =	vmul.f32 v46, v18;
	v18 =	vld [tilespmem:$0x1FA80]  }
0x2f9: {  	v2 =	vmul.f32 v56, v2;
	v29 =	vld.idx.msk [tilespmem:v29+s25+$0x0], $0xffff;
	v0 =	vmul.f32 v54, v0;
	v55 =	vor.u32 $0xA, v8  }
0x2fa: {  	v54 =	vld [tilespmem:$0x1FAF0];
	v14 =	vadd.f32 $0.0e+00, v14;
	v7 =	vmul.f32 v32, v7;
	v57 =	vor.u32 $0xB, v8  }
0x2fb: {  	v15 =	vmul.f32 v59, v15;
	v59 =	vld.idx.msk [tilespmem:v61+s25+$0x0], $0xffff;
	v16 =	vmul.f32 v42, v16  }
0x2fc: {  	v9 =	vmul.f32 v52, v9;
	v37 =	vld.idx.msk [tilespmem:v37+s25+$0x0], $0xffff;
	v7 =	vadd.f32 v7, v14;
	v10 =	vmul.f32 v33, v10  }
0x2fd: {  	v14 =	vld [tilespmem:$0x1FB70];
	v16 =	vadd.f32 $0.0e+00, v16;
	v43 =	vmul.f32 v43, v18;
	v18 =	vmovc v60;
	v60 =	vor.u32 $0xE, v8  }
0x2fe: {  	v4 =	vmul.f32 v53, v4;
	v11 =	vmul.f32 v29, v11;
	v52 =	vld.idx.msk [tilespmem:v55+s25+$0x0], $0xffff  }
0x2ff: {  	v47 =	vmul.f32 v47, v54;
	v54 =	vor.u32 $0x12, v8;
	v29 =	vld.idx.msk [tilespmem:v57+s25+$0x0], $0xffff;
	v10 =	vadd.f32 v10, v16  }
0x300: {  	v49 =	vmul.f32 v49, v63;
	v63 =	vor.u32 $0x13, v8;
	v38 =	vadd.f32 $0.0e+00, v38;
	v16 =	vld [tilespmem:$0x1FB60]  }
0x301: {  	v1 =	vmul.f32 v58, v1;
	v56 =	vor.u32 $0x16, v8;
	v4 =	vadd.f32 v4, v10;
	v10 =	vld [tilespmem:$0x1FB40]  }
0x302: {  	v11 =	vadd.f32 v11, v38;
	v57 =	vld.idx.msk [tilespmem:v60+s25+$0x0], $0xffff  }
0x303: {  	v15 =	vadd.f32 $0.0e+00, v15;
	v6 =	vmul.f32 v37, v6;
	v1 =	vadd.f32 v1, v4;
	v4 =	vld [tilespmem:$0x1FB20]  }
0x304: {  	v58 =	vor.u32 $0x17, v8;
	v9 =	vadd.f32 v9, v11;
	v60 =	vld.idx.msk [tilespmem:v54+s25+$0x0], $0xffff  }
0x305: {  	v61 =	vld.idx.msk [tilespmem:v63+s25+$0x0], $0xffff;
	v6 =	vadd.f32 v6, v15;
	v14 =	vmul.f32 v29, v14;
	v16 =	vmul.f32 v52, v16  }
0x306: {  	v63 =	vld.idx.msk [tilespmem:v56+s25+$0x0], $0xffff;
	v2 =	vadd.f32 v2, v9  }
0x307: {  	v6 =	vadd.f32 v14, v6;
	v14 =	vld [tilespmem:$0x1FB50];
	v7 =	vadd.f32 v16, v7;
	v10 =	vmul.f32 v57, v10  }
0x308: {  	v0 =	vadd.f32 v0, v2;
	v2 =	vld [tilespmem:$0x1FB00]  }
0x309: {  	v4 =	vmul.f32 v60, v4;
	v7 =	vadd.f32 v10, v7;
	v10 =	vld [tilespmem:$0x1FB30]  }
0x30a: {  	v15 =	vld.idx.msk [tilespmem:v58+s25+$0x0], $0xffff  }
0x30b: {  	v4 =	vadd.f32 v4, v7;
	v7 =	vld [tilespmem:$0x1FB10]  }
0x30c: {  	v14 =	vmul.f32 v59, v14;
	v8 =	vor.u32 $0x1B, v8;
	_ =	sdelay $0x1  }
0x30d: {  	v6 =	vadd.f32 v14, v6;
	v10 =	vmul.f32 v61, v10;
	_ =	sdelay $0x1  }
0x30e: {  	v2 =	vmul.f32 v63, v2;
	v6 =	vadd.f32 v10, v6;
	v7 =	vmul.f32 v15, v7  }
0x30f: {  	v8 =	vld.idx.msk [tilespmem:v8+s25+$0x0], $0xffff  }
0x310: {  	v2 =	vadd.f32 v2, v4;
	v4 =	vadd.f32 v7, v6;
	v6 =	vld [tilespmem:$0x1FAE0];
	_ =	sdelay $0x4  }
0x311: {  	v6 =	vmul.f32 v8, v6  }
0x312: {  	v14 =	vld.idx.msk [tilespmem:v23+s25+$0x0], $0xffff  }
0x313: {  	v4 =	vadd.f32 v6, v4;
	v6 =	vld [tilespmem:$0x1FAA0];
	_ =	sdelay $0x4  }
0x314: {  	v6 =	vmul.f32 v14, v6  }
0x315: {  	v10 =	vld.idx.msk [tilespmem:v21+s25+$0x0], $0xffff  }
0x316: {  	v4 =	vadd.f32 v6, v4;
	v6 =	vld [tilespmem:$0x1FA60];
	_ =	sdelay $0x1  }
0x317: {  	v11 =	vld.idx.msk [tilespmem:v24+s25+$0x0], $0xffff  }
0x318: {  	v9 =	vld.idx.msk [tilespmem:v22+s25+$0x0], $0xffff  }
0x319: {  	v15 =	vld [tilespmem:$0x1FAD0]  }
0x31a: {  	v7 =	vld.idx.msk [tilespmem:v19+s25+$0x0], $0xffff;
	v6 =	vmul.f32 v10, v6  }
0x31b: {  	v8 =	vld [tilespmem:$0x1FA90]  }
0x31c: {  	v4 =	vadd.f32 v6, v4;
	v6 =	vld [tilespmem:$0x1FA20];
	_ =	sdelay $0x2  }
0x31d: {  	v16 =	vld.idx.msk [tilespmem:v20+s25+$0x0], $0xffff  }
0x31e: {  	v11 =	vmul.f32 v11, v15;
	v8 =	vmul.f32 v9, v8;
	v9 =	vld.idx.msk [tilespmem:v12+s25+$0x0], $0xffff  }
0x31f: {  	v12 =	vld [tilespmem:$0x1FA50];
	v6 =	vmul.f32 v7, v6  }
0x320: {  	v2 =	vadd.f32 v11, v2;
	v11 =	vld.idx.msk [tilespmem:v13+s25+$0x0], $0xffff  }
0x321: {  	v4 =	vadd.f32 v6, v4;
	v6 =	vld [tilespmem:$0x1F9E0]  }
0x322: {  	v3 =	vld.idx.msk [tilespmem:v3+s25+$0x0], $0xffff  }
0x323: {  	v15 =	vld.idx.msk [tilespmem:v17+s25+$0x0], $0xffff  }
0x324: {  	v2 =	vadd.f32 v8, v2;
	v8 =	vld [tilespmem:$0x1FA10];
	v12 =	vmul.f32 v16, v12  }
0x325: {  	v5 =	vld.idx.msk [tilespmem:v5+s25+$0x0], $0xffff  }
0x326: {  	v2 =	vadd.f32 v12, v2;
	v12 =	vld [tilespmem:$0x1F9D0];
	v6 =	vmul.f32 v11, v6  }
0x327: {  	v11 =	vld [tilespmem:$0x1F990]  }
0x328: {  	v4 =	vadd.f32 v6, v4;
	v6 =	vld [tilespmem:$0x1F9A0]  }
0x329: {  	v8 =	vmul.f32 v15, v8;
	_ =	sdelay $0x1  }
0x32a: {  	v2 =	vadd.f32 v8, v2;
	v9 =	vmul.f32 v9, v12;
	_ =	sdelay $0x1  }
0x32b: {  	v8 =	vld [tilespmem:$0x1FBF0];
	v2 =	vadd.f32 v9, v2;
	v3 =	vmul.f32 v3, v11;
	v5 =	vmul.f32 v5, v6  }
0x32c: {  	v7 =	vld.idx.msk [tilespmem:v62+s25+$0x0], $0xffff  }
0x32d: {  	v2 =	vadd.f32 v3, v2;
	v3 =	vadd.f32 v5, v4;
	v4 =	vld [tilespmem:$0x1F960]  }
0x32e: {  	v10 =	vld [tilespmem:$0x1FBE0];
	_ =	sdelay $0x1  }
0x32f: {  	v12 =	vld [tilespmem:$0x1FBC0]  }
0x330: {  	v9 =	vld [tilespmem:$0x1F950]  }
0x331: {  	v6 =	vld [tilespmem:$0x1FBD0];
	v4 =	vmul.f32 v7, v4  }
0x332: {  	v0 =	vadd.f32 v48, v0;
	v8 =	vld.idx.msk [tilespmem:v8+s25+$0x0], $0xffff  }
0x333: {  	v3 =	vadd.f32 v4, v3;
	v4 =	vld [tilespmem:$0x1F920]  }
0x334: {  	v0 =	vadd.f32 v46, v0;
	v5 =	vld [tilespmem:$0x1FBB0]  }
0x335: {  	v1 =	vadd.f32 v49, v1;
	v10 =	vld.idx.msk [tilespmem:v10+s25+$0x0], $0xffff  }
0x336: {  	v0 =	vadd.f32 v44, v0;
	v11 =	vld [tilespmem:$0x1FBA0]  }
0x337: {  	v1 =	vadd.f32 v47, v1  }
0x338: {  	v0 =	vadd.f32 v40, v0;
	v4 =	vmul.f32 v8, v4  }
0x339: {  	v1 =	vadd.f32 v45, v1;
	v6 =	vld.idx.msk [tilespmem:v6+s25+$0x0], $0xffff  }
0x33a: {  	v0 =	vadd.f32 v28, v0;
	v3 =	vadd.f32 v4, v3;
	v4 =	vld [tilespmem:$0x1F900]  }
0x33b: {  	v1 =	vadd.f32 v43, v1;
	v9 =	vmul.f32 v10, v9;
	v10 =	vld [tilespmem:$0x1FB90]  }
0x33c: {  	v0 =	vadd.f32 v26, v0;
	v5 =	vld.idx.msk [tilespmem:v5+s25+$0x0], $0xffff  }
0x33d: {  	v1 =	vadd.f32 v41, v1;
	v12 =	vld.idx.msk [tilespmem:v12+s25+$0x0], $0xffff  }
0x33e: {  	v0 =	vadd.f32 v25, v0;
	v11 =	vld.idx.msk [tilespmem:v11+s25+$0x0], $0xffff  }
0x33f: {  	v1 =	vadd.f32 v30, v1;
	v4 =	vmul.f32 v6, v4;
	v6 =	vld [tilespmem:$0x1F730]  }
0x340: {  	v0 =	vadd.f32 v51, v0;
	v7 =	vld [tilespmem:$0x1F910]  }
0x341: {  	v1 =	vadd.f32 v27, v1;
	v3 =	vadd.f32 v4, v3;
	v4 =	vmul.f32 v5, v18;
	v5 =	vld [tilespmem:$0x1F740]  }
0x342: {  	v0 =	vadd.f32 v34, v0;
	v8 =	vld [tilespmem:$0x1F8F0]  }
0x343: {  	v1 =	vadd.f32 v39, v1;
	v10 =	vld.idx.msk [tilespmem:v10+s25+$0x0], $0xffff  }
0x344: {  	v0 =	vadd.f32 v6, v0;
	v6 =	vld [tilespmem:$0x1F8E0]  }
0x345: {  	v1 =	vadd.f32 v36, v1;
	v2 =	vadd.f32 v9, v2;
	v7 =	vmul.f32 v12, v7  }
0x346: {  	v0 =	vadd.f32 v5, v0;
	v5 =	vld [tilespmem:$0x1F750]  }
0x347: {  	v1 =	vadd.f32 v31, v1;
	v2 =	vadd.f32 v7, v2;
	v8 =	vmul.f32 v11, v8;
	_ =	sdelay $0x1  }
0x348: {  	v1 =	vadd.f32 v50, v1;
	v2 =	vadd.f32 v8, v2;
	v6 =	vmul.f32 v10, v6  }
0x349: {  	v3 =	vadd.f32 v4, v3  }
0x34a: {  	v1 =	vadd.f32 v5, v1;
	v2 =	vadd.f32 v6, v2;
	_ =	sdelay $0x1  }
0x34b: {  	v0 =	vadd.f32 v1, v0;
	v1 =	vadd.f32 v3, v2;
	v2 =	vld [tilespmem:$0x1FB80];
	_ =	sdelay $0x1  }
0x34c: {  	v3 =	vld [tilespmem:$0x1F8C0];
	_ =	sdelay $0x2  }
0x34d: {  	v0 =	vadd.f32 v1, v0;
	_ =	sdelay $0x1  }
0x34e: {  	v0 =	vmul.f32 v0, v3;
	v3 =	vld [tilespmem:$0x1F8D0]  }
0x34f: {  	v2 =	vld.idx.msk [tilespmem:v2+s4+$0x0], $0xffff  }
0x350: {  	s2 =	sadd.s32 $0x10, s2  }
0x351: {  	v4 =	vld [tilespmem:s2+$0x0];
	v1 =	vmov s19  }
0x352: {  	v1 =	vshll.u32 v1, $0x6  }
0x353: {  	v3 =	vor.u32 v3, v1  }
0x354: {  	v1 =	vor.u32 $0x3C, v3;
	v0 =	vadd.f32 v0, v2;
	_ =	sdelay $0x1  }
0x355: {  	v0 =	vadd.f32 v0, v4  }
0x356: {  	s3 =	sadd.s32 $0x10, s3;
	v2 =	vor.u32 $0x3D, v3  }
0x357: {  	[tilespmem:s3+$0x0] =	vst v0;
	v0 =	vor.u32 $0x39, v3  }
0x358: {  	v56 =	vld.idx.msk [tilespmem:v1+s16+$0x0], $0xffff;
	v1 =	vor.u32 $0x3A, v3;
	_ =	sdelay $0x2  }
0x359: {  	v5 =	vor.u32 $0x3E, v3;
	v55 =	vld.idx.msk [tilespmem:v2+s16+$0x0], $0xffff  }
0x35a: {  	v2 =	vor.u32 $0x3B, v3;
	v57 =	vld.idx.msk [tilespmem:v0+s16+$0x0], $0xffff  }
0x35b: {  	v0 =	vor.u32 $0x37, v3;
	v1 =	vld.idx.msk [tilespmem:v1+s16+$0x0], $0xffff;
	_ =	sdelay $0x1  }
0x35c: {  	v6 =	vor.u32 $0x38, v3  }
0x35d: {  	v5 =	vld.idx.msk [tilespmem:v5+s16+$0x0], $0xffff  }
0x35e: {  	v2 =	vld.idx.msk [tilespmem:v2+s16+$0x0], $0xffff  }
0x35f: {  	v0 =	vld.idx.msk [tilespmem:v0+s16+$0x0], $0xffff;
	[tilespmem:$0x1F8F0] =	vst v1;
	v1 =	vor.u32 $0x30, v3  }
0x360: {  	v4 =	vor.u32 $0x3F, v3  }
0x361: {  	v58 =	vld.idx.msk [tilespmem:v6+s16+$0x0], $0xffff;
	v6 =	vor.u32 $0x36, v3  }
0x362: {  	[tilespmem:$0x1F8E0] =	vst v5;
	v5 =	vor.u32 $0x34, v3  }
0x363: {  	[tilespmem:$0x1F900] =	vst v2;
	v2 =	vor.u32 $0x31, v3  }
0x364: {  	[tilespmem:$0x1F920] =	vst v0;
	v0 =	vor.u32 $0x2D, v3;
	v1 =	vld.idx.msk [tilespmem:v1+s16+$0x0], $0xffff  }
0x365: {  	v60 =	vld.idx.msk [tilespmem:v4+s16+$0x0], $0xffff;
	v4 =	vor.u32 $0x35, v3  }
0x366: {  	v6 =	vld.idx.msk [tilespmem:v6+s16+$0x0], $0xffff  }
0x367: {  	v54 =	vld.idx.msk [tilespmem:v5+s16+$0x0], $0xffff  }
0x368: {  	v5 =	vor.u32 $0x32, v3;
	v2 =	vld.idx.msk [tilespmem:v2+s16+$0x0], $0xffff  }
0x369: {  	v0 =	vld.idx.msk [tilespmem:v0+s16+$0x0], $0xffff;
	[tilespmem:$0x1F930] =	vst v1;
	v1 =	vor.u32 $0x2E, v3  }
0x36a: {  	v59 =	vld.idx.msk [tilespmem:v4+s16+$0x0], $0xffff;
	v4 =	vor.u32 $0x33, v3;
	_ =	sdelay $0x1  }
0x36b: {  	[tilespmem:$0x1F910] =	vst v6;
	v6 =	vor.u32 $0x2C, v3  }
0x36c: {  	v5 =	vld.idx.msk [tilespmem:v5+s16+$0x0], $0xffff;
	[tilespmem:$0x1F940] =	vst v2;
	v2 =	vor.u32 $0x2F, v3  }
0x36d: {  	[tilespmem:$0x1F980] =	vst v0;
	v0 =	vor.u32 $0x2B, v3;
	v1 =	vld.idx.msk [tilespmem:v1+s16+$0x0], $0xffff  }
0x36e: {  	v4 =	vld.idx.msk [tilespmem:v4+s16+$0x0], $0xffff;
	_ =	sdelay $0x1  }
0x36f: {  	v6 =	vld.idx.msk [tilespmem:v6+s16+$0x0], $0xffff  }
0x370: {  	[tilespmem:$0x1F950] =	vst v5;
	v5 =	vor.u32 $0x28, v3;
	v2 =	vld.idx.msk [tilespmem:v2+s16+$0x0], $0xffff  }
0x371: {  	v0 =	vld.idx.msk [tilespmem:v0+s16+$0x0], $0xffff;
	[tilespmem:$0x1F990] =	vst v1;
	v1 =	vor.u32 $0x24, v3  }
0x372: {  	[tilespmem:$0x1F960] =	vst v4;
	v4 =	vor.u32 $0x29, v3;
	_ =	sdelay $0x1  }
0x373: {  	[tilespmem:$0x1F970] =	vst v6;
	v6 =	vor.u32 $0x2A, v3  }
0x374: {  	v5 =	vld.idx.msk [tilespmem:v5+s16+$0x0], $0xffff;
	[tilespmem:$0x1F9A0] =	vst v2;
	v2 =	vor.u32 $0x25, v3  }
0x375: {  	[tilespmem:$0x1F9E0] =	vst v0;
	v0 =	vor.u32 $0x21, v3;
	v1 =	vld.idx.msk [tilespmem:v1+s16+$0x0], $0xffff  }
0x376: {  	v4 =	vld.idx.msk [tilespmem:v4+s16+$0x0], $0xffff;
	_ =	sdelay $0x1  }
0x377: {  	v6 =	vld.idx.msk [tilespmem:v6+s16+$0x0], $0xffff  }
0x378: {  	[tilespmem:$0x1F9B0] =	vst v5;
	v5 =	vor.u32 $0x26, v3;
	v2 =	vld.idx.msk [tilespmem:v2+s16+$0x0], $0xffff  }
0x379: {  	v0 =	vld.idx.msk [tilespmem:v0+s16+$0x0], $0xffff;
	[tilespmem:$0x1F9F0] =	vst v1;
	v1 =	vor.u32 $0x22, v3  }
0x37a: {  	[tilespmem:$0x1F9C0] =	vst v4;
	v4 =	vor.u32 $0x27, v3;
	_ =	sdelay $0x1  }
0x37b: {  	[tilespmem:$0x1F9D0] =	vst v6;
	v6 =	vor.u32 $0x20, v3  }
0x37c: {  	v5 =	vld.idx.msk [tilespmem:v5+s16+$0x0], $0xffff;
	[tilespmem:$0x1FA00] =	vst v2;
	v2 =	vor.u32 $0x23, v3  }
0x37d: {  	[tilespmem:$0x1FA40] =	vst v0;
	v0 =	vor.u32 $0x1F, v3;
	v1 =	vld.idx.msk [tilespmem:v1+s16+$0x0], $0xffff  }
0x37e: {  	v4 =	vld.idx.msk [tilespmem:v4+s16+$0x0], $0xffff;
	_ =	sdelay $0x1  }
0x37f: {  	v6 =	vld.idx.msk [tilespmem:v6+s16+$0x0], $0xffff  }
0x380: {  	[tilespmem:$0x1FA10] =	vst v5;
	v5 =	vor.u32 $0x1C, v3;
	v2 =	vld.idx.msk [tilespmem:v2+s16+$0x0], $0xffff  }
0x381: {  	v0 =	vld.idx.msk [tilespmem:v0+s16+$0x0], $0xffff;
	[tilespmem:$0x1FA50] =	vst v1;
	v1 =	vor.u32 $0x18, v3  }
0x382: {  	[tilespmem:$0x1FA20] =	vst v4;
	v4 =	vor.u32 $0x1D, v3;
	_ =	sdelay $0x1  }
0x383: {  	[tilespmem:$0x1FA30] =	vst v6;
	v6 =	vor.u32 $0x1E, v3  }
0x384: {  	v5 =	vld.idx.msk [tilespmem:v5+s16+$0x0], $0xffff;
	[tilespmem:$0x1FA60] =	vst v2;
	v2 =	vor.u32 $0x19, v3  }
0x385: {  	[tilespmem:$0x1FAA0] =	vst v0;
	v0 =	vor.u32 $0x15, v3;
	v1 =	vld.idx.msk [tilespmem:v1+s16+$0x0], $0xffff  }
0x386: {  	v4 =	vld.idx.msk [tilespmem:v4+s16+$0x0], $0xffff;
	_ =	sdelay $0x1  }
0x387: {  	v6 =	vld.idx.msk [tilespmem:v6+s16+$0x0], $0xffff  }
0x388: {  	[tilespmem:$0x1FA70] =	vst v5;
	v5 =	vor.u32 $0x1A, v3;
	v2 =	vld.idx.msk [tilespmem:v2+s16+$0x0], $0xffff  }
0x389: {  	v0 =	vld.idx.msk [tilespmem:v0+s16+$0x0], $0xffff;
	[tilespmem:$0x1FAB0] =	vst v1;
	v1 =	vor.u32 $0x16, v3  }
0x38a: {  	[tilespmem:$0x1FA80] =	vst v4;
	v4 =	vor.u32 $0x1B, v3;
	_ =	sdelay $0x1  }
0x38b: {  	[tilespmem:$0x1FA90] =	vst v6;
	v6 =	vor.u32 $0x14, v3  }
0x38c: {  	v5 =	vld.idx.msk [tilespmem:v5+s16+$0x0], $0xffff;
	[tilespmem:$0x1FAC0] =	vst v2  }
0x38d: {  	v2 =	vor.u32 $0x17, v3;
	[tilespmem:$0x1FAF0] =	vst v0;
	v0 =	vld.idx.msk [tilespmem:v1+s16+$0x0], $0xffff  }
0x38e: {  	v4 =	vld.idx.msk [tilespmem:v4+s16+$0x0], $0xffff;
	_ =	sdelay $0x1  }
0x38f: {  	v61 =	vld.idx.msk [tilespmem:v6+s16+$0x0], $0xffff;
	v6 =	vor.u32 $0x12, v3  }
0x390: {  	[tilespmem:$0x1FAD0] =	vst v5  }
0x391: {  	v5 =	vor.u32 $0x10, v3;
	[tilespmem:$0x1FB00] =	vst v0;
	v0 =	vld.idx.msk [tilespmem:v2+s16+$0x0], $0xffff  }
0x392: {  	[tilespmem:$0x1FAE0] =	vst v4;
	v4 =	vor.u32 $0x11, v3  }
0x393: {  	v10 =	vor.u32 $0xA, v3  }
0x394: {  	v7 =	vor.u32 $0x13, v3;
	v2 =	vld.idx.msk [tilespmem:v6+s16+$0x0], $0xffff;
	_ =	sdelay $0x1  }
0x395: {  	[tilespmem:$0x1FB10] =	vst v0;
	v0 =	vld.idx.msk [tilespmem:v5+s16+$0x0], $0xffff;
	v5 =	vor.u32 $0xE, v3  }
0x396: {  	v63 =	vld.idx.msk [tilespmem:v4+s16+$0x0], $0xffff;
	v4 =	vor.u32 $0xF, v3  }
0x397: {  	v10 =	vld.idx.msk [tilespmem:v10+s16+$0x0], $0xffff;
	v6 =	vor.u32 $0x8, v3  }
0x398: {  	s17 =	sadd.s32 $0x10, s17;
	v1 =	vor.u32 $0xC, v3;
	[tilespmem:$0x1FB20] =	vst v2;
	v2 =	vld.idx.msk [tilespmem:v7+s16+$0x0], $0xffff  }
0x399: {  	v8 =	vor.u32 $0xD, v3;
	v14 =	vld [tilespmem:s17+$0x0]  }
0x39a: {  	v5 =	vld.idx.msk [tilespmem:v5+s16+$0x0], $0xffff  }
0x39b: {  	v4 =	vld.idx.msk [tilespmem:v4+s16+$0x0], $0xffff;
	v7 =	vor.u32 $0x9, v3  }
0x39c: {  	v9 =	vld.idx.msk [tilespmem:v6+s16+$0x0], $0xffff;
	v6 =	vor.u32 $0x5, v3  }
0x39d: {  	v12 =	vor.u32 $0x7, v3;
	[tilespmem:$0x1FB30] =	vst v2;
	v2 =	vld.idx.msk [tilespmem:v1+s16+$0x0], $0xffff  }
0x39e: {  	v1 =	vld.idx.msk [tilespmem:v8+s16+$0x0], $0xffff;
	v8 =	vor.u32 $0x4, v3  }
0x39f: {  	v25 =	vld.idx.msk [tilespmem:v3+s16+$0x0], $0xffff;
	[tilespmem:$0x1FB40] =	vst v5;
	v5 =	vor.u32 $0xB, v3  }
0x3a0: {  	v13 =	vor.u32 $0x2, v3;
	[tilespmem:$0x1FB50] =	vst v4;
	v4 =	vld.idx.msk [tilespmem:v7+s16+$0x0], $0xffff  }
0x3a1: {  	v15 =	vor.u32 $0x3, v3;
	[tilespmem:$0x1FB60] =	vst v10;
	v10 =	vld.idx.msk [tilespmem:v6+s16+$0x0], $0xffff  }
0x3a2: {  	v7 =	vor.u32 $0x6, v3;
	v6 =	vld.idx.msk [tilespmem:v12+s16+$0x0], $0xffff  }
0x3a3: {  	v11 =	vld.idx.msk [tilespmem:v8+s16+$0x0], $0xffff;
	v8 =	vshll.u32 v14, $0x6  }
0x3a4: {  	v12 =	vor.u32 $0x38, v8;
	v5 =	vld.idx.msk [tilespmem:v5+s16+$0x0], $0xffff  }
0x3a5: {  	[tilespmem:$0x1FB80] =	vst v14;
	v14 =	vld.idx.msk [tilespmem:v13+s16+$0x0], $0xffff;
	v13 =	vor.u32 $0x39, v8  }
0x3a6: {  	v15 =	vld.idx.msk [tilespmem:v15+s16+$0x0], $0xffff;
	v17 =	vor.u32 $0x34, v8  }
0x3a7: {  	v7 =	vld.idx.msk [tilespmem:v7+s16+$0x0], $0xffff;
	v19 =	vor.u32 $0x35, v8  }
0x3a8: {  	v20 =	vor.u32 $0x18, v8;
	v38 =	vld.idx.msk [tilespmem:v8+s25+$0x0], $0xffff  }
0x3a9: {  	v31 =	vld.idx.msk [tilespmem:v12+s25+$0x0], $0xffff;
	[tilespmem:$0x1FB70] =	vst v5;
	v5 =	vor.u32 $0x1, v3;
	v3 =	vor.u32 $0x3C, v8  }
0x3aa: {  	v21 =	vor.u32 $0x19, v8;
	v26 =	vld.idx.msk [tilespmem:v13+s25+$0x0], $0xffff  }
0x3ab: {  	v34 =	vld.idx.msk [tilespmem:v17+s25+$0x0], $0xffff  }
0x3ac: {  	v22 =	vor.u32 $0x14, v8;
	v28 =	vld.idx.msk [tilespmem:v19+s25+$0x0], $0xffff  }
0x3ad: {  	v23 =	vor.u32 $0x15, v8;
	v46 =	vld.idx.msk [tilespmem:v20+s25+$0x0], $0xffff  }
0x3ae: {  	v29 =	vld.idx.msk [tilespmem:v3+s25+$0x0], $0xffff;
	v3 =	vor.u32 $0x30, v8  }
0x3af: {  	v12 =	vor.u32 $0x2C, v8;
	v45 =	vld.idx.msk [tilespmem:v21+s25+$0x0], $0xffff  }
0x3b0: {  	v16 =	vld.idx.msk [tilespmem:v5+s16+$0x0], $0xffff;
	v5 =	vor.u32 $0x3D, v8  }
0x3b1: {  	v13 =	vor.u32 $0x2D, v8;
	v48 =	vld.idx.msk [tilespmem:v22+s25+$0x0], $0xffff  }
0x3b2: {  	v17 =	vor.u32 $0x28, v8;
	v47 =	vld.idx.msk [tilespmem:v23+s25+$0x0], $0xffff  }
0x3b3: {  	v35 =	vld.idx.msk [tilespmem:v3+s25+$0x0], $0xffff;
	v3 =	vor.u32 $0x24, v8  }
0x3b4: {  	v19 =	vor.u32 $0x29, v8;
	v36 =	vld.idx.msk [tilespmem:v12+s25+$0x0], $0xffff  }
0x3b5: {  	v18 =	vld.idx.msk [tilespmem:v5+s25+$0x0], $0xffff;
	v5 =	vor.u32 $0x31, v8  }
0x3b6: {  	v62 =	vor.u32 $0x33, v8;
	v12 =	vor.u32 $0x20, v8;
	v32 =	vld.idx.msk [tilespmem:v13+s25+$0x0], $0xffff  }
0x3b7: {  	v39 =	vor.u32 $0x10, v8;
	v49 =	vor.u32 $0x11, v8;
	v13 =	vor.u32 $0x21, v8;
	v37 =	vld.idx.msk [tilespmem:v17+s25+$0x0], $0xffff  }
0x3b8: {  	v50 =	vor.u32 $0xC, v8;
	v17 =	vor.u32 $0x1C, v8;
	v40 =	vld.idx.msk [tilespmem:v3+s25+$0x0], $0xffff;
	v3 =	vor.u32 $0x3E, v8  }
0x3b9: {  	v51 =	vor.u32 $0xD, v8;
	v33 =	vld.idx.msk [tilespmem:v19+s25+$0x0], $0xffff;
	v19 =	vor.u32 $0x1D, v8;
	[tilespmem:$0x1FB90] =	vst v3;
	v3 =	vor.u32 $0x3A, v8  }
0x3ba: {  	p0 =	sne.s32 s19, $0x1F0;
	v52 =	vor.u32 $0x8, v8;
	v27 =	vld.idx.msk [tilespmem:v5+s25+$0x0], $0xffff;
	v5 =	vor.u32 $0x25, v8;
	[tilespmem:$0x1FBA0] =	vst v3;
	v3 =	vor.u32 $0x3F, v8  }
.Ltmp0:
0x3bb: {  	v24 =	vor.u32 $0x1A, v8;
	v20 =	vor.u32 $0x22, v8;
	v42 =	vld.idx.msk [tilespmem:v12+s25+$0x0], $0xffff;
	[tilespmem:$0x1FBB0] =	vst v3;
	v3 =	vor.u32 $0x36, v8;
	(pc) =	sbr.rel @p0 .LBB2_2-.Ltmp0, $4  }
0x3bc: {  	v22 =	vor.u32 $0x1E, v8;
	v21 =	vor.u32 $0x23, v8;
	v41 =	vld.idx.msk [tilespmem:v13+s25+$0x0], $0xffff;
	[tilespmem:$0x1FBC0] =	vst v3;
	v3 =	vor.u32 $0x3B, v8  }
0x3bd: {  	v23 =	vor.u32 $0x1F, v8;
	v44 =	vld.idx.msk [tilespmem:v17+s25+$0x0], $0xffff;
	v12 =	vor.u32 $0x2A, v8;
	[tilespmem:$0x1FBD0] =	vst v3;
	v3 =	vor.u32 $0x32, v8  }
0x3be: {  	v43 =	vld.idx.msk [tilespmem:v19+s25+$0x0], $0xffff;
	v17 =	vor.u32 $0x26, v8;
	v13 =	vor.u32 $0x2B, v8;
	[tilespmem:$0x1FBE0] =	vst v3;
	v3 =	vor.u32 $0x37, v8  }
0x3bf: {  	s19 =	sadd.s32 $0x10, s19;
	v19 =	vor.u32 $0x27, v8;
	v30 =	vld.idx.msk [tilespmem:v5+s25+$0x0], $0xffff;
	v5 =	vor.u32 $0x2F, v8;
	[tilespmem:$0x1FBF0] =	vst v3;
	v3 =	vor.u32 $0x2E, v8  }
0x3c0: {  	_ =	sdelay $0x3  }
0x3c1: {  	v39 =	vld.idx.msk [tilespmem:v39+s25+$0x0], $0xffff  }
0x3c2: {  	v49 =	vld.idx.msk [tilespmem:v49+s25+$0x0], $0xffff  }
0x3c3: {  	v38 =	vmul.f32 v38, v25;
	v25 =	vmul.f32 v18, v55;
	v55 =	vld [tilespmem:$0x1F930]  }
0x3c4: {  	v50 =	vld.idx.msk [tilespmem:v50+s25+$0x0], $0xffff  }
0x3c5: {  	v53 =	vmul.f32 v29, v56;
	v56 =	vld [tilespmem:$0x1F970]  }
0x3c6: {  	v18 =	vmul.f32 v26, v57;
	v57 =	vld [tilespmem:$0x1F940]  }
0x3c7: {  	v29 =	vmul.f32 v31, v58;
	v58 =	vld [tilespmem:$0x1F9B0]  }
0x3c8: {  	v26 =	vmul.f32 v28, v59;
	v59 =	vld [tilespmem:$0x1FA40]  }
0x3c9: {  	v48 =	vmul.f32 v48, v61;
	v61 =	vld [tilespmem:$0x1FAC0]  }
0x3ca: {  	v19 =	vld.idx.msk [tilespmem:v19+s25+$0x0], $0xffff  }
0x3cb: {  	v3 =	vld.idx.msk [tilespmem:v3+s25+$0x0], $0xffff  }
0x3cc: {  	v34 =	vmul.f32 v34, v54;
	v54 =	vor.u32 $0x4, v8;
	v5 =	vld.idx.msk [tilespmem:v5+s25+$0x0], $0xffff  }
0x3cd: {  	v28 =	vmul.f32 v36, v56;
	v36 =	vld.idx.msk [tilespmem:v51+s25+$0x0], $0xffff  }
0x3ce: {  	v31 =	vmul.f32 v35, v55;
	v35 =	vmul.f32 v37, v58;
	v37 =	vld.idx.msk [tilespmem:v52+s25+$0x0], $0xffff  }
0x3cf: {  	v56 =	vld [tilespmem:$0x1F980]  }
0x3d0: {  	[tilespmem:$0x1F720] =	vst v53;
	v53 =	vor.u32 $0x9, v8;
	v27 =	vmul.f32 v27, v57;
	v57 =	vld [tilespmem:$0x1F9C0]  }
0x3d1: {  	v54 =	vld.idx.msk [tilespmem:v54+s25+$0x0], $0xffff  }
0x3d2: {  	v58 =	vld [tilespmem:$0x1FA00]  }
0x3d3: {  	v41 =	vmul.f32 v41, v59;
	v59 =	vld [tilespmem:$0x1FAB0]  }
0x3d4: {  	v55 =	vor.u32 $0x5, v8;
	v45 =	vmul.f32 v45, v61;
	v61 =	vld [tilespmem:$0x1FAF0]  }
0x3d5: {  	v51 =	vor.u32 $0x1, v8;
	v53 =	vld.idx.msk [tilespmem:v53+s25+$0x0], $0xffff  }
0x3d6: {  	v32 =	vmul.f32 v32, v56;
	v56 =	vld [tilespmem:$0x1F9F0]  }
0x3d7: {  	v52 =	vor.u32 $0x2, v8;
	v33 =	vmul.f32 v33, v57;
	v57 =	vld [tilespmem:$0x1FA30]  }
0x3d8: {  	v49 =	vmul.f32 v49, v63;
	v63 =	vor.u32 $0x17, v8;
	v30 =	vmul.f32 v30, v58;
	v58 =	vld [tilespmem:$0x1FA70]  }
0x3d9: {  	v55 =	vld.idx.msk [tilespmem:v55+s25+$0x0], $0xffff  }
0x3da: {  	v51 =	vld.idx.msk [tilespmem:v51+s25+$0x0], $0xffff  }
0x3db: {  	v46 =	vmul.f32 v46, v59;
	v59 =	vld [tilespmem:$0x1FA80];
	v1 =	vmul.f32 v36, v1;
	v36 =	vor.u32 $0x12, v8  }
0x3dc: {  	v38 =	vadd.f32 $0.0e+00, v38;
	v52 =	vld.idx.msk [tilespmem:v52+s25+$0x0], $0xffff;
	v11 =	vmul.f32 v54, v11  }
0x3dd: {  	v9 =	vmul.f32 v37, v9;
	v63 =	vld.idx.msk [tilespmem:v63+s25+$0x0], $0xffff;
	v40 =	vmul.f32 v40, v56;
	v56 =	vor.u32 $0x3, v8  }
0x3de: {  	v54 =	vld [tilespmem:$0x1FB00];
	v11 =	vadd.f32 v11, v38;
	v42 =	vmul.f32 v42, v57;
	v57 =	vor.u32 $0x6, v8  }
0x3df: {  	v2 =	vmul.f32 v50, v2;
	v38 =	vld [tilespmem:$0x1FBE0];
	v44 =	vmul.f32 v44, v58;
	v58 =	vor.u32 $0x7, v8  }
0x3e0: {  	v9 =	vadd.f32 v9, v11;
	v43 =	vmul.f32 v43, v59;
	v59 =	vor.u32 $0xA, v8;
	v36 =	vld.idx.msk [tilespmem:v36+s25+$0x0], $0xffff  }
0x3e1: {  	v10 =	vmul.f32 v55, v10;
	v14 =	vmul.f32 v52, v14;
	v55 =	vor.u32 $0x1B, v8;
	v52 =	vld [tilespmem:$0x1FB30]  }
0x3e2: {  	v0 =	vmul.f32 v39, v0;
	v39 =	vld.idx.msk [tilespmem:v56+s25+$0x0], $0xffff  }
0x3e3: {  	v2 =	vadd.f32 v2, v9;
	v50 =	vld.idx.msk [tilespmem:v57+s25+$0x0], $0xffff  }
0x3e4: {  	v47 =	vmul.f32 v47, v61;
	v61 =	vor.u32 $0x16, v8;
	v4 =	vmul.f32 v53, v4;
	v37 =	vld.idx.msk [tilespmem:v58+s25+$0x0], $0xffff  }
0x3e5: {  	v53 =	vor.u32 $0x13, v8;
	v16 =	vmul.f32 v51, v16;
	v0 =	vadd.f32 v0, v2;
	v51 =	vld.idx.msk [tilespmem:v59+s25+$0x0], $0xffff  }
0x3e6: {  	v56 =	vor.u32 $0xB, v8;
	v57 =	vor.u32 $0xE, v8;
	v58 =	vor.u32 $0xF, v8;
	v8 =	vld.idx.msk [tilespmem:v55+s25+$0x0], $0xffff  }
0x3e7: {  	v55 =	vld.idx.msk [tilespmem:v23+s25+$0x0], $0xffff;
	v0 =	vadd.f32 v48, v0  }
0x3e8: {  	v23 =	vld.idx.msk [tilespmem:v13+s25+$0x0], $0xffff  }
0x3e9: {  	v48 =	vld [tilespmem:$0x1FBD0];
	v0 =	vadd.f32 v46, v0  }
0x3ea: {  	v46 =	vld [tilespmem:$0x1FBA0]  }
0x3eb: {  	v0 =	vadd.f32 v44, v0;
	v44 =	vld [tilespmem:$0x1FBF0]  }
0x3ec: {  	v59 =	vld.idx.msk [tilespmem:v56+s25+$0x0], $0xffff  }
0x3ed: {  	v16 =	vadd.f32 $0.0e+00, v16;
	v15 =	vmul.f32 v39, v15;
	v39 =	vld.idx.msk [tilespmem:v57+s25+$0x0], $0xffff  }
0x3ee: {  	v6 =	vmul.f32 v37, v6;
	v37 =	vld.idx.msk [tilespmem:v58+s25+$0x0], $0xffff  }
0x3ef: {  	v10 =	vadd.f32 v10, v16;
	v56 =	vld [tilespmem:$0x1FB60]  }
0x3f0: {  	v57 =	vld.idx.msk [tilespmem:v53+s25+$0x0], $0xffff  }
0x3f1: {  	v4 =	vadd.f32 v4, v10;
	v58 =	vld [tilespmem:$0x1FB70]  }
0x3f2: {  	v7 =	vmul.f32 v50, v7;
	v50 =	vld.idx.msk [tilespmem:v24+s25+$0x0], $0xffff  }
0x3f3: {  	v1 =	vadd.f32 v1, v4;
	v53 =	vld.idx.msk [tilespmem:v22+s25+$0x0], $0xffff  }
0x3f4: {  	v22 =	vld [tilespmem:$0x1FA50]  }
0x3f5: {  	v1 =	vadd.f32 v49, v1;
	v24 =	vld [tilespmem:$0x1FA60]  }
0x3f6: {  	v0 =	vadd.f32 v42, v0;
	v42 =	vld [tilespmem:$0x1FBC0]  }
0x3f7: {  	v1 =	vadd.f32 v47, v1;
	v47 =	vld [tilespmem:$0x1F950]  }
0x3f8: {  	v14 =	vadd.f32 $0.0e+00, v14;
	v0 =	vadd.f32 v40, v0;
	v40 =	vld.idx.msk [tilespmem:v62+s25+$0x0], $0xffff  }
0x3f9: {  	v1 =	vadd.f32 v45, v1;
	v45 =	vld [tilespmem:$0x1F9A0]  }
0x3fa: {  	v7 =	vadd.f32 v7, v14;
	v14 =	vmul.f32 v59, v58;
	v59 =	vld.idx.msk [tilespmem:v61+s25+$0x0], $0xffff  }
0x3fb: {  	v61 =	vld [tilespmem:$0x1FB40]  }
0x3fc: {  	v16 =	vmul.f32 v51, v56;
	v51 =	vld [tilespmem:$0x1FB20]  }
0x3fd: {  	v56 =	vld [tilespmem:$0x1FB10]  }
0x3fe: {  	v9 =	vmul.f32 v57, v52;
	v57 =	vld.idx.msk [tilespmem:v20+s25+$0x0], $0xffff  }
0x3ff: {  	v58 =	vld [tilespmem:$0x1FAD0]  }
0x400: {  	v20 =	vld [tilespmem:$0x1FAA0]  }
0x401: {  	v52 =	vld [tilespmem:$0x1F910]  }
0x402: {  	v10 =	vmul.f32 v39, v61;
	v39 =	vld [tilespmem:$0x1FB50]  }
0x403: {  	v15 =	vadd.f32 $0.0e+00, v15;
	v1 =	vadd.f32 v43, v1;
	v43 =	vld [tilespmem:$0x1F990]  }
0x404: {  	v7 =	vadd.f32 v16, v7;
	v16 =	vld.idx.msk [tilespmem:v17+s25+$0x0], $0xffff  }
0x405: {  	v6 =	vadd.f32 v6, v15;
	v17 =	vld [tilespmem:$0x1FA90]  }
0x406: {  	v1 =	vadd.f32 v41, v1;
	v41 =	vld [tilespmem:$0x1F9E0];
	v4 =	vmul.f32 v36, v51;
	v7 =	vadd.f32 v10, v7  }
0x407: {  	v6 =	vadd.f32 v14, v6;
	v2 =	vmul.f32 v59, v54;
	v59 =	vld.idx.msk [tilespmem:v21+s25+$0x0], $0xffff;
	v14 =	vmul.f32 v37, v39  }
0x408: {  	v4 =	vadd.f32 v4, v7;
	v7 =	vmul.f32 v63, v56;
	v63 =	vld [tilespmem:$0x1FAE0]  }
0x409: {  	v21 =	vld.idx.msk [tilespmem:v12+s25+$0x0], $0xffff;
	v6 =	vadd.f32 v14, v6  }
0x40a: {  	v36 =	vld [tilespmem:$0x1FA10]  }
0x40b: {  	v11 =	vmul.f32 v50, v58;
	v50 =	vld [tilespmem:$0x1F960];
	v6 =	vadd.f32 v9, v6  }
0x40c: {  	v51 =	vld [tilespmem:$0x1FB90];
	v2 =	vadd.f32 v2, v4  }
0x40d: {  	v54 =	vld [tilespmem:$0x1F920];
	v61 =	vadd.f32 v7, v6;
	v6 =	vmul.f32 v8, v63  }
0x40e: {  	v37 =	vld [tilespmem:$0x1FA20];
	v2 =	vadd.f32 v11, v2;
	v8 =	vmul.f32 v53, v17  }
0x40f: {  	v39 =	vld [tilespmem:$0x1F9D0];
	v4 =	vadd.f32 v6, v61;
	v6 =	vmul.f32 v55, v20  }
0x410: {  	v56 =	vld [tilespmem:$0x1F900];
	v9 =	vmul.f32 v57, v22;
	v2 =	vadd.f32 v8, v2  }
0x411: {  	v53 =	vld [tilespmem:$0x1FBB0];
	v4 =	vadd.f32 v6, v4;
	v6 =	vmul.f32 v59, v24  }
0x412: {  	v11 =	vld.idx.msk [tilespmem:v44+s25+$0x0], $0xffff;
	v7 =	vmul.f32 v16, v36;
	v2 =	vadd.f32 v9, v2  }
0x413: {  	v8 =	vld.idx.msk [tilespmem:v38+s25+$0x0], $0xffff;
	v4 =	vadd.f32 v6, v4;
	v6 =	vmul.f32 v19, v37  }
0x414: {  	v1 =	vadd.f32 v30, v1;
	v57 =	vld [tilespmem:$0x1F8E0];
	v9 =	vmul.f32 v21, v39;
	v2 =	vadd.f32 v7, v2  }
0x415: {  	v0 =	vadd.f32 v35, v0;
	v7 =	vld.idx.msk [tilespmem:v42+s25+$0x0], $0xffff;
	v4 =	vadd.f32 v6, v4;
	v6 =	vmul.f32 v23, v41  }
0x416: {  	v3 =	vmul.f32 v3, v43;
	v1 =	vadd.f32 v33, v1;
	v55 =	vld [tilespmem:$0x1F8F0];
	v2 =	vadd.f32 v9, v2  }
0x417: {  	v0 =	vadd.f32 v28, v0;
	v5 =	vmul.f32 v5, v45;
	v9 =	vld.idx.msk [tilespmem:v48+s25+$0x0], $0xffff;
	v4 =	vadd.f32 v6, v4  }
0x418: {  	v1 =	vadd.f32 v32, v1;
	v8 =	vmul.f32 v8, v47;
	v6 =	vld.idx.msk [tilespmem:v46+s25+$0x0], $0xffff;
	v2 =	vadd.f32 v3, v2  }
0x419: {  	v0 =	vadd.f32 v31, v0;
	v10 =	vld.idx.msk [tilespmem:v53+s25+$0x0], $0xffff;
	v49 =	vadd.f32 v5, v4;
	v4 =	vmul.f32 v40, v50  }
0x41a: {  	v1 =	vadd.f32 v27, v1;
	v7 =	vmul.f32 v7, v52;
	v5 =	vld.idx.msk [tilespmem:v51+s25+$0x0], $0xffff;
	v2 =	vadd.f32 v8, v2  }
0x41b: {  	v0 =	vadd.f32 v34, v0;
	v59 =	vld [tilespmem:$0x1F720];
	v3 =	vadd.f32 v4, v49;
	v4 =	vmul.f32 v11, v54  }
0x41c: {  	v1 =	vadd.f32 v26, v1;
	v61 =	vld [tilespmem:$0x1FB80];
	v2 =	vadd.f32 v7, v2  }
0x41d: {  	v6 =	vmul.f32 v6, v55;
	v3 =	vadd.f32 v4, v3;
	v4 =	vmul.f32 v9, v56  }
0x41e: {  	v0 =	vadd.f32 v29, v0;
	v1 =	vadd.f32 v18, v1;
	v58 =	vmul.f32 v10, v60  }
0x41f: {  	v5 =	vmul.f32 v5, v57;
	v2 =	vadd.f32 v6, v2;
	v3 =	vadd.f32 v4, v3  }
0x420: {  	v1 =	vadd.f32 v25, v1;
	v0 =	vadd.f32 v59, v0  }
0x421: {  	v2 =	vadd.f32 v5, v2;
	v3 =	vadd.f32 v58, v3  }
0x422: {  	v63 =	vld [tilespmem:$0x1F8C0]  }
0x423: {  	v0 =	vadd.f32 v1, v0;
	v60 =	vadd.f32 v3, v2  }
0x424: {  	v2 =	vld.idx.msk [tilespmem:v61+s4+$0x0], $0xffff  }
0x425: {  	s2 =	sadd.s32 $0x10, s2;
	v0 =	vadd.f32 v60, v0  }
0x426: {  	v62 =	vld [tilespmem:s2+$0x0]  }
0x427: {  	v0 =	vmul.f32 v0, v63;
	_ =	sdelay $0x1  }
0x428: {  	v0 =	vadd.f32 v0, v2;
	_ =	sdelay $0x1  }
0x429: {  	s1 =	sadd.s32 $0x1, s1;
	v0 =	vadd.f32 v0, v62  }
0x42a: {  	s19 =	sadd.s32 $0x10, s3;
	p0 =	sne.s32 s1, s13  }
.Ltmp1:
0x42b: {  	[tilespmem:s19+$0x0] =	vst v0;
	(pc) =	sbr.rel @p0 .LBB2_1-.Ltmp1, $4  }
0x42c: {  	[hbm4b:s12+s5] =	stream.linear.scatter [tilespmem:s7], [sflag:$0x2], $0x200, $0x38;
	[tilespmem:$0xA910] =	vst v63  }
0x42d: {  	_ =	swait.ge [sflag:s14], $0x200  }
0x42e: {  	[sflag:s14] =	ssyncset.done $0x0  }
0x42f: {  	[sflag:s14] =	ssyncadd.s32 $0xFFFFFE00  }
0x430: {  	_ =	sfence.sel $0x180000  }
0x431: {  	[bflag:$0x0] =	sbarrier.arrive $0xFFFF  }
0x432: {  	_ =	strace $0x90000047  }
0x433: {  	s0 =	stileid.u32;
	[bflag:$0x2] =	sbarrier.arrive $0xFFFF  }
0x434: {  	p0 =	sne.s32 s0, $0x0;
	s0 =	rddreg [dreg:$0x8]  }
0x435: {  	s0 =	sadd.s32 @!p0 $0x100000, s0  }
0x436: {  	[sflag:s0] =	ssyncadd.tile.s32 @!p0 $0x1;
	_ =	shalt  }
.Lfunc_end2:
_tile_overlayer_lowered:
.L_overlay_start_2:
0x437: {  	(tag) =	ssettag $0x2  }
0x438: {  	s0 =	rddreg [dreg:$0x0];
	s2 =	stileid.u32  }
0x439: {  	s1 =	rddreg [dreg:$0x1];
	p0 =	sne.s32 s2, $0x0  }
0x43a: {  	s3 =	rddreg [dreg:$0x2];
	[bflag:$0x3] =	sbarrier.arrive $0xFFFF;
	s2 =	simm.s32 @!p0 $0x1C02  }
0x43b: {  	[timem:s3], [sflag:s2] =	dma.local @!p0 [hbm:s0], s1  }
0x43c: {  	s0 =	simm.s32 @!p0 $0x2  }
0x43d: {  	_ =	swait.ge @!p0 [sflag:s0], s1  }
0x43e: {  	s1 =	ssub.s32 @!p0 $0x0, s1;
	[sflag:s0] =	ssyncset.done @!p0 $0x0  }
0x43f: {  	[sflag:s0] =	ssyncadd.s32 @!p0 s1  }
0x440: {  	[bflag:$0x3] =	sbarrier.arrive $0xFFFF  }
0x441: {  	_ =	shalt  }

</sc_bundles>
